<compile_context>
chip_gen: v7x
topology: tpu7x:2x2x1
jax: 0.10.2.dev20260603
libtpu: 0.0.44.dev20260713+nightly
codegen_flags: <defaults>
</compile_context>

<pallas_src>
import functools

import jax
import jax.numpy as jnp
from jax import lax
from jax.experimental import pallas as pl
from jax.experimental.pallas import tpu as pltpu
from jax.experimental.pallas import tpu_sc as plsc

N_NODES = 10000
D_FEAT = 256
N_EDGES = 160000
DT = 128
DP = 32
NC, NS = 2, 16
NW = NC * NS
E_PAD = 163840
CHUNK = 128
N0, N1 = 40, 40
NMAX = max(N0, N1)
IDX_PRELOAD = NMAX * CHUNK
BE = 2000



def _proj_body(x_ref, w_ref, b_ref, o_ref):
    xw = lax.dot_general(x_ref[...], w_ref[...],
                         (((1,), (0,)), ((), ())),
                         precision=lax.Precision.HIGHEST,
                         preferred_element_type=jnp.float32)
    o_ref[...] = xw + b_ref[...]


def _node_proj(x, ws, bs):
    return pl.pallas_call(
        _proj_body,
        grid=(10,),
        in_specs=[
            pl.BlockSpec((1000, D_FEAT), lambda i: (i, 0)),
            pl.BlockSpec((D_FEAT, DT), lambda i: (0, 0)),
            pl.BlockSpec((1, DT), lambda i: (0, 0)),
        ],
        out_specs=pl.BlockSpec((1000, DT), lambda i: (i, 0)),
        out_shape=jax.ShapeDtypeStruct((N_NODES, DT), jnp.float32),
    )(x, ws, bs)



def _gather_add(table, src, dst):
    mesh = plsc.VectorSubcoreMesh(core_axis_name="c", subcore_axis_name="s")

    @functools.partial(
        pl.kernel, mesh=mesh,
        out_type=jax.ShapeDtypeStruct((E_PAD * DP,), jnp.float32),
        scratch_types=[
            pltpu.VMEM((IDX_PRELOAD,), jnp.int32),
            pltpu.VMEM((IDX_PRELOAD,), jnp.int32),
            pltpu.VMEM((2, CHUNK, DT), jnp.float32),
            pltpu.VMEM((2, CHUNK, DT), jnp.float32),
            pltpu.VMEM((2, CHUNK * DP), jnp.float32),
            pltpu.SemaphoreType.DMA,
            pltpu.SemaphoreType.DMA,
            pltpu.SemaphoreType.DMA,
            pltpu.SemaphoreType.DMA,
            pltpu.SemaphoreType.DMA,
        ],
    )
    def k(table_hbm, src_hbm, dst_hbm, out_hbm,
          si_v, di_v, rows_s, rows_d, out_v, sem_i, sem_g0, sem_g1,
          sem_w0, sem_w1):
        ci = lax.axis_index("c")
        s = lax.axis_index("s")
        my_n = jnp.where(ci == 0, N0, N1)
        base_chunk = jnp.where(ci == 0, s * N0, 16 * N0 + s * N1)
        base = base_chunk * CHUNK
        CB = CHUNK * DP
        sem_g = (sem_g0, sem_g1)
        sem_w = (sem_w0, sem_w1)

        cp_si = pltpu.async_copy(src_hbm.at[pl.ds(base, IDX_PRELOAD)], si_v, sem_i)
        cp_di = pltpu.async_copy(dst_hbm.at[pl.ds(base, IDX_PRELOAD)], di_v, sem_i)
        cp_si.wait()
        cp_di.wait()

        def issue(c, b):
            isl = pl.ds(c * CHUNK, CHUNK)
            pltpu.async_copy(table_hbm.at[si_v.at[isl]], rows_s.at[b], sem_g[b])
            pltpu.async_copy(table_hbm.at[di_v.at[isl]], rows_d.at[b], sem_g[b])

        def wait_gathers(b):
            pltpu.make_async_copy(table_hbm.at[si_v.at[pl.ds(0, CHUNK)]],
                                  rows_s.at[b], sem_g[b]).wait()
            pltpu.make_async_copy(table_hbm.at[di_v.at[pl.ds(0, CHUNK)]],
                                  rows_d.at[b], sem_g[b]).wait()

        def add_and_write(c, b):
            @pl.loop(0, CHUNK, step=8)
            def _(r0):
                f0 = r0 * DP
                for u in range(8):
                    for j in (0, 16):
                        out_v.at[b, pl.ds(f0 + u * DP + j, 16)][...] = (
                            rows_s.at[b, pl.ds(r0 + u, 1), pl.ds(j, 16)][...]
                            + rows_d.at[b, pl.ds(r0 + u, 1), pl.ds(32 + j, 16)][...])[0]

            @pl.when(c >= 2)
            def _():
                pltpu.make_async_copy(
                    out_v.at[b], out_hbm.at[pl.ds(base * DP, CB)], sem_w[b]).wait()
            pltpu.async_copy(out_v.at[b],
                             out_hbm.at[pl.ds((base + c * CHUNK) * DP, CB)], sem_w[b])

        issue(0, 0)

        @pl.loop(0, my_n, step=2)
        def _(c):
            issue(c + 1, 1)
            wait_gathers(0)
            add_and_write(c, 0)

            @pl.when(c + 2 < my_n)
            def _():
                issue(c + 2, 0)
            wait_gathers(1)
            add_and_write(c + 1, 1)

        pltpu.make_async_copy(out_v.at[0], out_hbm.at[pl.ds(base * DP, CB)],
                              sem_w[0]).wait()
        pltpu.make_async_copy(out_v.at[1], out_hbm.at[pl.ds(base * DP, CB)],
                              sem_w[1]).wait()

    return k(table, src, dst)



def _leaky(v):
    return jnp.where(v >= 0, v, 0.1 * v)


def _mlp_body(e_ref, w8_ref, b8_ref, w81_ref, b81_ref, w82_ref, b82_ref,
              w9_ref, b9_ref, g_ref, o_ref):
    dn = (((1,), (0,)), ((), ()))
    h = _leaky(e_ref[...])
    h = _leaky(lax.dot_general(h, w8_ref[...], dn,
                               preferred_element_type=jnp.float32) + b8_ref[...])
    h = _leaky(lax.dot_general(h, w81_ref[...], dn,
                               preferred_element_type=jnp.float32) + b81_ref[...])
    h = _leaky(lax.dot_general(h, w82_ref[...], dn,
                               preferred_element_type=jnp.float32) + b82_ref[...])
    z = lax.dot_general(h, w9_ref[...], dn,
                        preferred_element_type=jnp.float32) + b9_ref[...]
    ez = jnp.exp(z)
    s = lax.dot_general(ez, g_ref[...], dn, preferred_element_type=jnp.float32)
    o_ref[...] = ez / s


def _mlp(e0, w8bd, b8t, w81bd, b81t, w82bd, b82t, w9bd, b9t, g16):
    full = lambda shape: pl.BlockSpec(shape, lambda i: tuple(0 for _ in shape))
    return pl.pallas_call(
        _mlp_body,
        grid=(N_EDGES // 4 // BE,),
        in_specs=[
            pl.BlockSpec((BE, DT), lambda i: (i, 0)),
            full((DT, 64)), full((1, 64)),
            full((64, 64)), full((1, 64)),
            full((64, 32)), full((1, 32)),
            full((32, 16)), full((1, 16)),
            full((16, 16)),
        ],
        out_specs=pl.BlockSpec((BE, 16), lambda i: (i, 0)),
        out_shape=jax.ShapeDtypeStruct((N_EDGES // 4, 16), jnp.float32),
    )(e0, w8bd, b8t, w81bd, b81t, w82bd, b82t, w9bd, b9t, g16)



def kernel(x, edge_index, W7, b7, W8, b8, W81, b81, W82, b82, W9, b9):
    W7a = W7[:D_FEAT]
    W7b = W7[D_FEAT:]
    ws = jnp.zeros((D_FEAT, DT), jnp.float32)
    ws = ws.at[:, :20].set(W7b)
    ws = ws.at[:, 32:52].set(W7a - W7b)
    bs = jnp.zeros((1, DT), jnp.float32).at[0, 32:52].set(b7)

    table = _node_proj(x, ws, bs)

    pad = ((0, E_PAD + IDX_PRELOAD - N_EDGES),)
    src = jnp.pad(edge_index[0], pad)
    dst = jnp.pad(edge_index[1], pad)

    e0 = _gather_add(table, src, dst)
    e0 = e0.reshape(E_PAD // 4, DT)

    w8bd = jnp.zeros((DT, 64), jnp.float32)
    w81bd = jnp.zeros((64, 64), jnp.float32)
    w82bd = jnp.zeros((64, 32), jnp.float32)
    w9bd = jnp.zeros((32, 16), jnp.float32)
    g16 = jnp.zeros((16, 16), jnp.float32)
    for g in range(4):
        w8bd = w8bd.at[g * 32:g * 32 + 20, g * 16:g * 16 + 10].set(W8)
        w81bd = w81bd.at[g * 16:g * 16 + 10, g * 16:g * 16 + 10].set(W81)
        w82bd = w82bd.at[g * 16:g * 16 + 10, g * 8:g * 8 + 5].set(W82)
        w9bd = w9bd.at[g * 8:g * 8 + 5, g * 4:g * 4 + 4].set(W9)
        g16 = g16.at[g * 4:g * 4 + 4, g * 4:g * 4 + 4].set(jnp.ones((4, 4)))
    b8t = jnp.tile(jnp.zeros((16,), jnp.float32).at[:10].set(b8), 4)[None, :]
    b81t = jnp.tile(jnp.zeros((16,), jnp.float32).at[:10].set(b81), 4)[None, :]
    b82t = jnp.tile(jnp.zeros((8,), jnp.float32).at[:5].set(b82), 4)[None, :]
    b9t = jnp.tile(b9, 4)[None, :]

    out = _mlp(e0, w8bd, b8t, w81bd, b81t, w82bd, b82t, w9bd, b9t, g16)
    return out.reshape(N_EDGES, 4)

# --- scband reference (transcript-rebuilt; emitter-appended) ---
"""Pipeline reference for scband-gcn-edge-conv-net3-31593779430171 (READ-ONLY COPY).

The authoritative reference and input builder live on the scoring server;
editing this copy changes nothing except your own understanding.
"""

import jax, jax.numpy as jnp
import numpy as np

N_NODES = 10000
D_FEAT = 256
N_EDGES = 160000
N_EDGE_CLASSES = 4

def _lin_init(key, fan_in, fan_out):
    return (jax.random.normal(key, (fan_in, fan_out), dtype=jnp.float32) / np.sqrt(fan_in)).astype(jnp.float32)

def setup_inputs(seed: int = 0) -> dict:
    key = jax.random.key(seed)
    ks = jax.random.split(key, 8)
    x = jax.random.normal(ks[0], (N_NODES, D_FEAT), dtype=jnp.float32)
    edge_index = jax.random.randint(ks[1], (2, N_EDGES), 0, N_NODES, dtype=jnp.int32)
    # EdgeConvNoEdge: linear over concat([x_dst, x_src - x_dst]) -> 20
    W7 = _lin_init(ks[2], 2 * D_FEAT, 20); b7 = jnp.zeros((20,), jnp.float32)
    W8 = _lin_init(ks[3], 20, 10);        b8 = jnp.zeros((10,), jnp.float32)
    W81 = _lin_init(ks[4], 10, 10);       b81 = jnp.zeros((10,), jnp.float32)
    W82 = _lin_init(ks[5], 10, 5);        b82 = jnp.zeros((5,), jnp.float32)
    W9 = _lin_init(ks[6], 5, N_EDGE_CLASSES); b9 = jnp.zeros((N_EDGE_CLASSES,), jnp.float32)
    return {"x": x, "edge_index": edge_index,
            "W7": W7, "b7": b7, "W8": W8, "b8": b8,
            "W81": W81, "b81": b81, "W82": W82, "b82": b82,
            "W9": W9, "b9": b9}

def _leaky_relu(v):
    return jnp.where(v >= 0, v, 0.1 * v)

def reference(x, edge_index, W7, b7, W8, b8, W81, b81, W82, b82, W9, b9):
    src = edge_index[0]
    dst = edge_index[1]
    # EdgeConvNoEdge: per-edge features from concat([x_dst, x_src - x_dst]) (classic EdgeConv parametrization, no edge attrs)
    x_src = jnp.take(x, src, axis=0)
    x_dst = jnp.take(x, dst, axis=0)
    tt = jnp.concatenate([x_dst, x_src - x_dst], axis=-1)  # [E, 2*D]
    e = tt @ W7 + b7
    e = _leaky_relu(e)
    e = _leaky_relu(e @ W8 + b8)
    e = _leaky_relu(e @ W81 + b81)
    e = _leaky_relu(e @ W82 + b82)
    e = e @ W9 + b9
    # softmax=True branch: return softmax over classes
    return jax.nn.softmax(e, axis=-1)

if __name__ == "__main__":
    import jax
    _d = setup_inputs()
    print(jax.jit(kernel)(*tuple(_d.values())))

</pallas_src>

<mosaic_0001>
#map = affine_map<(d0, d1) -> (0, 0)>
#map1 = affine_map<(d0, d1) -> (0)>
module attributes {stable_mosaic.version = 14 : i64} {
  func.func @k(%arg0: i32, %arg1: i32, %arg2: memref<10000x128xf32, #tpu.memory_space<hbm>>, %arg3: memref<168960xi32, #tpu.memory_space<hbm>>, %arg4: memref<168960xi32, #tpu.memory_space<hbm>>, %arg5: memref<5242880xf32, #tpu.memory_space<hbm>>, %arg6: memref<5120xi32, #tpu.memory_space<vmem>>, %arg7: memref<5120xi32, #tpu.memory_space<vmem>>, %arg8: memref<2x128x128xf32, #tpu.memory_space<vmem>>, %arg9: memref<2x128x128xf32, #tpu.memory_space<vmem>>, %arg10: memref<2x4096xf32, #tpu.memory_space<vmem>>, %arg11: memref<!tpu.dma_semaphore, #tpu.memory_space<semaphore_mem>>, %arg12: memref<!tpu.dma_semaphore, #tpu.memory_space<semaphore_mem>>, %arg13: memref<!tpu.dma_semaphore, #tpu.memory_space<semaphore_mem>>, %arg14: memref<!tpu.dma_semaphore, #tpu.memory_space<semaphore_mem>>, %arg15: memref<!tpu.dma_semaphore, #tpu.memory_space<semaphore_mem>>) attributes {dimension_semantics = [#tpu.dimension_semantics<core_parallel>, #tpu.dimension_semantics<subcore_parallel>], iteration_bounds = array<i64: 2, 16>, scalar_prefetch = 0 : i64, scratch_operands = 10 : i64, tpu.core_type = #tpu.core_type<sc_vector_subcore>, window_params = [{transform_indices = #map}, {transform_indices = #map1}, {transform_indices = #map1}, {transform_indices = #map1}]} {
    %eq3A = arith.constant 0 : i32
    %eq3A_0 = arith.cmpi eq, %arg0, %eq3A : i32
    %jit3A = arith.constant 40 : i32
    %jit3A_1 = arith.constant 40 : i32
    %select_n3A = arith.select %eq3A_0, %jit3A, %jit3A_1 : i32
    %eq3A_2 = arith.constant 0 : i32
    %eq3A_3 = arith.cmpi eq, %arg0, %eq3A_2 : i32
    %mul3A = arith.constant 40 : i32
    %mul3A_4 = arith.muli %arg1, %mul3A : i32
    %mul3A_5 = arith.constant 40 : i32
    %mul3A_6 = arith.muli %arg1, %mul3A_5 : i32
    %add3A = arith.constant 640 : i32
    %add3A_7 = arith.addi %add3A, %mul3A_6 : i32
    %select_n3A_8 = arith.select %eq3A_3, %mul3A_4, %add3A_7 : i32
    %mul3A_9 = arith.constant 128 : i32
    %mul3A_10 = arith.muli %select_n3A_8, %mul3A_9 : i32
    %dma_start3A = tpu.memref_slice %arg3[%mul3A_10] : memref<168960xi32, #tpu.memory_space<hbm>> -> memref<5120xi32, #tpu.memory_space<hbm>>
    %dma_start3A_11 = tpu.memref_slice %arg3[%mul3A_10] : memref<168960xi32, #tpu.memory_space<hbm>> -> memref<5120xi32, #tpu.memory_space<hbm>>
    tpu.enqueue_dma source(%dma_start3A_11 : memref<5120xi32, #tpu.memory_space<hbm>>) target(%arg6 : memref<5120xi32, #tpu.memory_space<vmem>>) target_semaphore(%arg11 : memref<!tpu.dma_semaphore, #tpu.memory_space<semaphore_mem>>)
    %dma_start3A_12 = tpu.memref_slice %arg4[%mul3A_10] : memref<168960xi32, #tpu.memory_space<hbm>> -> memref<5120xi32, #tpu.memory_space<hbm>>
    %dma_start3A_13 = tpu.memref_slice %arg4[%mul3A_10] : memref<168960xi32, #tpu.memory_space<hbm>> -> memref<5120xi32, #tpu.memory_space<hbm>>
    tpu.enqueue_dma source(%dma_start3A_13 : memref<5120xi32, #tpu.memory_space<hbm>>) target(%arg7 : memref<5120xi32, #tpu.memory_space<vmem>>) target_semaphore(%arg11 : memref<!tpu.dma_semaphore, #tpu.memory_space<semaphore_mem>>)
    %dma_wait3A = tpu.memref_slice %arg3[%mul3A_10] : memref<168960xi32, #tpu.memory_space<hbm>> -> memref<5120xi32, #tpu.memory_space<hbm>>
    %dma_wait3A_14 = tpu.memref_slice %arg3[%mul3A_10] : memref<168960xi32, #tpu.memory_space<hbm>> -> memref<5120xi32, #tpu.memory_space<hbm>>
    tpu.wait_dma2 semaphore(%arg11 : memref<!tpu.dma_semaphore, #tpu.memory_space<semaphore_mem>>) src(%dma_wait3A_14 : memref<5120xi32, #tpu.memory_space<hbm>>) dst(%arg6 : memref<5120xi32, #tpu.memory_space<vmem>>)
    %dma_wait3A_15 = tpu.memref_slice %arg4[%mul3A_10] : memref<168960xi32, #tpu.memory_space<hbm>> -> memref<5120xi32, #tpu.memory_space<hbm>>
    %dma_wait3A_16 = tpu.memref_slice %arg4[%mul3A_10] : memref<168960xi32, #tpu.memory_space<hbm>> -> memref<5120xi32, #tpu.memory_space<hbm>>
    tpu.wait_dma2 semaphore(%arg11 : memref<!tpu.dma_semaphore, #tpu.memory_space<semaphore_mem>>) src(%dma_wait3A_16 : memref<5120xi32, #tpu.memory_space<hbm>>) dst(%arg7 : memref<5120xi32, #tpu.memory_space<vmem>>)
    %dma_start3A_17 = arith.constant 0 : i32
    %dma_start3A_18 = arith.constant 0 : i32
    %dma_start3A_19 = arith.constant 0 : i32
    %dma_start3A_20 = tpu.memref_slice %arg8[%dma_start3A_17, %dma_start3A_18, %dma_start3A_19] : memref<2x128x128xf32, #tpu.memory_space<vmem>> -> memref<1x128x128xf32, #tpu.memory_space<vmem>>
    %dma_start3A_21 = tpu.memref_squeeze %dma_start3A_20 : memref<1x128x128xf32, #tpu.memory_space<vmem>> -> memref<128x128xf32, #tpu.memory_space<vmem>>
    %dma_start3A_22 = arith.constant 0 : i32
    %dma_start3A_23 = tpu.memref_slice %arg6[%dma_start3A_22] : memref<5120xi32, #tpu.memory_space<vmem>> -> memref<128xi32, #tpu.memory_space<vmem>>
    %dma_start3A_24 = arith.constant 0 : i32
    %dma_start3A_25 = arith.constant 0 : i32
    %dma_start3A_26 = tpu.memref_slice %arg2[%dma_start3A_24, %dma_start3A_25] : memref<10000x128xf32, #tpu.memory_space<hbm>> -> memref<10000x128xf32, #tpu.memory_space<hbm>>
    tpu.enqueue_indirect_dma source(%dma_start3A_26 : memref<10000x128xf32, #tpu.memory_space<hbm>>) target(%dma_start3A_21 : memref<128x128xf32, #tpu.memory_space<vmem>>) offsets(%dma_start3A_23 : memref<128xi32, #tpu.memory_space<vmem>>) semaphore(%arg12 : memref<!tpu.dma_semaphore, #tpu.memory_space<semaphore_mem>>)
    %dma_start3A_27 = arith.constant 0 : i32
    %dma_start3A_28 = arith.constant 0 : i32
    %dma_start3A_29 = arith.constant 0 : i32
    %dma_start3A_30 = tpu.memref_slice %arg9[%dma_start3A_27, %dma_start3A_28, %dma_start3A_29] : memref<2x128x128xf32, #tpu.memory_space<vmem>> -> memref<1x128x128xf32, #tpu.memory_space<vmem>>
    %dma_start3A_31 = tpu.memref_squeeze %dma_start3A_30 : memref<1x128x128xf32, #tpu.memory_space<vmem>> -> memref<128x128xf32, #tpu.memory_space<vmem>>
    %dma_start3A_32 = arith.constant 0 : i32
    %dma_start3A_33 = tpu.memref_slice %arg7[%dma_start3A_32] : memref<5120xi32, #tpu.memory_space<vmem>> -> memref<128xi32, #tpu.memory_space<vmem>>
    %dma_start3A_34 = arith.constant 0 : i32
    %dma_start3A_35 = arith.constant 0 : i32
    %dma_start3A_36 = tpu.memref_slice %arg2[%dma_start3A_34, %dma_start3A_35] : memref<10000x128xf32, #tpu.memory_space<hbm>> -> memref<10000x128xf32, #tpu.memory_space<hbm>>
    tpu.enqueue_indirect_dma source(%dma_start3A_36 : memref<10000x128xf32, #tpu.memory_space<hbm>>) target(%dma_start3A_31 : memref<128x128xf32, #tpu.memory_space<vmem>>) offsets(%dma_start3A_33 : memref<128xi32, #tpu.memory_space<vmem>>) semaphore(%arg12 : memref<!tpu.dma_semaphore, #tpu.memory_space<semaphore_mem>>)
    %sub3A = arith.constant 0 : i32
    %sub3A_37 = arith.subi %select_n3A, %sub3A : i32
    %sub3A_38 = arith.constant 2 : i32
    %sub3A_39 = arith.constant 1 : i32
    %sub3A_40 = arith.subi %sub3A_38, %sub3A_39 : i32
    %add3A_41 = arith.addi %sub3A_37, %sub3A_40 : i32
    %div3A = arith.constant 2 : i32
    %div3A_42 = arith.divsi %add3A_41, %div3A : i32
    %while3A = arith.constant 2 : i32
    %while3A_43 = arith.constant 0 : i32
    %while3A_44 = arith.constant 0 : i32
    %while3A_45 = arith.subi %div3A_42, %while3A_44 : i32
    %while3A_46 = arith.addi %while3A_44, %while3A_45 : i32
    %while3A_47 = arith.constant 1 : i32
    %while3A_48 = arith.divsi %while3A_45, %while3A_47 : i32
    %while3A_49 = arith.muli %while3A_48, %while3A_47 : i32
    %while3A_50 = arith.addi %while3A_44, %while3A_49 : i32
    %while3A_51 = arith.constant 1 : i32
    scf.for %while3A_75 = %while3A_44 to %while3A_50 step %while3A_51  : i32 {
      %mul3A_76 = arith.muli %while3A_75, %while3A : i32
      %add3A_77 = arith.addi %while3A_43, %mul3A_76 : i32
      %add3A_78 = arith.constant 1 : i32
      %add3A_79 = arith.addi %add3A_77, %add3A_78 : i32
      %mul3A_80 = arith.constant 128 : i32
      %mul3A_81 = arith.muli %add3A_79, %mul3A_80 : i32
      %dma_start3A_82 = arith.constant 1 : i32
      %dma_start3A_83 = arith.constant 0 : i32
      %dma_start3A_84 = arith.constant 0 : i32
      %dma_start3A_85 = tpu.memref_slice %arg8[%dma_start3A_82, %dma_start3A_83, %dma_start3A_84] : memref<2x128x128xf32, #tpu.memory_space<vmem>> -> memref<1x128x128xf32, #tpu.memory_space<vmem>>
      %dma_start3A_86 = tpu.memref_squeeze %dma_start3A_85 : memref<1x128x128xf32, #tpu.memory_space<vmem>> -> memref<128x128xf32, #tpu.memory_space<vmem>>
      %dma_start3A_87 = tpu.memref_slice %arg6[%mul3A_81] : memref<5120xi32, #tpu.memory_space<vmem>> -> memref<128xi32, #tpu.memory_space<vmem>>
      %dma_start3A_88 = arith.constant 0 : i32
      %dma_start3A_89 = arith.constant 0 : i32
      %dma_start3A_90 = tpu.memref_slice %arg2[%dma_start3A_88, %dma_start3A_89] : memref<10000x128xf32, #tpu.memory_space<hbm>> -> memref<10000x128xf32, #tpu.memory_space<hbm>>
      tpu.enqueue_indirect_dma source(%dma_start3A_90 : memref<10000x128xf32, #tpu.memory_space<hbm>>) target(%dma_start3A_86 : memref<128x128xf32, #tpu.memory_space<vmem>>) offsets(%dma_start3A_87 : memref<128xi32, #tpu.memory_space<vmem>>) semaphore(%arg13 : memref<!tpu.dma_semaphore, #tpu.memory_space<semaphore_mem>>)
      %dma_start3A_91 = arith.constant 1 : i32
      %dma_start3A_92 = arith.constant 0 : i32
      %dma_start3A_93 = arith.constant 0 : i32
      %dma_start3A_94 = tpu.memref_slice %arg9[%dma_start3A_91, %dma_start3A_92, %dma_start3A_93] : memref<2x128x128xf32, #tpu.memory_space<vmem>> -> memref<1x128x128xf32, #tpu.memory_space<vmem>>
      %dma_start3A_95 = tpu.memref_squeeze %dma_start3A_94 : memref<1x128x128xf32, #tpu.memory_space<vmem>> -> memref<128x128xf32, #tpu.memory_space<vmem>>
      %dma_start3A_96 = tpu.memref_slice %arg7[%mul3A_81] : memref<5120xi32, #tpu.memory_space<vmem>> -> memref<128xi32, #tpu.memory_space<vmem>>
      %dma_start3A_97 = arith.constant 0 : i32
      %dma_start3A_98 = arith.constant 0 : i32
      %dma_start3A_99 = tpu.memref_slice %arg2[%dma_start3A_97, %dma_start3A_98] : memref<10000x128xf32, #tpu.memory_space<hbm>> -> memref<10000x128xf32, #tpu.memory_space<hbm>>
      tpu.enqueue_indirect_dma source(%dma_start3A_99 : memref<10000x128xf32, #tpu.memory_space<hbm>>) target(%dma_start3A_95 : memref<128x128xf32, #tpu.memory_space<vmem>>) offsets(%dma_start3A_96 : memref<128xi32, #tpu.memory_space<vmem>>) semaphore(%arg13 : memref<!tpu.dma_semaphore, #tpu.memory_space<semaphore_mem>>)
      %dma_wait3A_100 = arith.constant 0 : i32
      %dma_wait3A_101 = arith.constant 0 : i32
      %dma_wait3A_102 = arith.constant 0 : i32
      %dma_wait3A_103 = tpu.memref_slice %arg8[%dma_wait3A_100, %dma_wait3A_101, %dma_wait3A_102] : memref<2x128x128xf32, #tpu.memory_space<vmem>> -> memref<1x128x128xf32, #tpu.memory_space<vmem>>
      %dma_wait3A_104 = tpu.memref_squeeze %dma_wait3A_103 : memref<1x128x128xf32, #tpu.memory_space<vmem>> -> memref<128x128xf32, #tpu.memory_space<vmem>>
      %dma_wait3A_105 = arith.constant 0 : i32
      %dma_wait3A_106 = tpu.memref_slice %arg6[%dma_wait3A_105] : memref<5120xi32, #tpu.memory_space<vmem>> -> memref<128xi32, #tpu.memory_space<vmem>>
      %dma_wait3A_107 = arith.constant 0 : i32
      %dma_wait3A_108 = arith.constant 0 : i32
      %dma_wait3A_109 = tpu.memref_slice %arg2[%dma_wait3A_107, %dma_wait3A_108] : memref<10000x128xf32, #tpu.memory_space<hbm>> -> memref<10000x128xf32, #tpu.memory_space<hbm>>
      tpu.wait_indirect_dma semaphore(%arg12 : memref<!tpu.dma_semaphore, #tpu.memory_space<semaphore_mem>>) src(%dma_wait3A_109 : memref<10000x128xf32, #tpu.memory_space<hbm>>) dst(%dma_wait3A_104 : memref<128x128xf32, #tpu.memory_space<vmem>>)
      %dma_wait3A_110 = arith.constant 0 : i32
      %dma_wait3A_111 = arith.constant 0 : i32
      %dma_wait3A_112 = arith.constant 0 : i32
      %dma_wait3A_113 = tpu.memref_slice %arg9[%dma_wait3A_110, %dma_wait3A_111, %dma_wait3A_112] : memref<2x128x128xf32, #tpu.memory_space<vmem>> -> memref<1x128x128xf32, #tpu.memory_space<vmem>>
      %dma_wait3A_114 = tpu.memref_squeeze %dma_wait3A_113 : memref<1x128x128xf32, #tpu.memory_space<vmem>> -> memref<128x128xf32, #tpu.memory_space<vmem>>
      %dma_wait3A_115 = arith.constant 0 : i32
      %dma_wait3A_116 = tpu.memref_slice %arg7[%dma_wait3A_115] : memref<5120xi32, #tpu.memory_space<vmem>> -> memref<128xi32, #tpu.memory_space<vmem>>
      %dma_wait3A_117 = arith.constant 0 : i32
      %dma_wait3A_118 = arith.constant 0 : i32
      %dma_wait3A_119 = tpu.memref_slice %arg2[%dma_wait3A_117, %dma_wait3A_118] : memref<10000x128xf32, #tpu.memory_space<hbm>> -> memref<10000x128xf32, #tpu.memory_space<hbm>>
      tpu.wait_indirect_dma semaphore(%arg12 : memref<!tpu.dma_semaphore, #tpu.memory_space<semaphore_mem>>) src(%dma_wait3A_119 : memref<10000x128xf32, #tpu.memory_space<hbm>>) dst(%dma_wait3A_114 : memref<128x128xf32, #tpu.memory_space<vmem>>)
      %scan3A = arith.constant 0 : i32
      %scan3A_120 = arith.constant 16 : i32
      %scan3A_121 = arith.addi %scan3A, %scan3A_120 : i32
      %scan3A_122 = arith.constant 1 : i32
      scf.for %scan3A_191 = %scan3A to %scan3A_121 step %scan3A_122  : i32 {
        %mul3A_192 = arith.constant 8 : i32
        %mul3A_193 = arith.muli %scan3A_191, %mul3A_192 : i32
        %add3A_194 = arith.constant 0 : i32
        %add3A_195 = arith.addi %add3A_194, %mul3A_193 : i32
        %mul3A_196 = arith.constant 32 : i32
        %mul3A_197 = arith.muli %add3A_195, %mul3A_196 : i32
        %add3A_198 = arith.constant 0 : i32
        %add3A_199 = arith.addi %add3A_195, %add3A_198 : i32
        %get3A = arith.constant 0 : i32
        %get3A_200 = arith.index_cast %get3A : i32 to index
        %get3A_201 = arith.index_cast %add3A_199 : i32 to index
        %get3A_202 = arith.constant 0 : index
        %get3A_203 = tpu.vector_load %arg8[%get3A_200, %get3A_201, %get3A_202] {strides = array<i32>} : memref<2x128x128xf32, #tpu.memory_space<vmem>>, vector<1x1x16xf32>,
        %get3A_204 = vector.shape_cast %get3A_203 : vector<1x1x16xf32> to vector<1x16xf32>
        %add3A_205 = arith.constant 0 : i32
        %add3A_206 = arith.addi %add3A_195, %add3A_205 : i32
        %get3A_207 = arith.constant 0 : i32
        %get3A_208 = arith.index_cast %get3A_207 : i32 to index
        %get3A_209 = arith.index_cast %add3A_206 : i32 to index
        %get3A_210 = arith.constant 32 : index
        %get3A_211 = tpu.vector_load %arg9[%get3A_208, %get3A_209, %get3A_210] {strides = array<i32>} : memref<2x128x128xf32, #tpu.memory_space<vmem>>, vector<1x1x16xf32>,
        %get3A_212 = vector.shape_cast %get3A_211 : vector<1x1x16xf32> to vector<1x16xf32>
        %add3A_213 = arith.addf %get3A_204, %get3A_212 : vector<1x16xf32>
        %squeeze3A = vector.shape_cast %add3A_213 : vector<1x16xf32> to vector<16xf32>
        %add3A_214 = arith.constant 0 : i32
        %add3A_215 = arith.addi %mul3A_197, %add3A_214 : i32
        %add3A_216 = arith.constant 0 : i32
        %add3A_217 = arith.addi %add3A_215, %add3A_216 : i32
        %swap3A = arith.constant 0 : i32
        %swap3A_218 = arith.index_cast %swap3A : i32 to index
        %swap3A_219 = arith.index_cast %add3A_217 : i32 to index
        %swap3A_220 = tpu.vector_load %arg10[%swap3A_218, %swap3A_219] {strides = array<i32>} : memref<2x4096xf32, #tpu.memory_space<vmem>>, vector<1x16xf32>,
        %swap3A_221 = vector.shape_cast %swap3A_220 : vector<1x16xf32> to vector<16xf32>
        %swap3A_222 = vector.shape_cast %squeeze3A : vector<16xf32> to vector<1x16xf32>
        tpu.vector_store %arg10[%swap3A_218, %swap3A_219], %swap3A_222 {strides = array<i32>} : memref<2x4096xf32, #tpu.memory_space<vmem>>, vector<1x16xf32>,
        %add3A_223 = arith.constant 0 : i32
        %add3A_224 = arith.addi %add3A_195, %add3A_223 : i32
        %get3A_225 = arith.constant 0 : i32
        %get3A_226 = arith.index_cast %get3A_225 : i32 to index
        %get3A_227 = arith.index_cast %add3A_224 : i32 to index
        %get3A_228 = arith.constant 16 : index
        %get3A_229 = tpu.vector_load %arg8[%get3A_226, %get3A_227, %get3A_228] {strides = array<i32>} : memref<2x128x128xf32, #tpu.memory_space<vmem>>, vector<1x1x16xf32>,
        %get3A_230 = vector.shape_cast %get3A_229 : vector<1x1x16xf32> to vector<1x16xf32>
        %add3A_231 = arith.constant 0 : i32
        %add3A_232 = arith.addi %add3A_195, %add3A_231 : i32
        %get3A_233 = arith.constant 0 : i32
        %get3A_234 = arith.index_cast %get3A_233 : i32 to index
        %get3A_235 = arith.index_cast %add3A_232 : i32 to index
        %get3A_236 = arith.constant 48 : index
        %get3A_237 = tpu.vector_load %arg9[%get3A_234, %get3A_235, %get3A_236] {strides = array<i32>} : memref<2x128x128xf32, #tpu.memory_space<vmem>>, vector<1x1x16xf32>,
        %get3A_238 = vector.shape_cast %get3A_237 : vector<1x1x16xf32> to vector<1x16xf32>
        %add3A_239 = arith.addf %get3A_230, %get3A_238 : vector<1x16xf32>
        %squeeze3A_240 = vector.shape_cast %add3A_239 : vector<1x16xf32> to vector<16xf32>
        %add3A_241 = arith.constant 0 : i32
        %add3A_242 = arith.addi %mul3A_197, %add3A_241 : i32
        %add3A_243 = arith.constant 16 : i32
        %add3A_244 = arith.addi %add3A_242, %add3A_243 : i32
        %swap3A_245 = arith.constant 0 : i32
        %swap3A_246 = arith.index_cast %swap3A_245 : i32 to index
        %swap3A_247 = arith.index_cast %add3A_244 : i32 to index
        %swap3A_248 = tpu.vector_load %arg10[%swap3A_246, %swap3A_247] {strides = array<i32>} : memref<2x4096xf32, #tpu.memory_space<vmem>>, vector<1x16xf32>,
        %swap3A_249 = vector.shape_cast %swap3A_248 : vector<1x16xf32> to vector<16xf32>
        %swap3A_250 = vector.shape_cast %squeeze3A_240 : vector<16xf32> to vector<1x16xf32>
        tpu.vector_store %arg10[%swap3A_246, %swap3A_247], %swap3A_250 {strides = array<i32>} : memref<2x4096xf32, #tpu.memory_space<vmem>>, vector<1x16xf32>,
        %add3A_251 = arith.constant 1 : i32
        %add3A_252 = arith.addi %add3A_195, %add3A_251 : i32
        %get3A_253 = arith.constant 0 : i32
        %get3A_254 = arith.index_cast %get3A_253 : i32 to index
        %get3A_255 = arith.index_cast %add3A_252 : i32 to index
        %get3A_256 = arith.constant 0 : index
        %get3A_257 = tpu.vector_load %arg8[%get3A_254, %get3A_255, %get3A_256] {strides = array<i32>} : memref<2x128x128xf32, #tpu.memory_space<vmem>>, vector<1x1x16xf32>,
        %get3A_258 = vector.shape_cast %get3A_257 : vector<1x1x16xf32> to vector<1x16xf32>
        %add3A_259 = arith.constant 1 : i32
        %add3A_260 = arith.addi %add3A_195, %add3A_259 : i32
        %get3A_261 = arith.constant 0 : i32
        %get3A_262 = arith.index_cast %get3A_261 : i32 to index
        %get3A_263 = arith.index_cast %add3A_260 : i32 to index
        %get3A_264 = arith.constant 32 : index
        %get3A_265 = tpu.vector_load %arg9[%get3A_262, %get3A_263, %get3A_264] {strides = array<i32>} : memref<2x128x128xf32, #tpu.memory_space<vmem>>, vector<1x1x16xf32>,
        %get3A_266 = vector.shape_cast %get3A_265 : vector<1x1x16xf32> to vector<1x16xf32>
        %add3A_267 = arith.addf %get3A_258, %get3A_266 : vector<1x16xf32>
        %squeeze3A_268 = vector.shape_cast %add3A_267 : vector<1x16xf32> to vector<16xf32>
        %add3A_269 = arith.constant 32 : i32
        %add3A_270 = arith.addi %mul3A_197, %add3A_269 : i32
        %add3A_271 = arith.constant 0 : i32
        %add3A_272 = arith.addi %add3A_270, %add3A_271 : i32
        %swap3A_273 = arith.constant 0 : i32
        %swap3A_274 = arith.index_cast %swap3A_273 : i32 to index
        %swap3A_275 = arith.index_cast %add3A_272 : i32 to index
        %swap3A_276 = tpu.vector_load %arg10[%swap3A_274, %swap3A_275] {strides = array<i32>} : memref<2x4096xf32, #tpu.memory_space<vmem>>, vector<1x16xf32>,
        %swap3A_277 = vector.shape_cast %swap3A_276 : vector<1x16xf32> to vector<16xf32>
        %swap3A_278 = vector.shape_cast %squeeze3A_268 : vector<16xf32> to vector<1x16xf32>
        tpu.vector_store %arg10[%swap3A_274, %swap3A_275], %swap3A_278 {strides = array<i32>} : memref<2x4096xf32, #tpu.memory_space<vmem>>, vector<1x16xf32>,
        %add3A_279 = arith.constant 1 : i32
        %add3A_280 = arith.addi %add3A_195, %add3A_279 : i32
        %get3A_281 = arith.constant 0 : i32
        %get3A_282 = arith.index_cast %get3A_281 : i32 to index
        %get3A_283 = arith.index_cast %add3A_280 : i32 to index
        %get3A_284 = arith.constant 16 : index
        %get3A_285 = tpu.vector_load %arg8[%get3A_282, %get3A_283, %get3A_284] {strides = array<i32>} : memref<2x128x128xf32, #tpu.memory_space<vmem>>, vector<1x1x16xf32>,
        %get3A_286 = vector.shape_cast %get3A_285 : vector<1x1x16xf32> to vector<1x16xf32>
        %add3A_287 = arith.constant 1 : i32
        %add3A_288 = arith.addi %add3A_195, %add3A_287 : i32
        %get3A_289 = arith.constant 0 : i32
        %get3A_290 = arith.index_cast %get3A_289 : i32 to index
        %get3A_291 = arith.index_cast %add3A_288 : i32 to index
        %get3A_292 = arith.constant 48 : index
        %get3A_293 = tpu.vector_load %arg9[%get3A_290, %get3A_291, %get3A_292] {strides = array<i32>} : memref<2x128x128xf32, #tpu.memory_space<vmem>>, vector<1x1x16xf32>,
        %get3A_294 = vector.shape_cast %get3A_293 : vector<1x1x16xf32> to vector<1x16xf32>
        %add3A_295 = arith.addf %get3A_286, %get3A_294 : vector<1x16xf32>
        %squeeze3A_296 = vector.shape_cast %add3A_295 : vector<1x16xf32> to vector<16xf32>
        %add3A_297 = arith.constant 32 : i32
        %add3A_298 = arith.addi %mul3A_197, %add3A_297 : i32
        %add3A_299 = arith.constant 16 : i32
        %add3A_300 = arith.addi %add3A_298, %add3A_299 : i32
        %swap3A_301 = arith.constant 0 : i32
        %swap3A_302 = arith.index_cast %swap3A_301 : i32 to index
        %swap3A_303 = arith.index_cast %add3A_300 : i32 to index
        %swap3A_304 = tpu.vector_load %arg10[%swap3A_302, %swap3A_303] {strides = array<i32>} : memref<2x4096xf32, #tpu.memory_space<vmem>>, vector<1x16xf32>,
        %swap3A_305 = vector.shape_cast %swap3A_304 : vector<1x16xf32> to vector<16xf32>
        %swap3A_306 = vector.shape_cast %squeeze3A_296 : vector<16xf32> to vector<1x16xf32>
        tpu.vector_store %arg10[%swap3A_302, %swap3A_303], %swap3A_306 {strides = array<i32>} : memref<2x4096xf32, #tpu.memory_space<vmem>>, vector<1x16xf32>,
        %add3A_307 = arith.constant 2 : i32
        %add3A_308 = arith.addi %add3A_195, %add3A_307 : i32
        %get3A_309 = arith.constant 0 : i32
        %get3A_310 = arith.index_cast %get3A_309 : i32 to index
        %get3A_311 = arith.index_cast %add3A_308 : i32 to index
        %get3A_312 = arith.constant 0 : index
        %get3A_313 = tpu.vector_load %arg8[%get3A_310, %get3A_311, %get3A_312] {strides = array<i32>} : memref<2x128x128xf32, #tpu.memory_space<vmem>>, vector<1x1x16xf32>,
        %get3A_314 = vector.shape_cast %get3A_313 : vector<1x1x16xf32> to vector<1x16xf32>
        %add3A_315 = arith.constant 2 : i32
        %add3A_316 = arith.addi %add3A_195, %add3A_315 : i32
        %get3A_317 = arith.constant 0 : i32
        %get3A_318 = arith.index_cast %get3A_317 : i32 to index
        %get3A_319 = arith.index_cast %add3A_316 : i32 to index
        %get3A_320 = arith.constant 32 : index
        %get3A_321 = tpu.vector_load %arg9[%get3A_318, %get3A_319, %get3A_320] {strides = array<i32>} : memref<2x128x128xf32, #tpu.memory_space<vmem>>, vector<1x1x16xf32>,
        %get3A_322 = vector.shape_cast %get3A_321 : vector<1x1x16xf32> to vector<1x16xf32>
        %add3A_323 = arith.addf %get3A_314, %get3A_322 : vector<1x16xf32>
        %squeeze3A_324 = vector.shape_cast %add3A_323 : vector<1x16xf32> to vector<16xf32>
        %add3A_325 = arith.constant 64 : i32
        %add3A_326 = arith.addi %mul3A_197, %add3A_325 : i32
        %add3A_327 = arith.constant 0 : i32
        %add3A_328 = arith.addi %add3A_326, %add3A_327 : i32
        %swap3A_329 = arith.constant 0 : i32
        %swap3A_330 = arith.index_cast %swap3A_329 : i32 to index
        %swap3A_331 = arith.index_cast %add3A_328 : i32 to index
        %swap3A_332 = tpu.vector_load %arg10[%swap3A_330, %swap3A_331] {strides = array<i32>} : memref<2x4096xf32, #tpu.memory_space<vmem>>, vector<1x16xf32>,
        %swap3A_333 = vector.shape_cast %swap3A_332 : vector<1x16xf32> to vector<16xf32>
        %swap3A_334 = vector.shape_cast %squeeze3A_324 : vector<16xf32> to vector<1x16xf32>
        tpu.vector_store %arg10[%swap3A_330, %swap3A_331], %swap3A_334 {strides = array<i32>} : memref<2x4096xf32, #tpu.memory_space<vmem>>, vector<1x16xf32>,
        %add3A_335 = arith.constant 2 : i32
        %add3A_336 = arith.addi %add3A_195, %add3A_335 : i32
        %get3A_337 = arith.constant 0 : i32
        %get3A_338 = arith.index_cast %get3A_337 : i32 to index
        %get3A_339 = arith.index_cast %add3A_336 : i32 to index
        %get3A_340 = arith.constant 16 : index
        %get3A_341 = tpu.vector_load %arg8[%get3A_338, %get3A_339, %get3A_340] {strides = array<i32>} : memref<2x128x128xf32, #tpu.memory_space<vmem>>, vector<1x1x16xf32>,
        %get3A_342 = vector.shape_cast %get3A_341 : vector<1x1x16xf32> to vector<1x16xf32>
        %add3A_343 = arith.constant 2 : i32
        %add3A_344 = arith.addi %add3A_195, %add3A_343 : i32
        %get3A_345 = arith.constant 0 : i32
        %get3A_346 = arith.index_cast %get3A_345 : i32 to index
        %get3A_347 = arith.index_cast %add3A_344 : i32 to index
        %get3A_348 = arith.constant 48 : index
        %get3A_349 = tpu.vector_load %arg9[%get3A_346, %get3A_347, %get3A_348] {strides = array<i32>} : memref<2x128x128xf32, #tpu.memory_space<vmem>>, vector<1x1x16xf32>,
        %get3A_350 = vector.shape_cast %get3A_349 : vector<1x1x16xf32> to vector<1x16xf32>
        %add3A_351 = arith.addf %get3A_342, %get3A_350 : vector<1x16xf32>
        %squeeze3A_352 = vector.shape_cast %add3A_351 : vector<1x16xf32> to vector<16xf32>
        %add3A_353 = arith.constant 64 : i32
        %add3A_354 = arith.addi %mul3A_197, %add3A_353 : i32
        %add3A_355 = arith.constant 16 : i32
        %add3A_356 = arith.addi %add3A_354, %add3A_355 : i32
        %swap3A_357 = arith.constant 0 : i32
        %swap3A_358 = arith.index_cast %swap3A_357 : i32 to index
        %swap3A_359 = arith.index_cast %add3A_356 : i32 to index
        %swap3A_360 = tpu.vector_load %arg10[%swap3A_358, %swap3A_359] {strides = array<i32>} : memref<2x4096xf32, #tpu.memory_space<vmem>>, vector<1x16xf32>,
        %swap3A_361 = vector.shape_cast %swap3A_360 : vector<1x16xf32> to vector<16xf32>
        %swap3A_362 = vector.shape_cast %squeeze3A_352 : vector<16xf32> to vector<1x16xf32>
        tpu.vector_store %arg10[%swap3A_358, %swap3A_359], %swap3A_362 {strides = array<i32>} : memref<2x4096xf32, #tpu.memory_space<vmem>>, vector<1x16xf32>,
        %add3A_363 = arith.constant 3 : i32
        %add3A_364 = arith.addi %add3A_195, %add3A_363 : i32
        %get3A_365 = arith.constant 0 : i32
        %get3A_366 = arith.index_cast %get3A_365 : i32 to index
        %get3A_367 = arith.index_cast %add3A_364 : i32 to index
        %get3A_368 = arith.constant 0 : index
        %get3A_369 = tpu.vector_load %arg8[%get3A_366, %get3A_367, %get3A_368] {strides = array<i32>} : memref<2x128x128xf32, #tpu.memory_space<vmem>>, vector<1x1x16xf32>,
        %get3A_370 = vector.shape_cast %get3A_369 : vector<1x1x16xf32> to vector<1x16xf32>
        %add3A_371 = arith.constant 3 : i32
        %add3A_372 = arith.addi %add3A_195, %add3A_371 : i32
        %get3A_373 = arith.constant 0 : i32
        %get3A_374 = arith.index_cast %get3A_373 : i32 to index
        %get3A_375 = arith.index_cast %add3A_372 : i32 to index
        %get3A_376 = arith.constant 32 : index
        %get3A_377 = tpu.vector_load %arg9[%get3A_374, %get3A_375, %get3A_376] {strides = array<i32>} : memref<2x128x128xf32, #tpu.memory_space<vmem>>, vector<1x1x16xf32>,
        %get3A_378 = vector.shape_cast %get3A_377 : vector<1x1x16xf32> to vector<1x16xf32>
        %add3A_379 = arith.addf %get3A_370, %get3A_378 : vector<1x16xf32>
        %squeeze3A_380 = vector.shape_cast %add3A_379 : vector<1x16xf32> to vector<16xf32>
        %add3A_381 = arith.constant 96 : i32
        %add3A_382 = arith.addi %mul3A_197, %add3A_381 : i32
        %add3A_383 = arith.constant 0 : i32
        %add3A_384 = arith.addi %add3A_382, %add3A_383 : i32
        %swap3A_385 = arith.constant 0 : i32
        %swap3A_386 = arith.index_cast %swap3A_385 : i32 to index
        %swap3A_387 = arith.index_cast %add3A_384 : i32 to index
        %swap3A_388 = tpu.vector_load %arg10[%swap3A_386, %swap3A_387] {strides = array<i32>} : memref<2x4096xf32, #tpu.memory_space<vmem>>, vector<1x16xf32>,
        %swap3A_389 = vector.shape_cast %swap3A_388 : vector<1x16xf32> to vector<16xf32>
        %swap3A_390 = vector.shape_cast %squeeze3A_380 : vector<16xf32> to vector<1x16xf32>
        tpu.vector_store %arg10[%swap3A_386, %swap3A_387], %swap3A_390 {strides = array<i32>} : memref<2x4096xf32, #tpu.memory_space<vmem>>, vector<1x16xf32>,
        %add3A_391 = arith.constant 3 : i32
        %add3A_392 = arith.addi %add3A_195, %add3A_391 : i32
        %get3A_393 = arith.constant 0 : i32
        %get3A_394 = arith.index_cast %get3A_393 : i32 to index
        %get3A_395 = arith.index_cast %add3A_392 : i32 to index
        %get3A_396 = arith.constant 16 : index
        %get3A_397 = tpu.vector_load %arg8[%get3A_394, %get3A_395, %get3A_396] {strides = array<i32>} : memref<2x128x128xf32, #tpu.memory_space<vmem>>, vector<1x1x16xf32>,
        %get3A_398 = vector.shape_cast %get3A_397 : vector<1x1x16xf32> to vector<1x16xf32>
        %add3A_399 = arith.constant 3 : i32
        %add3A_400 = arith.addi %add3A_195, %add3A_399 : i32
        %get3A_401 = arith.constant 0 : i32
        %get3A_402 = arith.index_cast %get3A_401 : i32 to index
        %get3A_403 = arith.index_cast %add3A_400 : i32 to index
        %get3A_404 = arith.constant 48 : index
        %get3A_405 = tpu.vector_load %arg9[%get3A_402, %get3A_403, %get3A_404] {strides = array<i32>} : memref<2x128x128xf32, #tpu.memory_space<vmem>>, vector<1x1x16xf32>,
        %get3A_406 = vector.shape_cast %get3A_405 : vector<1x1x16xf32> to vector<1x16xf32>
        %add3A_407 = arith.addf %get3A_398, %get3A_406 : vector<1x16xf32>
        %squeeze3A_408 = vector.shape_cast %add3A_407 : vector<1x16xf32> to vector<16xf32>
        %add3A_409 = arith.constant 96 : i32
        %add3A_410 = arith.addi %mul3A_197, %add3A_409 : i32
        %add3A_411 = arith.constant 16 : i32
        %add3A_412 = arith.addi %add3A_410, %add3A_411 : i32
        %swap3A_413 = arith.constant 0 : i32
        %swap3A_414 = arith.index_cast %swap3A_413 : i32 to index
        %swap3A_415 = arith.index_cast %add3A_412 : i32 to index
        %swap3A_416 = tpu.vector_load %arg10[%swap3A_414, %swap3A_415] {strides = array<i32>} : memref<2x4096xf32, #tpu.memory_space<vmem>>, vector<1x16xf32>,
        %swap3A_417 = vector.shape_cast %swap3A_416 : vector<1x16xf32> to vector<16xf32>
        %swap3A_418 = vector.shape_cast %squeeze3A_408 : vector<16xf32> to vector<1x16xf32>
        tpu.vector_store %arg10[%swap3A_414, %swap3A_415], %swap3A_418 {strides = array<i32>} : memref<2x4096xf32, #tpu.memory_space<vmem>>, vector<1x16xf32>,
        %add3A_419 = arith.constant 4 : i32
        %add3A_420 = arith.addi %add3A_195, %add3A_419 : i32
        %get3A_421 = arith.constant 0 : i32
        %get3A_422 = arith.index_cast %get3A_421 : i32 to index
        %get3A_423 = arith.index_cast %add3A_420 : i32 to index
        %get3A_424 = arith.constant 0 : index
        %get3A_425 = tpu.vector_load %arg8[%get3A_422, %get3A_423, %get3A_424] {strides = array<i32>} : memref<2x128x128xf32, #tpu.memory_space<vmem>>, vector<1x1x16xf32>,
        %get3A_426 = vector.shape_cast %get3A_425 : vector<1x1x16xf32> to vector<1x16xf32>
        %add3A_427 = arith.constant 4 : i32
        %add3A_428 = arith.addi %add3A_195, %add3A_427 : i32
        %get3A_429 = arith.constant 0 : i32
        %get3A_430 = arith.index_cast %get3A_429 : i32 to index
        %get3A_431 = arith.index_cast %add3A_428 : i32 to index
        %get3A_432 = arith.constant 32 : index
        %get3A_433 = tpu.vector_load %arg9[%get3A_430, %get3A_431, %get3A_432] {strides = array<i32>} : memref<2x128x128xf32, #tpu.memory_space<vmem>>, vector<1x1x16xf32>,
        %get3A_434 = vector.shape_cast %get3A_433 : vector<1x1x16xf32> to vector<1x16xf32>
        %add3A_435 = arith.addf %get3A_426, %get3A_434 : vector<1x16xf32>
        %squeeze3A_436 = vector.shape_cast %add3A_435 : vector<1x16xf32> to vector<16xf32>
        %add3A_437 = arith.constant 128 : i32
        %add3A_438 = arith.addi %mul3A_197, %add3A_437 : i32
        %add3A_439 = arith.constant 0 : i32
        %add3A_440 = arith.addi %add3A_438, %add3A_439 : i32
        %swap3A_441 = arith.constant 0 : i32
        %swap3A_442 = arith.index_cast %swap3A_441 : i32 to index
        %swap3A_443 = arith.index_cast %add3A_440 : i32 to index
        %swap3A_444 = tpu.vector_load %arg10[%swap3A_442, %swap3A_443] {strides = array<i32>} : memref<2x4096xf32, #tpu.memory_space<vmem>>, vector<1x16xf32>,
        %swap3A_445 = vector.shape_cast %swap3A_444 : vector<1x16xf32> to vector<16xf32>
        %swap3A_446 = vector.shape_cast %squeeze3A_436 : vector<16xf32> to vector<1x16xf32>
        tpu.vector_store %arg10[%swap3A_442, %swap3A_443], %swap3A_446 {strides = array<i32>} : memref<2x4096xf32, #tpu.memory_space<vmem>>, vector<1x16xf32>,
        %add3A_447 = arith.constant 4 : i32
        %add3A_448 = arith.addi %add3A_195, %add3A_447 : i32
        %get3A_449 = arith.constant 0 : i32
        %get3A_450 = arith.index_cast %get3A_449 : i32 to index
        %get3A_451 = arith.index_cast %add3A_448 : i32 to index
        %get3A_452 = arith.constant 16 : index
        %get3A_453 = tpu.vector_load %arg8[%get3A_450, %get3A_451, %get3A_452] {strides = array<i32>} : memref<2x128x128xf32, #tpu.memory_space<vmem>>, vector<1x1x16xf32>,
        %get3A_454 = vector.shape_cast %get3A_453 : vector<1x1x16xf32> to vector<1x16xf32>
        %add3A_455 = arith.constant 4 : i32
        %add3A_456 = arith.addi %add3A_195, %add3A_455 : i32
        %get3A_457 = arith.constant 0 : i32
        %get3A_458 = arith.index_cast %get3A_457 : i32 to index
        %get3A_459 = arith.index_cast %add3A_456 : i32 to index
        %get3A_460 = arith.constant 48 : index
        %get3A_461 = tpu.vector_load %arg9[%get3A_458, %get3A_459, %get3A_460] {strides = array<i32>} : memref<2x128x128xf32, #tpu.memory_space<vmem>>, vector<1x1x16xf32>,
        %get3A_462 = vector.shape_cast %get3A_461 : vector<1x1x16xf32> to vector<1x16xf32>
        %add3A_463 = arith.addf %get3A_454, %get3A_462 : vector<1x16xf32>
        %squeeze3A_464 = vector.shape_cast %add3A_463 : vector<1x16xf32> to vector<16xf32>
        %add3A_465 = arith.constant 128 : i32
        %add3A_466 = arith.addi %mul3A_197, %add3A_465 : i32
        %add3A_467 = arith.constant 16 : i32
        %add3A_468 = arith.addi %add3A_466, %add3A_467 : i32
        %swap3A_469 = arith.constant 0 : i32
        %swap3A_470 = arith.index_cast %swap3A_469 : i32 to index
        %swap3A_471 = arith.index_cast %add3A_468 : i32 to index
        %swap3A_472 = tpu.vector_load %arg10[%swap3A_470, %swap3A_471] {strides = array<i32>} : memref<2x4096xf32, #tpu.memory_space<vmem>>, vector<1x16xf32>,
        %swap3A_473 = vector.shape_cast %swap3A_472 : vector<1x16xf32> to vector<16xf32>
        %swap3A_474 = vector.shape_cast %squeeze3A_464 : vector<16xf32> to vector<1x16xf32>
        tpu.vector_store %arg10[%swap3A_470, %swap3A_471], %swap3A_474 {strides = array<i32>} : memref<2x4096xf32, #tpu.memory_space<vmem>>, vector<1x16xf32>,
        %add3A_475 = arith.constant 5 : i32
        %add3A_476 = arith.addi %add3A_195, %add3A_475 : i32
        %get3A_477 = arith.constant 0 : i32
        %get3A_478 = arith.index_cast %get3A_477 : i32 to index
        %get3A_479 = arith.index_cast %add3A_476 : i32 to index
        %get3A_480 = arith.constant 0 : index
        %get3A_481 = tpu.vector_load %arg8[%get3A_478, %get3A_479, %get3A_480] {strides = array<i32>} : memref<2x128x128xf32, #tpu.memory_space<vmem>>, vector<1x1x16xf32>,
        %get3A_482 = vector.shape_cast %get3A_481 : vector<1x1x16xf32> to vector<1x16xf32>
        %add3A_483 = arith.constant 5 : i32
        %add3A_484 = arith.addi %add3A_195, %add3A_483 : i32
        %get3A_485 = arith.constant 0 : i32
        %get3A_486 = arith.index_cast %get3A_485 : i32 to index
        %get3A_487 = arith.index_cast %add3A_484 : i32 to index
        %get3A_488 = arith.constant 32 : index
        %get3A_489 = tpu.vector_load %arg9[%get3A_486, %get3A_487, %get3A_488] {strides = array<i32>} : memref<2x128x128xf32, #tpu.memory_space<vmem>>, vector<1x1x16xf32>,
        %get3A_490 = vector.shape_cast %get3A_489 : vector<1x1x16xf32> to vector<1x16xf32>
        %add3A_491 = arith.addf %get3A_482, %get3A_490 : vector<1x16xf32>
        %squeeze3A_492 = vector.shape_cast %add3A_491 : vector<1x16xf32> to vector<16xf32>
        %add3A_493 = arith.constant 160 : i32
        %add3A_494 = arith.addi %mul3A_197, %add3A_493 : i32
        %add3A_495 = arith.constant 0 : i32
        %add3A_496 = arith.addi %add3A_494, %add3A_495 : i32
        %swap3A_497 = arith.constant 0 : i32
        %swap3A_498 = arith.index_cast %swap3A_497 : i32 to index
        %swap3A_499 = arith.index_cast %add3A_496 : i32 to index
        %swap3A_500 = tpu.vector_load %arg10[%swap3A_498, %swap3A_499] {strides = array<i32>} : memref<2x4096xf32, #tpu.memory_space<vmem>>, vector<1x16xf32>,
        %swap3A_501 = vector.shape_cast %swap3A_500 : vector<1x16xf32> to vector<16xf32>
        %swap3A_502 = vector.shape_cast %squeeze3A_492 : vector<16xf32> to vector<1x16xf32>
        tpu.vector_store %arg10[%swap3A_498, %swap3A_499], %swap3A_502 {strides = array<i32>} : memref<2x4096xf32, #tpu.memory_space<vmem>>, vector<1x16xf32>,
        %add3A_503 = arith.constant 5 : i32
        %add3A_504 = arith.addi %add3A_195, %add3A_503 : i32
        %get3A_505 = arith.constant 0 : i32
        %get3A_506 = arith.index_cast %get3A_505 : i32 to index
        %get3A_507 = arith.index_cast %add3A_504 : i32 to index
        %get3A_508 = arith.constant 16 : index
        %get3A_509 = tpu.vector_load %arg8[%get3A_506, %get3A_507, %get3A_508] {strides = array<i32>} : memref<2x128x128xf32, #tpu.memory_space<vmem>>, vector<1x1x16xf32>,
        %get3A_510 = vector.shape_cast %get3A_509 : vector<1x1x16xf32> to vector<1x16xf32>
        %add3A_511 = arith.constant 5 : i32
        %add3A_512 = arith.addi %add3A_195, %add3A_511 : i32
        %get3A_513 = arith.constant 0 : i32
        %get3A_514 = arith.index_cast %get3A_513 : i32 to index
        %get3A_515 = arith.index_cast %add3A_512 : i32 to index
        %get3A_516 = arith.constant 48 : index
        %get3A_517 = tpu.vector_load %arg9[%get3A_514, %get3A_515, %get3A_516] {strides = array<i32>} : memref<2x128x128xf32, #tpu.memory_space<vmem>>, vector<1x1x16xf32>,
        %get3A_518 = vector.shape_cast %get3A_517 : vector<1x1x16xf32> to vector<1x16xf32>
        %add3A_519 = arith.addf %get3A_510, %get3A_518 : vector<1x16xf32>
        %squeeze3A_520 = vector.shape_cast %add3A_519 : vector<1x16xf32> to vector<16xf32>
        %add3A_521 = arith.constant 160 : i32
        %add3A_522 = arith.addi %mul3A_197, %add3A_521 : i32
        %add3A_523 = arith.constant 16 : i32
        %add3A_524 = arith.addi %add3A_522, %add3A_523 : i32
        %swap3A_525 = arith.constant 0 : i32
        %swap3A_526 = arith.index_cast %swap3A_525 : i32 to index
        %swap3A_527 = arith.index_cast %add3A_524 : i32 to index
        %swap3A_528 = tpu.vector_load %arg10[%swap3A_526, %swap3A_527] {strides = array<i32>} : memref<2x4096xf32, #tpu.memory_space<vmem>>, vector<1x16xf32>,
        %swap3A_529 = vector.shape_cast %swap3A_528 : vector<1x16xf32> to vector<16xf32>
        %swap3A_530 = vector.shape_cast %squeeze3A_520 : vector<16xf32> to vector<1x16xf32>
        tpu.vector_store %arg10[%swap3A_526, %swap3A_527], %swap3A_530 {strides = array<i32>} : memref<2x4096xf32, #tpu.memory_space<vmem>>, vector<1x16xf32>,
        %add3A_531 = arith.constant 6 : i32
        %add3A_532 = arith.addi %add3A_195, %add3A_531 : i32
        %get3A_533 = arith.constant 0 : i32
        %get3A_534 = arith.index_cast %get3A_533 : i32 to index
        %get3A_535 = arith.index_cast %add3A_532 : i32 to index
        %get3A_536 = arith.constant 0 : index
        %get3A_537 = tpu.vector_load %arg8[%get3A_534, %get3A_535, %get3A_536] {strides = array<i32>} : memref<2x128x128xf32, #tpu.memory_space<vmem>>, vector<1x1x16xf32>,
        %get3A_538 = vector.shape_cast %get3A_537 : vector<1x1x16xf32> to vector<1x16xf32>
        %add3A_539 = arith.constant 6 : i32
        %add3A_540 = arith.addi %add3A_195, %add3A_539 : i32
        %get3A_541 = arith.constant 0 : i32
        %get3A_542 = arith.index_cast %get3A_541 : i32 to index
        %get3A_543 = arith.index_cast %add3A_540 : i32 to index
        %get3A_544 = arith.constant 32 : index
        %get3A_545 = tpu.vector_load %arg9[%get3A_542, %get3A_543, %get3A_544] {strides = array<i32>} : memref<2x128x128xf32, #tpu.memory_space<vmem>>, vector<1x1x16xf32>,
        %get3A_546 = vector.shape_cast %get3A_545 : vector<1x1x16xf32> to vector<1x16xf32>
        %add3A_547 = arith.addf %get3A_538, %get3A_546 : vector<1x16xf32>
        %squeeze3A_548 = vector.shape_cast %add3A_547 : vector<1x16xf32> to vector<16xf32>
        %add3A_549 = arith.constant 192 : i32
        %add3A_550 = arith.addi %mul3A_197, %add3A_549 : i32
        %add3A_551 = arith.constant 0 : i32
        %add3A_552 = arith.addi %add3A_550, %add3A_551 : i32
        %swap3A_553 = arith.constant 0 : i32
        %swap3A_554 = arith.index_cast %swap3A_553 : i32 to index
        %swap3A_555 = arith.index_cast %add3A_552 : i32 to index
        %swap3A_556 = tpu.vector_load %arg10[%swap3A_554, %swap3A_555] {strides = array<i32>} : memref<2x4096xf32, #tpu.memory_space<vmem>>, vector<1x16xf32>,
        %swap3A_557 = vector.shape_cast %swap3A_556 : vector<1x16xf32> to vector<16xf32>
        %swap3A_558 = vector.shape_cast %squeeze3A_548 : vector<16xf32> to vector<1x16xf32>
        tpu.vector_store %arg10[%swap3A_554, %swap3A_555], %swap3A_558 {strides = array<i32>} : memref<2x4096xf32, #tpu.memory_space<vmem>>, vector<1x16xf32>,
        %add3A_559 = arith.constant 6 : i32
        %add3A_560 = arith.addi %add3A_195, %add3A_559 : i32
        %get3A_561 = arith.constant 0 : i32
        %get3A_562 = arith.index_cast %get3A_561 : i32 to index
        %get3A_563 = arith.index_cast %add3A_560 : i32 to index
        %get3A_564 = arith.constant 16 : index
        %get3A_565 = tpu.vector_load %arg8[%get3A_562, %get3A_563, %get3A_564] {strides = array<i32>} : memref<2x128x128xf32, #tpu.memory_space<vmem>>, vector<1x1x16xf32>,
        %get3A_566 = vector.shape_cast %get3A_565 : vector<1x1x16xf32> to vector<1x16xf32>
        %add3A_567 = arith.constant 6 : i32
        %add3A_568 = arith.addi %add3A_195, %add3A_567 : i32
        %get3A_569 = arith.constant 0 : i32
        %get3A_570 = arith.index_cast %get3A_569 : i32 to index
        %get3A_571 = arith.index_cast %add3A_568 : i32 to index
        %get3A_572 = arith.constant 48 : index
        %get3A_573 = tpu.vector_load %arg9[%get3A_570, %get3A_571, %get3A_572] {strides = array<i32>} : memref<2x128x128xf32, #tpu.memory_space<vmem>>, vector<1x1x16xf32>,
        %get3A_574 = vector.shape_cast %get3A_573 : vector<1x1x16xf32> to vector<1x16xf32>
        %add3A_575 = arith.addf %get3A_566, %get3A_574 : vector<1x16xf32>
        %squeeze3A_576 = vector.shape_cast %add3A_575 : vector<1x16xf32> to vector<16xf32>
        %add3A_577 = arith.constant 192 : i32
        %add3A_578 = arith.addi %mul3A_197, %add3A_577 : i32
        %add3A_579 = arith.constant 16 : i32
        %add3A_580 = arith.addi %add3A_578, %add3A_579 : i32
        %swap3A_581 = arith.constant 0 : i32
        %swap3A_582 = arith.index_cast %swap3A_581 : i32 to index
        %swap3A_583 = arith.index_cast %add3A_580 : i32 to index
        %swap3A_584 = tpu.vector_load %arg10[%swap3A_582, %swap3A_583] {strides = array<i32>} : memref<2x4096xf32, #tpu.memory_space<vmem>>, vector<1x16xf32>,
        %swap3A_585 = vector.shape_cast %swap3A_584 : vector<1x16xf32> to vector<16xf32>
        %swap3A_586 = vector.shape_cast %squeeze3A_576 : vector<16xf32> to vector<1x16xf32>
        tpu.vector_store %arg10[%swap3A_582, %swap3A_583], %swap3A_586 {strides = array<i32>} : memref<2x4096xf32, #tpu.memory_space<vmem>>, vector<1x16xf32>,
        %add3A_587 = arith.constant 7 : i32
        %add3A_588 = arith.addi %add3A_195, %add3A_587 : i32
        %get3A_589 = arith.constant 0 : i32
        %get3A_590 = arith.index_cast %get3A_589 : i32 to index
        %get3A_591 = arith.index_cast %add3A_588 : i32 to index
        %get3A_592 = arith.constant 0 : index
        %get3A_593 = tpu.vector_load %arg8[%get3A_590, %get3A_591, %get3A_592] {strides = array<i32>} : memref<2x128x128xf32, #tpu.memory_space<vmem>>, vector<1x1x16xf32>,
        %get3A_594 = vector.shape_cast %get3A_593 : vector<1x1x16xf32> to vector<1x16xf32>
        %add3A_595 = arith.constant 7 : i32
        %add3A_596 = arith.addi %add3A_195, %add3A_595 : i32
        %get3A_597 = arith.constant 0 : i32
        %get3A_598 = arith.index_cast %get3A_597 : i32 to index
        %get3A_599 = arith.index_cast %add3A_596 : i32 to index
        %get3A_600 = arith.constant 32 : index
        %get3A_601 = tpu.vector_load %arg9[%get3A_598, %get3A_599, %get3A_600] {strides = array<i32>} : memref<2x128x128xf32, #tpu.memory_space<vmem>>, vector<1x1x16xf32>,
        %get3A_602 = vector.shape_cast %get3A_601 : vector<1x1x16xf32> to vector<1x16xf32>
        %add3A_603 = arith.addf %get3A_594, %get3A_602 : vector<1x16xf32>
        %squeeze3A_604 = vector.shape_cast %add3A_603 : vector<1x16xf32> to vector<16xf32>
        %add3A_605 = arith.constant 224 : i32
        %add3A_606 = arith.addi %mul3A_197, %add3A_605 : i32
        %add3A_607 = arith.constant 0 : i32
        %add3A_608 = arith.addi %add3A_606, %add3A_607 : i32
        %swap3A_609 = arith.constant 0 : i32
        %swap3A_610 = arith.index_cast %swap3A_609 : i32 to index
        %swap3A_611 = arith.index_cast %add3A_608 : i32 to index
        %swap3A_612 = tpu.vector_load %arg10[%swap3A_610, %swap3A_611] {strides = array<i32>} : memref<2x4096xf32, #tpu.memory_space<vmem>>, vector<1x16xf32>,
        %swap3A_613 = vector.shape_cast %swap3A_612 : vector<1x16xf32> to vector<16xf32>
        %swap3A_614 = vector.shape_cast %squeeze3A_604 : vector<16xf32> to vector<1x16xf32>
        tpu.vector_store %arg10[%swap3A_610, %swap3A_611], %swap3A_614 {strides = array<i32>} : memref<2x4096xf32, #tpu.memory_space<vmem>>, vector<1x16xf32>,
        %add3A_615 = arith.constant 7 : i32
        %add3A_616 = arith.addi %add3A_195, %add3A_615 : i32
        %get3A_617 = arith.constant 0 : i32
        %get3A_618 = arith.index_cast %get3A_617 : i32 to index
        %get3A_619 = arith.index_cast %add3A_616 : i32 to index
        %get3A_620 = arith.constant 16 : index
        %get3A_621 = tpu.vector_load %arg8[%get3A_618, %get3A_619, %get3A_620] {strides = array<i32>} : memref<2x128x128xf32, #tpu.memory_space<vmem>>, vector<1x1x16xf32>,
        %get3A_622 = vector.shape_cast %get3A_621 : vector<1x1x16xf32> to vector<1x16xf32>
        %add3A_623 = arith.constant 7 : i32
        %add3A_624 = arith.addi %add3A_195, %add3A_623 : i32
        %get3A_625 = arith.constant 0 : i32
        %get3A_626 = arith.index_cast %get3A_625 : i32 to index
        %get3A_627 = arith.index_cast %add3A_624 : i32 to index
        %get3A_628 = arith.constant 48 : index
        %get3A_629 = tpu.vector_load %arg9[%get3A_626, %get3A_627, %get3A_628] {strides = array<i32>} : memref<2x128x128xf32, #tpu.memory_space<vmem>>, vector<1x1x16xf32>,
        %get3A_630 = vector.shape_cast %get3A_629 : vector<1x1x16xf32> to vector<1x16xf32>
        %add3A_631 = arith.addf %get3A_622, %get3A_630 : vector<1x16xf32>
        %squeeze3A_632 = vector.shape_cast %add3A_631 : vector<1x16xf32> to vector<16xf32>
        %add3A_633 = arith.constant 224 : i32
        %add3A_634 = arith.addi %mul3A_197, %add3A_633 : i32
        %add3A_635 = arith.constant 16 : i32
        %add3A_636 = arith.addi %add3A_634, %add3A_635 : i32
        %swap3A_637 = arith.constant 0 : i32
        %swap3A_638 = arith.index_cast %swap3A_637 : i32 to index
        %swap3A_639 = arith.index_cast %add3A_636 : i32 to index
        %swap3A_640 = tpu.vector_load %arg10[%swap3A_638, %swap3A_639] {strides = array<i32>} : memref<2x4096xf32, #tpu.memory_space<vmem>>, vector<1x16xf32>,
        %swap3A_641 = vector.shape_cast %swap3A_640 : vector<1x16xf32> to vector<16xf32>
        %swap3A_642 = vector.shape_cast %squeeze3A_632 : vector<16xf32> to vector<1x16xf32>
        tpu.vector_store %arg10[%swap3A_638, %swap3A_639], %swap3A_642 {strides = array<i32>} : memref<2x4096xf32, #tpu.memory_space<vmem>>, vector<1x16xf32>,
      }
      %scan3A_123 = arith.constant 16 : i32
      %ge3A = arith.constant 2 : i32
      %ge3A_124 = arith.cmpi sge, %add3A_77, %ge3A : i32
      %convert_element_type3A = arith.extui %ge3A_124 : i1 to i32
      %cond3A = arith.constant 0 : i32
      %cond3A_125 = arith.cmpi ne, %convert_element_type3A, %cond3A : i32
      scf.if %cond3A_125 {
        %mul3A_191 = arith.constant 32 : i32
        %mul3A_192 = arith.muli %mul3A_10, %mul3A_191 : i32
        %dma_wait3A_193 = arith.constant 0 : i32
        %dma_wait3A_194 = arith.constant 0 : i32
        %dma_wait3A_195 = tpu.memref_slice %arg10[%dma_wait3A_193, %dma_wait3A_194] : memref<2x4096xf32, #tpu.memory_space<vmem>> -> memref<1x4096xf32, #tpu.memory_space<vmem>>
        %dma_wait3A_196 = tpu.memref_squeeze %dma_wait3A_195 : memref<1x4096xf32, #tpu.memory_space<vmem>> -> memref<4096xf32, #tpu.memory_space<vmem>>
        %dma_wait3A_197 = tpu.memref_slice %arg5[%mul3A_192] : memref<5242880xf32, #tpu.memory_space<hbm>> -> memref<4096xf32, #tpu.memory_space<hbm>>
        %dma_wait3A_198 = tpu.memref_slice %arg5[%mul3A_192] : memref<5242880xf32, #tpu.memory_space<hbm>> -> memref<4096xf32, #tpu.memory_space<hbm>>
        %dma_wait3A_199 = arith.constant 0 : i32
        %dma_wait3A_200 = tpu.memref_slice %arg10[%dma_wait3A_193, %dma_wait3A_199] : memref<2x4096xf32, #tpu.memory_space<vmem>> -> memref<1x4096xf32, #tpu.memory_space<vmem>>
        %dma_wait3A_201 = tpu.memref_squeeze %dma_wait3A_200 : memref<1x4096xf32, #tpu.memory_space<vmem>> -> memref<4096xf32, #tpu.memory_space<vmem>>
        tpu.wait_dma2 semaphore(%arg14 : memref<!tpu.dma_semaphore, #tpu.memory_space<semaphore_mem>>) src(%dma_wait3A_201 : memref<4096xf32, #tpu.memory_space<vmem>>) dst(%dma_wait3A_198 : memref<4096xf32, #tpu.memory_space<hbm>>)
      } else {
      }
      %mul3A_126 = arith.constant 128 : i32
      %mul3A_127 = arith.muli %add3A_77, %mul3A_126 : i32
      %add3A_128 = arith.addi %mul3A_10, %mul3A_127 : i32
      %mul3A_129 = arith.constant 32 : i32
      %mul3A_130 = arith.muli %add3A_128, %mul3A_129 : i32
      %dma_start3A_131 = arith.constant 0 : i32
      %dma_start3A_132 = arith.constant 0 : i32
      %dma_start3A_133 = tpu.memref_slice %arg10[%dma_start3A_131, %dma_start3A_132] : memref<2x4096xf32, #tpu.memory_space<vmem>> -> memref<1x4096xf32, #tpu.memory_space<vmem>>
      %dma_start3A_134 = tpu.memref_squeeze %dma_start3A_133 : memref<1x4096xf32, #tpu.memory_space<vmem>> -> memref<4096xf32, #tpu.memory_space<vmem>>
      %dma_start3A_135 = tpu.memref_slice %arg5[%mul3A_130] : memref<5242880xf32, #tpu.memory_space<hbm>> -> memref<4096xf32, #tpu.memory_space<hbm>>
      %dma_start3A_136 = tpu.memref_slice %arg5[%mul3A_130] : memref<5242880xf32, #tpu.memory_space<hbm>> -> memref<4096xf32, #tpu.memory_space<hbm>>
      %dma_start3A_137 = arith.constant 0 : i32
      %dma_start3A_138 = tpu.memref_slice %arg10[%dma_start3A_131, %dma_start3A_137] : memref<2x4096xf32, #tpu.memory_space<vmem>> -> memref<1x4096xf32, #tpu.memory_space<vmem>>
      %dma_start3A_139 = tpu.memref_squeeze %dma_start3A_138 : memref<1x4096xf32, #tpu.memory_space<vmem>> -> memref<4096xf32, #tpu.memory_space<vmem>>
      tpu.enqueue_dma source(%dma_start3A_139 : memref<4096xf32, #tpu.memory_space<vmem>>) target(%dma_start3A_136 : memref<4096xf32, #tpu.memory_space<hbm>>) target_semaphore(%arg14 : memref<!tpu.dma_semaphore, #tpu.memory_space<semaphore_mem>>)
      %add3A_140 = arith.constant 2 : i32
      %add3A_141 = arith.addi %add3A_77, %add3A_140 : i32
      %lt3A = arith.cmpi slt, %add3A_141, %select_n3A : i32
      %convert_element_type3A_142 = arith.extui %lt3A : i1 to i32
      %cond3A_143 = arith.constant 0 : i32
      %cond3A_144 = arith.cmpi ne, %convert_element_type3A_142, %cond3A_143 : i32
      scf.if %cond3A_144 {
        %add3A_191 = arith.constant 2 : i32
        %add3A_192 = arith.addi %add3A_77, %add3A_191 : i32
        %mul3A_193 = arith.constant 128 : i32
        %mul3A_194 = arith.muli %add3A_192, %mul3A_193 : i32
        %dma_start3A_195 = arith.constant 0 : i32
        %dma_start3A_196 = arith.constant 0 : i32
        %dma_start3A_197 = arith.constant 0 : i32
        %dma_start3A_198 = tpu.memref_slice %arg8[%dma_start3A_195, %dma_start3A_196, %dma_start3A_197] : memref<2x128x128xf32, #tpu.memory_space<vmem>> -> memref<1x128x128xf32, #tpu.memory_space<vmem>>
        %dma_start3A_199 = tpu.memref_squeeze %dma_start3A_198 : memref<1x128x128xf32, #tpu.memory_space<vmem>> -> memref<128x128xf32, #tpu.memory_space<vmem>>
        %dma_start3A_200 = tpu.memref_slice %arg6[%mul3A_194] : memref<5120xi32, #tpu.memory_space<vmem>> -> memref<128xi32, #tpu.memory_space<vmem>>
        %dma_start3A_201 = arith.constant 0 : i32
        %dma_start3A_202 = arith.constant 0 : i32
        %dma_start3A_203 = tpu.memref_slice %arg2[%dma_start3A_201, %dma_start3A_202] : memref<10000x128xf32, #tpu.memory_space<hbm>> -> memref<10000x128xf32, #tpu.memory_space<hbm>>
        tpu.enqueue_indirect_dma source(%dma_start3A_203 : memref<10000x128xf32, #tpu.memory_space<hbm>>) target(%dma_start3A_199 : memref<128x128xf32, #tpu.memory_space<vmem>>) offsets(%dma_start3A_200 : memref<128xi32, #tpu.memory_space<vmem>>) semaphore(%arg12 : memref<!tpu.dma_semaphore, #tpu.memory_space<semaphore_mem>>)
        %dma_start3A_204 = arith.constant 0 : i32
        %dma_start3A_205 = arith.constant 0 : i32
        %dma_start3A_206 = arith.constant 0 : i32
        %dma_start3A_207 = tpu.memref_slice %arg9[%dma_start3A_204, %dma_start3A_205, %dma_start3A_206] : memref<2x128x128xf32, #tpu.memory_space<vmem>> -> memref<1x128x128xf32, #tpu.memory_space<vmem>>
        %dma_start3A_208 = tpu.memref_squeeze %dma_start3A_207 : memref<1x128x128xf32, #tpu.memory_space<vmem>> -> memref<128x128xf32, #tpu.memory_space<vmem>>
        %dma_start3A_209 = tpu.memref_slice %arg7[%mul3A_194] : memref<5120xi32, #tpu.memory_space<vmem>> -> memref<128xi32, #tpu.memory_space<vmem>>
        %dma_start3A_210 = arith.constant 0 : i32
        %dma_start3A_211 = arith.constant 0 : i32
        %dma_start3A_212 = tpu.memref_slice %arg2[%dma_start3A_210, %dma_start3A_211] : memref<10000x128xf32, #tpu.memory_space<hbm>> -> memref<10000x128xf32, #tpu.memory_space<hbm>>
        tpu.enqueue_indirect_dma source(%dma_start3A_212 : memref<10000x128xf32, #tpu.memory_space<hbm>>) target(%dma_start3A_208 : memref<128x128xf32, #tpu.memory_space<vmem>>) offsets(%dma_start3A_209 : memref<128xi32, #tpu.memory_space<vmem>>) semaphore(%arg12 : memref<!tpu.dma_semaphore, #tpu.memory_space<semaphore_mem>>)
      } else {
      }
      %dma_wait3A_145 = arith.constant 1 : i32
      %dma_wait3A_146 = arith.constant 0 : i32
      %dma_wait3A_147 = arith.constant 0 : i32
      %dma_wait3A_148 = tpu.memref_slice %arg8[%dma_wait3A_145, %dma_wait3A_146, %dma_wait3A_147] : memref<2x128x128xf32, #tpu.memory_space<vmem>> -> memref<1x128x128xf32, #tpu.memory_space<vmem>>
      %dma_wait3A_149 = tpu.memref_squeeze %dma_wait3A_148 : memref<1x128x128xf32, #tpu.memory_space<vmem>> -> memref<128x128xf32, #tpu.memory_space<vmem>>
      %dma_wait3A_150 = arith.constant 0 : i32
      %dma_wait3A_151 = tpu.memref_slice %arg6[%dma_wait3A_150] : memref<5120xi32, #tpu.memory_space<vmem>> -> memref<128xi32, #tpu.memory_space<vmem>>
      %dma_wait3A_152 = arith.constant 0 : i32
      %dma_wait3A_153 = arith.constant 0 : i32
      %dma_wait3A_154 = tpu.memref_slice %arg2[%dma_wait3A_152, %dma_wait3A_153] : memref<10000x128xf32, #tpu.memory_space<hbm>> -> memref<10000x128xf32, #tpu.memory_space<hbm>>
      tpu.wait_indirect_dma semaphore(%arg13 : memref<!tpu.dma_semaphore, #tpu.memory_space<semaphore_mem>>) src(%dma_wait3A_154 : memref<10000x128xf32, #tpu.memory_space<hbm>>) dst(%dma_wait3A_149 : memref<128x128xf32, #tpu.memory_space<vmem>>)
      %dma_wait3A_155 = arith.constant 1 : i32
      %dma_wait3A_156 = arith.constant 0 : i32
      %dma_wait3A_157 = arith.constant 0 : i32
      %dma_wait3A_158 = tpu.memref_slice %arg9[%dma_wait3A_155, %dma_wait3A_156, %dma_wait3A_157] : memref<2x128x128xf32, #tpu.memory_space<vmem>> -> memref<1x128x128xf32, #tpu.memory_space<vmem>>
      %dma_wait3A_159 = tpu.memref_squeeze %dma_wait3A_158 : memref<1x128x128xf32, #tpu.memory_space<vmem>> -> memref<128x128xf32, #tpu.memory_space<vmem>>
      %dma_wait3A_160 = arith.constant 0 : i32
      %dma_wait3A_161 = tpu.memref_slice %arg7[%dma_wait3A_160] : memref<5120xi32, #tpu.memory_space<vmem>> -> memref<128xi32, #tpu.memory_space<vmem>>
      %dma_wait3A_162 = arith.constant 0 : i32
      %dma_wait3A_163 = arith.constant 0 : i32
      %dma_wait3A_164 = tpu.memref_slice %arg2[%dma_wait3A_162, %dma_wait3A_163] : memref<10000x128xf32, #tpu.memory_space<hbm>> -> memref<10000x128xf32, #tpu.memory_space<hbm>>
      tpu.wait_indirect_dma semaphore(%arg13 : memref<!tpu.dma_semaphore, #tpu.memory_space<semaphore_mem>>) src(%dma_wait3A_164 : memref<10000x128xf32, #tpu.memory_space<hbm>>) dst(%dma_wait3A_159 : memref<128x128xf32, #tpu.memory_space<vmem>>)
      %add3A_165 = arith.constant 1 : i32
      %add3A_166 = arith.addi %add3A_77, %add3A_165 : i32
      %scan3A_167 = arith.constant 0 : i32
      %scan3A_168 = arith.constant 16 : i32
      %scan3A_169 = arith.addi %scan3A_167, %scan3A_168 : i32
      %scan3A_170 = arith.constant 1 : i32
      scf.for %scan3A_191 = %scan3A_167 to %scan3A_169 step %scan3A_170  : i32 {
        %mul3A_192 = arith.constant 8 : i32
        %mul3A_193 = arith.muli %scan3A_191, %mul3A_192 : i32
        %add3A_194 = arith.constant 0 : i32
        %add3A_195 = arith.addi %add3A_194, %mul3A_193 : i32
        %mul3A_196 = arith.constant 32 : i32
        %mul3A_197 = arith.muli %add3A_195, %mul3A_196 : i32
        %add3A_198 = arith.constant 0 : i32
        %add3A_199 = arith.addi %add3A_195, %add3A_198 : i32
        %get3A = arith.constant 1 : i32
        %get3A_200 = arith.index_cast %get3A : i32 to index
        %get3A_201 = arith.index_cast %add3A_199 : i32 to index
        %get3A_202 = arith.constant 0 : index
        %get3A_203 = tpu.vector_load %arg8[%get3A_200, %get3A_201, %get3A_202] {strides = array<i32>} : memref<2x128x128xf32, #tpu.memory_space<vmem>>, vector<1x1x16xf32>,
        %get3A_204 = vector.shape_cast %get3A_203 : vector<1x1x16xf32> to vector<1x16xf32>
        %add3A_205 = arith.constant 0 : i32
        %add3A_206 = arith.addi %add3A_195, %add3A_205 : i32
        %get3A_207 = arith.constant 1 : i32
        %get3A_208 = arith.index_cast %get3A_207 : i32 to index
        %get3A_209 = arith.index_cast %add3A_206 : i32 to index
        %get3A_210 = arith.constant 32 : index
        %get3A_211 = tpu.vector_load %arg9[%get3A_208, %get3A_209, %get3A_210] {strides = array<i32>} : memref<2x128x128xf32, #tpu.memory_space<vmem>>, vector<1x1x16xf32>,
        %get3A_212 = vector.shape_cast %get3A_211 : vector<1x1x16xf32> to vector<1x16xf32>
        %add3A_213 = arith.addf %get3A_204, %get3A_212 : vector<1x16xf32>
        %squeeze3A = vector.shape_cast %add3A_213 : vector<1x16xf32> to vector<16xf32>
        %add3A_214 = arith.constant 0 : i32
        %add3A_215 = arith.addi %mul3A_197, %add3A_214 : i32
        %add3A_216 = arith.constant 0 : i32
        %add3A_217 = arith.addi %add3A_215, %add3A_216 : i32
        %swap3A = arith.constant 1 : i32
        %swap3A_218 = arith.index_cast %swap3A : i32 to index
        %swap3A_219 = arith.index_cast %add3A_217 : i32 to index
        %swap3A_220 = tpu.vector_load %arg10[%swap3A_218, %swap3A_219] {strides = array<i32>} : memref<2x4096xf32, #tpu.memory_space<vmem>>, vector<1x16xf32>,
        %swap3A_221 = vector.shape_cast %swap3A_220 : vector<1x16xf32> to vector<16xf32>
        %swap3A_222 = vector.shape_cast %squeeze3A : vector<16xf32> to vector<1x16xf32>
        tpu.vector_store %arg10[%swap3A_218, %swap3A_219], %swap3A_222 {strides = array<i32>} : memref<2x4096xf32, #tpu.memory_space<vmem>>, vector<1x16xf32>,
        %add3A_223 = arith.constant 0 : i32
        %add3A_224 = arith.addi %add3A_195, %add3A_223 : i32
        %get3A_225 = arith.constant 1 : i32
        %get3A_226 = arith.index_cast %get3A_225 : i32 to index
        %get3A_227 = arith.index_cast %add3A_224 : i32 to index
        %get3A_228 = arith.constant 16 : index
        %get3A_229 = tpu.vector_load %arg8[%get3A_226, %get3A_227, %get3A_228] {strides = array<i32>} : memref<2x128x128xf32, #tpu.memory_space<vmem>>, vector<1x1x16xf32>,
        %get3A_230 = vector.shape_cast %get3A_229 : vector<1x1x16xf32> to vector<1x16xf32>
        %add3A_231 = arith.constant 0 : i32
        %add3A_232 = arith.addi %add3A_195, %add3A_231 : i32
        %get3A_233 = arith.constant 1 : i32
        %get3A_234 = arith.index_cast %get3A_233 : i32 to index
        %get3A_235 = arith.index_cast %add3A_232 : i32 to index
        %get3A_236 = arith.constant 48 : index
        %get3A_237 = tpu.vector_load %arg9[%get3A_234, %get3A_235, %get3A_236] {strides = array<i32>} : memref<2x128x128xf32, #tpu.memory_space<vmem>>, vector<1x1x16xf32>,
        %get3A_238 = vector.shape_cast %get3A_237 : vector<1x1x16xf32> to vector<1x16xf32>
        %add3A_239 = arith.addf %get3A_230, %get3A_238 : vector<1x16xf32>
        %squeeze3A_240 = vector.shape_cast %add3A_239 : vector<1x16xf32> to vector<16xf32>
        %add3A_241 = arith.constant 0 : i32
        %add3A_242 = arith.addi %mul3A_197, %add3A_241 : i32
        %add3A_243 = arith.constant 16 : i32
        %add3A_244 = arith.addi %add3A_242, %add3A_243 : i32
        %swap3A_245 = arith.constant 1 : i32
        %swap3A_246 = arith.index_cast %swap3A_245 : i32 to index
        %swap3A_247 = arith.index_cast %add3A_244 : i32 to index
        %swap3A_248 = tpu.vector_load %arg10[%swap3A_246, %swap3A_247] {strides = array<i32>} : memref<2x4096xf32, #tpu.memory_space<vmem>>, vector<1x16xf32>,
        %swap3A_249 = vector.shape_cast %swap3A_248 : vector<1x16xf32> to vector<16xf32>
        %swap3A_250 = vector.shape_cast %squeeze3A_240 : vector<16xf32> to vector<1x16xf32>
        tpu.vector_store %arg10[%swap3A_246, %swap3A_247], %swap3A_250 {strides = array<i32>} : memref<2x4096xf32, #tpu.memory_space<vmem>>, vector<1x16xf32>,
        %add3A_251 = arith.constant 1 : i32
        %add3A_252 = arith.addi %add3A_195, %add3A_251 : i32
        %get3A_253 = arith.constant 1 : i32
        %get3A_254 = arith.index_cast %get3A_253 : i32 to index
        %get3A_255 = arith.index_cast %add3A_252 : i32 to index
        %get3A_256 = arith.constant 0 : index
        %get3A_257 = tpu.vector_load %arg8[%get3A_254, %get3A_255, %get3A_256] {strides = array<i32>} : memref<2x128x128xf32, #tpu.memory_space<vmem>>, vector<1x1x16xf32>,
        %get3A_258 = vector.shape_cast %get3A_257 : vector<1x1x16xf32> to vector<1x16xf32>
        %add3A_259 = arith.constant 1 : i32
        %add3A_260 = arith.addi %add3A_195, %add3A_259 : i32
        %get3A_261 = arith.constant 1 : i32
        %get3A_262 = arith.index_cast %get3A_261 : i32 to index
        %get3A_263 = arith.index_cast %add3A_260 : i32 to index
        %get3A_264 = arith.constant 32 : index
        %get3A_265 = tpu.vector_load %arg9[%get3A_262, %get3A_263, %get3A_264] {strides = array<i32>} : memref<2x128x128xf32, #tpu.memory_space<vmem>>, vector<1x1x16xf32>,
        %get3A_266 = vector.shape_cast %get3A_265 : vector<1x1x16xf32> to vector<1x16xf32>
        %add3A_267 = arith.addf %get3A_258, %get3A_266 : vector<1x16xf32>
        %squeeze3A_268 = vector.shape_cast %add3A_267 : vector<1x16xf32> to vector<16xf32>
        %add3A_269 = arith.constant 32 : i32
        %add3A_270 = arith.addi %mul3A_197, %add3A_269 : i32
        %add3A_271 = arith.constant 0 : i32
        %add3A_272 = arith.addi %add3A_270, %add3A_271 : i32
        %swap3A_273 = arith.constant 1 : i32
        %swap3A_274 = arith.index_cast %swap3A_273 : i32 to index
        %swap3A_275 = arith.index_cast %add3A_272 : i32 to index
        %swap3A_276 = tpu.vector_load %arg10[%swap3A_274, %swap3A_275] {strides = array<i32>} : memref<2x4096xf32, #tpu.memory_space<vmem>>, vector<1x16xf32>,
        %swap3A_277 = vector.shape_cast %swap3A_276 : vector<1x16xf32> to vector<16xf32>
        %swap3A_278 = vector.shape_cast %squeeze3A_268 : vector<16xf32> to vector<1x16xf32>
        tpu.vector_store %arg10[%swap3A_274, %swap3A_275], %swap3A_278 {strides = array<i32>} : memref<2x4096xf32, #tpu.memory_space<vmem>>, vector<1x16xf32>,
        %add3A_279 = arith.constant 1 : i32
        %add3A_280 = arith.addi %add3A_195, %add3A_279 : i32
        %get3A_281 = arith.constant 1 : i32
        %get3A_282 = arith.index_cast %get3A_281 : i32 to index
        %get3A_283 = arith.index_cast %add3A_280 : i32 to index
        %get3A_284 = arith.constant 16 : index
        %get3A_285 = tpu.vector_load %arg8[%get3A_282, %get3A_283, %get3A_284] {strides = array<i32>} : memref<2x128x128xf32, #tpu.memory_space<vmem>>, vector<1x1x16xf32>,
        %get3A_286 = vector.shape_cast %get3A_285 : vector<1x1x16xf32> to vector<1x16xf32>
        %add3A_287 = arith.constant 1 : i32
        %add3A_288 = arith.addi %add3A_195, %add3A_287 : i32
        %get3A_289 = arith.constant 1 : i32
        %get3A_290 = arith.index_cast %get3A_289 : i32 to index
        %get3A_291 = arith.index_cast %add3A_288 : i32 to index
        %get3A_292 = arith.constant 48 : index
        %get3A_293 = tpu.vector_load %arg9[%get3A_290, %get3A_291, %get3A_292] {strides = array<i32>} : memref<2x128x128xf32, #tpu.memory_space<vmem>>, vector<1x1x16xf32>,
        %get3A_294 = vector.shape_cast %get3A_293 : vector<1x1x16xf32> to vector<1x16xf32>
        %add3A_295 = arith.addf %get3A_286, %get3A_294 : vector<1x16xf32>
        %squeeze3A_296 = vector.shape_cast %add3A_295 : vector<1x16xf32> to vector<16xf32>
        %add3A_297 = arith.constant 32 : i32
        %add3A_298 = arith.addi %mul3A_197, %add3A_297 : i32
        %add3A_299 = arith.constant 16 : i32
        %add3A_300 = arith.addi %add3A_298, %add3A_299 : i32
        %swap3A_301 = arith.constant 1 : i32
        %swap3A_302 = arith.index_cast %swap3A_301 : i32 to index
        %swap3A_303 = arith.index_cast %add3A_300 : i32 to index
        %swap3A_304 = tpu.vector_load %arg10[%swap3A_302, %swap3A_303] {strides = array<i32>} : memref<2x4096xf32, #tpu.memory_space<vmem>>, vector<1x16xf32>,
        %swap3A_305 = vector.shape_cast %swap3A_304 : vector<1x16xf32> to vector<16xf32>
        %swap3A_306 = vector.shape_cast %squeeze3A_296 : vector<16xf32> to vector<1x16xf32>
        tpu.vector_store %arg10[%swap3A_302, %swap3A_303], %swap3A_306 {strides = array<i32>} : memref<2x4096xf32, #tpu.memory_space<vmem>>, vector<1x16xf32>,
        %add3A_307 = arith.constant 2 : i32
        %add3A_308 = arith.addi %add3A_195, %add3A_307 : i32
        %get3A_309 = arith.constant 1 : i32
        %get3A_310 = arith.index_cast %get3A_309 : i32 to index
        %get3A_311 = arith.index_cast %add3A_308 : i32 to index
        %get3A_312 = arith.constant 0 : index
        %get3A_313 = tpu.vector_load %arg8[%get3A_310, %get3A_311, %get3A_312] {strides = array<i32>} : memref<2x128x128xf32, #tpu.memory_space<vmem>>, vector<1x1x16xf32>,
        %get3A_314 = vector.shape_cast %get3A_313 : vector<1x1x16xf32> to vector<1x16xf32>
        %add3A_315 = arith.constant 2 : i32
        %add3A_316 = arith.addi %add3A_195, %add3A_315 : i32
        %get3A_317 = arith.constant 1 : i32
        %get3A_318 = arith.index_cast %get3A_317 : i32 to index
        %get3A_319 = arith.index_cast %add3A_316 : i32 to index
        %get3A_320 = arith.constant 32 : index
        %get3A_321 = tpu.vector_load %arg9[%get3A_318, %get3A_319, %get3A_320] {strides = array<i32>} : memref<2x128x128xf32, #tpu.memory_space<vmem>>, vector<1x1x16xf32>,
        %get3A_322 = vector.shape_cast %get3A_321 : vector<1x1x16xf32> to vector<1x16xf32>
        %add3A_323 = arith.addf %get3A_314, %get3A_322 : vector<1x16xf32>
        %squeeze3A_324 = vector.shape_cast %add3A_323 : vector<1x16xf32> to vector<16xf32>
        %add3A_325 = arith.constant 64 : i32
        %add3A_326 = arith.addi %mul3A_197, %add3A_325 : i32
        %add3A_327 = arith.constant 0 : i32
        %add3A_328 = arith.addi %add3A_326, %add3A_327 : i32
        %swap3A_329 = arith.constant 1 : i32
        %swap3A_330 = arith.index_cast %swap3A_329 : i32 to index
        %swap3A_331 = arith.index_cast %add3A_328 : i32 to index
        %swap3A_332 = tpu.vector_load %arg10[%swap3A_330, %swap3A_331] {strides = array<i32>} : memref<2x4096xf32, #tpu.memory_space<vmem>>, vector<1x16xf32>,
        %swap3A_333 = vector.shape_cast %swap3A_332 : vector<1x16xf32> to vector<16xf32>
        %swap3A_334 = vector.shape_cast %squeeze3A_324 : vector<16xf32> to vector<1x16xf32>
        tpu.vector_store %arg10[%swap3A_330, %swap3A_331], %swap3A_334 {strides = array<i32>} : memref<2x4096xf32, #tpu.memory_space<vmem>>, vector<1x16xf32>,
        %add3A_335 = arith.constant 2 : i32
        %add3A_336 = arith.addi %add3A_195, %add3A_335 : i32
        %get3A_337 = arith.constant 1 : i32
        %get3A_338 = arith.index_cast %get3A_337 : i32 to index
        %get3A_339 = arith.index_cast %add3A_336 : i32 to index
        %get3A_340 = arith.constant 16 : index
        %get3A_341 = tpu.vector_load %arg8[%get3A_338, %get3A_339, %get3A_340] {strides = array<i32>} : memref<2x128x128xf32, #tpu.memory_space<vmem>>, vector<1x1x16xf32>,
        %get3A_342 = vector.shape_cast %get3A_341 : vector<1x1x16xf32> to vector<1x16xf32>
        %add3A_343 = arith.constant 2 : i32
        %add3A_344 = arith.addi %add3A_195, %add3A_343 : i32
        %get3A_345 = arith.constant 1 : i32
        %get3A_346 = arith.index_cast %get3A_345 : i32 to index
        %get3A_347 = arith.index_cast %add3A_344 : i32 to index
        %get3A_348 = arith.constant 48 : index
        %get3A_349 = tpu.vector_load %arg9[%get3A_346, %get3A_347, %get3A_348] {strides = array<i32>} : memref<2x128x128xf32, #tpu.memory_space<vmem>>, vector<1x1x16xf32>,
        %get3A_350 = vector.shape_cast %get3A_349 : vector<1x1x16xf32> to vector<1x16xf32>
        %add3A_351 = arith.addf %get3A_342, %get3A_350 : vector<1x16xf32>
        %squeeze3A_352 = vector.shape_cast %add3A_351 : vector<1x16xf32> to vector<16xf32>
        %add3A_353 = arith.constant 64 : i32
        %add3A_354 = arith.addi %mul3A_197, %add3A_353 : i32
        %add3A_355 = arith.constant 16 : i32
        %add3A_356 = arith.addi %add3A_354, %add3A_355 : i32
        %swap3A_357 = arith.constant 1 : i32
        %swap3A_358 = arith.index_cast %swap3A_357 : i32 to index
        %swap3A_359 = arith.index_cast %add3A_356 : i32 to index
        %swap3A_360 = tpu.vector_load %arg10[%swap3A_358, %swap3A_359] {strides = array<i32>} : memref<2x4096xf32, #tpu.memory_space<vmem>>, vector<1x16xf32>,
        %swap3A_361 = vector.shape_cast %swap3A_360 : vector<1x16xf32> to vector<16xf32>
        %swap3A_362 = vector.shape_cast %squeeze3A_352 : vector<16xf32> to vector<1x16xf32>
        tpu.vector_store %arg10[%swap3A_358, %swap3A_359], %swap3A_362 {strides = array<i32>} : memref<2x4096xf32, #tpu.memory_space<vmem>>, vector<1x16xf32>,
        %add3A_363 = arith.constant 3 : i32
        %add3A_364 = arith.addi %add3A_195, %add3A_363 : i32
        %get3A_365 = arith.constant 1 : i32
        %get3A_366 = arith.index_cast %get3A_365 : i32 to index
        %get3A_367 = arith.index_cast %add3A_364 : i32 to index
        %get3A_368 = arith.constant 0 : index
        %get3A_369 = tpu.vector_load %arg8[%get3A_366, %get3A_367, %get3A_368] {strides = array<i32>} : memref<2x128x128xf32, #tpu.memory_space<vmem>>, vector<1x1x16xf32>,
        %get3A_370 = vector.shape_cast %get3A_369 : vector<1x1x16xf32> to vector<1x16xf32>
        %add3A_371 = arith.constant 3 : i32
        %add3A_372 = arith.addi %add3A_195, %add3A_371 : i32
        %get3A_373 = arith.constant 1 : i32
        %get3A_374 = arith.index_cast %get3A_373 : i32 to index
        %get3A_375 = arith.index_cast %add3A_372 : i32 to index
        %get3A_376 = arith.constant 32 : index
        %get3A_377 = tpu.vector_load %arg9[%get3A_374, %get3A_375, %get3A_376] {strides = array<i32>} : memref<2x128x128xf32, #tpu.memory_space<vmem>>, vector<1x1x16xf32>,
        %get3A_378 = vector.shape_cast %get3A_377 : vector<1x1x16xf32> to vector<1x16xf32>
        %add3A_379 = arith.addf %get3A_370, %get3A_378 : vector<1x16xf32>
        %squeeze3A_380 = vector.shape_cast %add3A_379 : vector<1x16xf32> to vector<16xf32>
        %add3A_381 = arith.constant 96 : i32
        %add3A_382 = arith.addi %mul3A_197, %add3A_381 : i32
        %add3A_383 = arith.constant 0 : i32
        %add3A_384 = arith.addi %add3A_382, %add3A_383 : i32
        %swap3A_385 = arith.constant 1 : i32
        %swap3A_386 = arith.index_cast %swap3A_385 : i32 to index
        %swap3A_387 = arith.index_cast %add3A_384 : i32 to index
        %swap3A_388 = tpu.vector_load %arg10[%swap3A_386, %swap3A_387] {strides = array<i32>} : memref<2x4096xf32, #tpu.memory_space<vmem>>, vector<1x16xf32>,
        %swap3A_389 = vector.shape_cast %swap3A_388 : vector<1x16xf32> to vector<16xf32>
        %swap3A_390 = vector.shape_cast %squeeze3A_380 : vector<16xf32> to vector<1x16xf32>
        tpu.vector_store %arg10[%swap3A_386, %swap3A_387], %swap3A_390 {strides = array<i32>} : memref<2x4096xf32, #tpu.memory_space<vmem>>, vector<1x16xf32>,
        %add3A_391 = arith.constant 3 : i32
        %add3A_392 = arith.addi %add3A_195, %add3A_391 : i32
        %get3A_393 = arith.constant 1 : i32
        %get3A_394 = arith.index_cast %get3A_393 : i32 to index
        %get3A_395 = arith.index_cast %add3A_392 : i32 to index
        %get3A_396 = arith.constant 16 : index
        %get3A_397 = tpu.vector_load %arg8[%get3A_394, %get3A_395, %get3A_396] {strides = array<i32>} : memref<2x128x128xf32, #tpu.memory_space<vmem>>, vector<1x1x16xf32>,
        %get3A_398 = vector.shape_cast %get3A_397 : vector<1x1x16xf32> to vector<1x16xf32>
        %add3A_399 = arith.constant 3 : i32
        %add3A_400 = arith.addi %add3A_195, %add3A_399 : i32
        %get3A_401 = arith.constant 1 : i32
        %get3A_402 = arith.index_cast %get3A_401 : i32 to index
        %get3A_403 = arith.index_cast %add3A_400 : i32 to index
        %get3A_404 = arith.constant 48 : index
        %get3A_405 = tpu.vector_load %arg9[%get3A_402, %get3A_403, %get3A_404] {strides = array<i32>} : memref<2x128x128xf32, #tpu.memory_space<vmem>>, vector<1x1x16xf32>,
        %get3A_406 = vector.shape_cast %get3A_405 : vector<1x1x16xf32> to vector<1x16xf32>
        %add3A_407 = arith.addf %get3A_398, %get3A_406 : vector<1x16xf32>
        %squeeze3A_408 = vector.shape_cast %add3A_407 : vector<1x16xf32> to vector<16xf32>
        %add3A_409 = arith.constant 96 : i32
        %add3A_410 = arith.addi %mul3A_197, %add3A_409 : i32
        %add3A_411 = arith.constant 16 : i32
        %add3A_412 = arith.addi %add3A_410, %add3A_411 : i32
        %swap3A_413 = arith.constant 1 : i32
        %swap3A_414 = arith.index_cast %swap3A_413 : i32 to index
        %swap3A_415 = arith.index_cast %add3A_412 : i32 to index
        %swap3A_416 = tpu.vector_load %arg10[%swap3A_414, %swap3A_415] {strides = array<i32>} : memref<2x4096xf32, #tpu.memory_space<vmem>>, vector<1x16xf32>,
        %swap3A_417 = vector.shape_cast %swap3A_416 : vector<1x16xf32> to vector<16xf32>
        %swap3A_418 = vector.shape_cast %squeeze3A_408 : vector<16xf32> to vector<1x16xf32>
        tpu.vector_store %arg10[%swap3A_414, %swap3A_415], %swap3A_418 {strides = array<i32>} : memref<2x4096xf32, #tpu.memory_space<vmem>>, vector<1x16xf32>,
        %add3A_419 = arith.constant 4 : i32
        %add3A_420 = arith.addi %add3A_195, %add3A_419 : i32
        %get3A_421 = arith.constant 1 : i32
        %get3A_422 = arith.index_cast %get3A_421 : i32 to index
        %get3A_423 = arith.index_cast %add3A_420 : i32 to index
        %get3A_424 = arith.constant 0 : index
        %get3A_425 = tpu.vector_load %arg8[%get3A_422, %get3A_423, %get3A_424] {strides = array<i32>} : memref<2x128x128xf32, #tpu.memory_space<vmem>>, vector<1x1x16xf32>,
        %get3A_426 = vector.shape_cast %get3A_425 : vector<1x1x16xf32> to vector<1x16xf32>
        %add3A_427 = arith.constant 4 : i32
        %add3A_428 = arith.addi %add3A_195, %add3A_427 : i32
        %get3A_429 = arith.constant 1 : i32
        %get3A_430 = arith.index_cast %get3A_429 : i32 to index
        %get3A_431 = arith.index_cast %add3A_428 : i32 to index
        %get3A_432 = arith.constant 32 : index
        %get3A_433 = tpu.vector_load %arg9[%get3A_430, %get3A_431, %get3A_432] {strides = array<i32>} : memref<2x128x128xf32, #tpu.memory_space<vmem>>, vector<1x1x16xf32>,
        %get3A_434 = vector.shape_cast %get3A_433 : vector<1x1x16xf32> to vector<1x16xf32>
        %add3A_435 = arith.addf %get3A_426, %get3A_434 : vector<1x16xf32>
        %squeeze3A_436 = vector.shape_cast %add3A_435 : vector<1x16xf32> to vector<16xf32>
        %add3A_437 = arith.constant 128 : i32
        %add3A_438 = arith.addi %mul3A_197, %add3A_437 : i32
        %add3A_439 = arith.constant 0 : i32
        %add3A_440 = arith.addi %add3A_438, %add3A_439 : i32
        %swap3A_441 = arith.constant 1 : i32
        %swap3A_442 = arith.index_cast %swap3A_441 : i32 to index
        %swap3A_443 = arith.index_cast %add3A_440 : i32 to index
        %swap3A_444 = tpu.vector_load %arg10[%swap3A_442, %swap3A_443] {strides = array<i32>} : memref<2x4096xf32, #tpu.memory_space<vmem>>, vector<1x16xf32>,
        %swap3A_445 = vector.shape_cast %swap3A_444 : vector<1x16xf32> to vector<16xf32>
        %swap3A_446 = vector.shape_cast %squeeze3A_436 : vector<16xf32> to vector<1x16xf32>
        tpu.vector_store %arg10[%swap3A_442, %swap3A_443], %swap3A_446 {strides = array<i32>} : memref<2x4096xf32, #tpu.memory_space<vmem>>, vector<1x16xf32>,
        %add3A_447 = arith.constant 4 : i32
        %add3A_448 = arith.addi %add3A_195, %add3A_447 : i32
        %get3A_449 = arith.constant 1 : i32
        %get3A_450 = arith.index_cast %get3A_449 : i32 to index
        %get3A_451 = arith.index_cast %add3A_448 : i32 to index
        %get3A_452 = arith.constant 16 : index
        %get3A_453 = tpu.vector_load %arg8[%get3A_450, %get3A_451, %get3A_452] {strides = array<i32>} : memref<2x128x128xf32, #tpu.memory_space<vmem>>, vector<1x1x16xf32>,
        %get3A_454 = vector.shape_cast %get3A_453 : vector<1x1x16xf32> to vector<1x16xf32>
        %add3A_455 = arith.constant 4 : i32
        %add3A_456 = arith.addi %add3A_195, %add3A_455 : i32
        %get3A_457 = arith.constant 1 : i32
        %get3A_458 = arith.index_cast %get3A_457 : i32 to index
        %get3A_459 = arith.index_cast %add3A_456 : i32 to index
        %get3A_460 = arith.constant 48 : index
        %get3A_461 = tpu.vector_load %arg9[%get3A_458, %get3A_459, %get3A_460] {strides = array<i32>} : memref<2x128x128xf32, #tpu.memory_space<vmem>>, vector<1x1x16xf32>,
        %get3A_462 = vector.shape_cast %get3A_461 : vector<1x1x16xf32> to vector<1x16xf32>
        %add3A_463 = arith.addf %get3A_454, %get3A_462 : vector<1x16xf32>
        %squeeze3A_464 = vector.shape_cast %add3A_463 : vector<1x16xf32> to vector<16xf32>
        %add3A_465 = arith.constant 128 : i32
        %add3A_466 = arith.addi %mul3A_197, %add3A_465 : i32
        %add3A_467 = arith.constant 16 : i32
        %add3A_468 = arith.addi %add3A_466, %add3A_467 : i32
        %swap3A_469 = arith.constant 1 : i32
        %swap3A_470 = arith.index_cast %swap3A_469 : i32 to index
        %swap3A_471 = arith.index_cast %add3A_468 : i32 to index
        %swap3A_472 = tpu.vector_load %arg10[%swap3A_470, %swap3A_471] {strides = array<i32>} : memref<2x4096xf32, #tpu.memory_space<vmem>>, vector<1x16xf32>,
        %swap3A_473 = vector.shape_cast %swap3A_472 : vector<1x16xf32> to vector<16xf32>
        %swap3A_474 = vector.shape_cast %squeeze3A_464 : vector<16xf32> to vector<1x16xf32>
        tpu.vector_store %arg10[%swap3A_470, %swap3A_471], %swap3A_474 {strides = array<i32>} : memref<2x4096xf32, #tpu.memory_space<vmem>>, vector<1x16xf32>,
        %add3A_475 = arith.constant 5 : i32
        %add3A_476 = arith.addi %add3A_195, %add3A_475 : i32
        %get3A_477 = arith.constant 1 : i32
        %get3A_478 = arith.index_cast %get3A_477 : i32 to index
        %get3A_479 = arith.index_cast %add3A_476 : i32 to index
        %get3A_480 = arith.constant 0 : index
        %get3A_481 = tpu.vector_load %arg8[%get3A_478, %get3A_479, %get3A_480] {strides = array<i32>} : memref<2x128x128xf32, #tpu.memory_space<vmem>>, vector<1x1x16xf32>,
        %get3A_482 = vector.shape_cast %get3A_481 : vector<1x1x16xf32> to vector<1x16xf32>
        %add3A_483 = arith.constant 5 : i32
        %add3A_484 = arith.addi %add3A_195, %add3A_483 : i32
        %get3A_485 = arith.constant 1 : i32
        %get3A_486 = arith.index_cast %get3A_485 : i32 to index
        %get3A_487 = arith.index_cast %add3A_484 : i32 to index
        %get3A_488 = arith.constant 32 : index
        %get3A_489 = tpu.vector_load %arg9[%get3A_486, %get3A_487, %get3A_488] {strides = array<i32>} : memref<2x128x128xf32, #tpu.memory_space<vmem>>, vector<1x1x16xf32>,
        %get3A_490 = vector.shape_cast %get3A_489 : vector<1x1x16xf32> to vector<1x16xf32>
        %add3A_491 = arith.addf %get3A_482, %get3A_490 : vector<1x16xf32>
        %squeeze3A_492 = vector.shape_cast %add3A_491 : vector<1x16xf32> to vector<16xf32>
        %add3A_493 = arith.constant 160 : i32
        %add3A_494 = arith.addi %mul3A_197, %add3A_493 : i32
        %add3A_495 = arith.constant 0 : i32
        %add3A_496 = arith.addi %add3A_494, %add3A_495 : i32
        %swap3A_497 = arith.constant 1 : i32
        %swap3A_498 = arith.index_cast %swap3A_497 : i32 to index
        %swap3A_499 = arith.index_cast %add3A_496 : i32 to index
        %swap3A_500 = tpu.vector_load %arg10[%swap3A_498, %swap3A_499] {strides = array<i32>} : memref<2x4096xf32, #tpu.memory_space<vmem>>, vector<1x16xf32>,
        %swap3A_501 = vector.shape_cast %swap3A_500 : vector<1x16xf32> to vector<16xf32>
        %swap3A_502 = vector.shape_cast %squeeze3A_492 : vector<16xf32> to vector<1x16xf32>
        tpu.vector_store %arg10[%swap3A_498, %swap3A_499], %swap3A_502 {strides = array<i32>} : memref<2x4096xf32, #tpu.memory_space<vmem>>, vector<1x16xf32>,
        %add3A_503 = arith.constant 5 : i32
        %add3A_504 = arith.addi %add3A_195, %add3A_503 : i32
        %get3A_505 = arith.constant 1 : i32
        %get3A_506 = arith.index_cast %get3A_505 : i32 to index
        %get3A_507 = arith.index_cast %add3A_504 : i32 to index
        %get3A_508 = arith.constant 16 : index
        %get3A_509 = tpu.vector_load %arg8[%get3A_506, %get3A_507, %get3A_508] {strides = array<i32>} : memref<2x128x128xf32, #tpu.memory_space<vmem>>, vector<1x1x16xf32>,
        %get3A_510 = vector.shape_cast %get3A_509 : vector<1x1x16xf32> to vector<1x16xf32>
        %add3A_511 = arith.constant 5 : i32
        %add3A_512 = arith.addi %add3A_195, %add3A_511 : i32
        %get3A_513 = arith.constant 1 : i32
        %get3A_514 = arith.index_cast %get3A_513 : i32 to index
        %get3A_515 = arith.index_cast %add3A_512 : i32 to index
        %get3A_516 = arith.constant 48 : index
        %get3A_517 = tpu.vector_load %arg9[%get3A_514, %get3A_515, %get3A_516] {strides = array<i32>} : memref<2x128x128xf32, #tpu.memory_space<vmem>>, vector<1x1x16xf32>,
        %get3A_518 = vector.shape_cast %get3A_517 : vector<1x1x16xf32> to vector<1x16xf32>
        %add3A_519 = arith.addf %get3A_510, %get3A_518 : vector<1x16xf32>
        %squeeze3A_520 = vector.shape_cast %add3A_519 : vector<1x16xf32> to vector<16xf32>
        %add3A_521 = arith.constant 160 : i32
        %add3A_522 = arith.addi %mul3A_197, %add3A_521 : i32
        %add3A_523 = arith.constant 16 : i32
        %add3A_524 = arith.addi %add3A_522, %add3A_523 : i32
        %swap3A_525 = arith.constant 1 : i32
        %swap3A_526 = arith.index_cast %swap3A_525 : i32 to index
        %swap3A_527 = arith.index_cast %add3A_524 : i32 to index
        %swap3A_528 = tpu.vector_load %arg10[%swap3A_526, %swap3A_527] {strides = array<i32>} : memref<2x4096xf32, #tpu.memory_space<vmem>>, vector<1x16xf32>,
        %swap3A_529 = vector.shape_cast %swap3A_528 : vector<1x16xf32> to vector<16xf32>
        %swap3A_530 = vector.shape_cast %squeeze3A_520 : vector<16xf32> to vector<1x16xf32>
        tpu.vector_store %arg10[%swap3A_526, %swap3A_527], %swap3A_530 {strides = array<i32>} : memref<2x4096xf32, #tpu.memory_space<vmem>>, vector<1x16xf32>,
        %add3A_531 = arith.constant 6 : i32
        %add3A_532 = arith.addi %add3A_195, %add3A_531 : i32
        %get3A_533 = arith.constant 1 : i32
        %get3A_534 = arith.index_cast %get3A_533 : i32 to index
        %get3A_535 = arith.index_cast %add3A_532 : i32 to index
        %get3A_536 = arith.constant 0 : index
        %get3A_537 = tpu.vector_load %arg8[%get3A_534, %get3A_535, %get3A_536] {strides = array<i32>} : memref<2x128x128xf32, #tpu.memory_space<vmem>>, vector<1x1x16xf32>,
        %get3A_538 = vector.shape_cast %get3A_537 : vector<1x1x16xf32> to vector<1x16xf32>
        %add3A_539 = arith.constant 6 : i32
        %add3A_540 = arith.addi %add3A_195, %add3A_539 : i32
        %get3A_541 = arith.constant 1 : i32
        %get3A_542 = arith.index_cast %get3A_541 : i32 to index
        %get3A_543 = arith.index_cast %add3A_540 : i32 to index
        %get3A_544 = arith.constant 32 : index
        %get3A_545 = tpu.vector_load %arg9[%get3A_542, %get3A_543, %get3A_544] {strides = array<i32>} : memref<2x128x128xf32, #tpu.memory_space<vmem>>, vector<1x1x16xf32>,
        %get3A_546 = vector.shape_cast %get3A_545 : vector<1x1x16xf32> to vector<1x16xf32>
        %add3A_547 = arith.addf %get3A_538, %get3A_546 : vector<1x16xf32>
        %squeeze3A_548 = vector.shape_cast %add3A_547 : vector<1x16xf32> to vector<16xf32>
        %add3A_549 = arith.constant 192 : i32
        %add3A_550 = arith.addi %mul3A_197, %add3A_549 : i32
        %add3A_551 = arith.constant 0 : i32
        %add3A_552 = arith.addi %add3A_550, %add3A_551 : i32
        %swap3A_553 = arith.constant 1 : i32
        %swap3A_554 = arith.index_cast %swap3A_553 : i32 to index
        %swap3A_555 = arith.index_cast %add3A_552 : i32 to index
        %swap3A_556 = tpu.vector_load %arg10[%swap3A_554, %swap3A_555] {strides = array<i32>} : memref<2x4096xf32, #tpu.memory_space<vmem>>, vector<1x16xf32>,
        %swap3A_557 = vector.shape_cast %swap3A_556 : vector<1x16xf32> to vector<16xf32>
        %swap3A_558 = vector.shape_cast %squeeze3A_548 : vector<16xf32> to vector<1x16xf32>
        tpu.vector_store %arg10[%swap3A_554, %swap3A_555], %swap3A_558 {strides = array<i32>} : memref<2x4096xf32, #tpu.memory_space<vmem>>, vector<1x16xf32>,
        %add3A_559 = arith.constant 6 : i32
        %add3A_560 = arith.addi %add3A_195, %add3A_559 : i32
        %get3A_561 = arith.constant 1 : i32
        %get3A_562 = arith.index_cast %get3A_561 : i32 to index
        %get3A_563 = arith.index_cast %add3A_560 : i32 to index
        %get3A_564 = arith.constant 16 : index
        %get3A_565 = tpu.vector_load %arg8[%get3A_562, %get3A_563, %get3A_564] {strides = array<i32>} : memref<2x128x128xf32, #tpu.memory_space<vmem>>, vector<1x1x16xf32>,
        %get3A_566 = vector.shape_cast %get3A_565 : vector<1x1x16xf32> to vector<1x16xf32>
        %add3A_567 = arith.constant 6 : i32
        %add3A_568 = arith.addi %add3A_195, %add3A_567 : i32
        %get3A_569 = arith.constant 1 : i32
        %get3A_570 = arith.index_cast %get3A_569 : i32 to index
        %get3A_571 = arith.index_cast %add3A_568 : i32 to index
        %get3A_572 = arith.constant 48 : index
        %get3A_573 = tpu.vector_load %arg9[%get3A_570, %get3A_571, %get3A_572] {strides = array<i32>} : memref<2x128x128xf32, #tpu.memory_space<vmem>>, vector<1x1x16xf32>,
        %get3A_574 = vector.shape_cast %get3A_573 : vector<1x1x16xf32> to vector<1x16xf32>
        %add3A_575 = arith.addf %get3A_566, %get3A_574 : vector<1x16xf32>
        %squeeze3A_576 = vector.shape_cast %add3A_575 : vector<1x16xf32> to vector<16xf32>
        %add3A_577 = arith.constant 192 : i32
        %add3A_578 = arith.addi %mul3A_197, %add3A_577 : i32
        %add3A_579 = arith.constant 16 : i32
        %add3A_580 = arith.addi %add3A_578, %add3A_579 : i32
        %swap3A_581 = arith.constant 1 : i32
        %swap3A_582 = arith.index_cast %swap3A_581 : i32 to index
        %swap3A_583 = arith.index_cast %add3A_580 : i32 to index
        %swap3A_584 = tpu.vector_load %arg10[%swap3A_582, %swap3A_583] {strides = array<i32>} : memref<2x4096xf32, #tpu.memory_space<vmem>>, vector<1x16xf32>,
        %swap3A_585 = vector.shape_cast %swap3A_584 : vector<1x16xf32> to vector<16xf32>
        %swap3A_586 = vector.shape_cast %squeeze3A_576 : vector<16xf32> to vector<1x16xf32>
        tpu.vector_store %arg10[%swap3A_582, %swap3A_583], %swap3A_586 {strides = array<i32>} : memref<2x4096xf32, #tpu.memory_space<vmem>>, vector<1x16xf32>,
        %add3A_587 = arith.constant 7 : i32
        %add3A_588 = arith.addi %add3A_195, %add3A_587 : i32
        %get3A_589 = arith.constant 1 : i32
        %get3A_590 = arith.index_cast %get3A_589 : i32 to index
        %get3A_591 = arith.index_cast %add3A_588 : i32 to index
        %get3A_592 = arith.constant 0 : index
        %get3A_593 = tpu.vector_load %arg8[%get3A_590, %get3A_591, %get3A_592] {strides = array<i32>} : memref<2x128x128xf32, #tpu.memory_space<vmem>>, vector<1x1x16xf32>,
        %get3A_594 = vector.shape_cast %get3A_593 : vector<1x1x16xf32> to vector<1x16xf32>
        %add3A_595 = arith.constant 7 : i32
        %add3A_596 = arith.addi %add3A_195, %add3A_595 : i32
        %get3A_597 = arith.constant 1 : i32
        %get3A_598 = arith.index_cast %get3A_597 : i32 to index
        %get3A_599 = arith.index_cast %add3A_596 : i32 to index
        %get3A_600 = arith.constant 32 : index
        %get3A_601 = tpu.vector_load %arg9[%get3A_598, %get3A_599, %get3A_600] {strides = array<i32>} : memref<2x128x128xf32, #tpu.memory_space<vmem>>, vector<1x1x16xf32>,
        %get3A_602 = vector.shape_cast %get3A_601 : vector<1x1x16xf32> to vector<1x16xf32>
        %add3A_603 = arith.addf %get3A_594, %get3A_602 : vector<1x16xf32>
        %squeeze3A_604 = vector.shape_cast %add3A_603 : vector<1x16xf32> to vector<16xf32>
        %add3A_605 = arith.constant 224 : i32
        %add3A_606 = arith.addi %mul3A_197, %add3A_605 : i32
        %add3A_607 = arith.constant 0 : i32
        %add3A_608 = arith.addi %add3A_606, %add3A_607 : i32
        %swap3A_609 = arith.constant 1 : i32
        %swap3A_610 = arith.index_cast %swap3A_609 : i32 to index
        %swap3A_611 = arith.index_cast %add3A_608 : i32 to index
        %swap3A_612 = tpu.vector_load %arg10[%swap3A_610, %swap3A_611] {strides = array<i32>} : memref<2x4096xf32, #tpu.memory_space<vmem>>, vector<1x16xf32>,
        %swap3A_613 = vector.shape_cast %swap3A_612 : vector<1x16xf32> to vector<16xf32>
        %swap3A_614 = vector.shape_cast %squeeze3A_604 : vector<16xf32> to vector<1x16xf32>
        tpu.vector_store %arg10[%swap3A_610, %swap3A_611], %swap3A_614 {strides = array<i32>} : memref<2x4096xf32, #tpu.memory_space<vmem>>, vector<1x16xf32>,
        %add3A_615 = arith.constant 7 : i32
        %add3A_616 = arith.addi %add3A_195, %add3A_615 : i32
        %get3A_617 = arith.constant 1 : i32
        %get3A_618 = arith.index_cast %get3A_617 : i32 to index
        %get3A_619 = arith.index_cast %add3A_616 : i32 to index
        %get3A_620 = arith.constant 16 : index
        %get3A_621 = tpu.vector_load %arg8[%get3A_618, %get3A_619, %get3A_620] {strides = array<i32>} : memref<2x128x128xf32, #tpu.memory_space<vmem>>, vector<1x1x16xf32>,
        %get3A_622 = vector.shape_cast %get3A_621 : vector<1x1x16xf32> to vector<1x16xf32>
        %add3A_623 = arith.constant 7 : i32
        %add3A_624 = arith.addi %add3A_195, %add3A_623 : i32
        %get3A_625 = arith.constant 1 : i32
        %get3A_626 = arith.index_cast %get3A_625 : i32 to index
        %get3A_627 = arith.index_cast %add3A_624 : i32 to index
        %get3A_628 = arith.constant 48 : index
        %get3A_629 = tpu.vector_load %arg9[%get3A_626, %get3A_627, %get3A_628] {strides = array<i32>} : memref<2x128x128xf32, #tpu.memory_space<vmem>>, vector<1x1x16xf32>,
        %get3A_630 = vector.shape_cast %get3A_629 : vector<1x1x16xf32> to vector<1x16xf32>
        %add3A_631 = arith.addf %get3A_622, %get3A_630 : vector<1x16xf32>
        %squeeze3A_632 = vector.shape_cast %add3A_631 : vector<1x16xf32> to vector<16xf32>
        %add3A_633 = arith.constant 224 : i32
        %add3A_634 = arith.addi %mul3A_197, %add3A_633 : i32
        %add3A_635 = arith.constant 16 : i32
        %add3A_636 = arith.addi %add3A_634, %add3A_635 : i32
        %swap3A_637 = arith.constant 1 : i32
        %swap3A_638 = arith.index_cast %swap3A_637 : i32 to index
        %swap3A_639 = arith.index_cast %add3A_636 : i32 to index
        %swap3A_640 = tpu.vector_load %arg10[%swap3A_638, %swap3A_639] {strides = array<i32>} : memref<2x4096xf32, #tpu.memory_space<vmem>>, vector<1x16xf32>,
        %swap3A_641 = vector.shape_cast %swap3A_640 : vector<1x16xf32> to vector<16xf32>
        %swap3A_642 = vector.shape_cast %squeeze3A_632 : vector<16xf32> to vector<1x16xf32>
        tpu.vector_store %arg10[%swap3A_638, %swap3A_639], %swap3A_642 {strides = array<i32>} : memref<2x4096xf32, #tpu.memory_space<vmem>>, vector<1x16xf32>,
      }
      %scan3A_171 = arith.constant 16 : i32
      %ge3A_172 = arith.constant 2 : i32
      %ge3A_173 = arith.cmpi sge, %add3A_166, %ge3A_172 : i32
      %convert_element_type3A_174 = arith.extui %ge3A_173 : i1 to i32
      %cond3A_175 = arith.constant 0 : i32
      %cond3A_176 = arith.cmpi ne, %convert_element_type3A_174, %cond3A_175 : i32
      scf.if %cond3A_176 {
        %mul3A_191 = arith.constant 32 : i32
        %mul3A_192 = arith.muli %mul3A_10, %mul3A_191 : i32
        %dma_wait3A_193 = arith.constant 1 : i32
        %dma_wait3A_194 = arith.constant 0 : i32
        %dma_wait3A_195 = tpu.memref_slice %arg10[%dma_wait3A_193, %dma_wait3A_194] : memref<2x4096xf32, #tpu.memory_space<vmem>> -> memref<1x4096xf32, #tpu.memory_space<vmem>>
        %dma_wait3A_196 = tpu.memref_squeeze %dma_wait3A_195 : memref<1x4096xf32, #tpu.memory_space<vmem>> -> memref<4096xf32, #tpu.memory_space<vmem>>
        %dma_wait3A_197 = tpu.memref_slice %arg5[%mul3A_192] : memref<5242880xf32, #tpu.memory_space<hbm>> -> memref<4096xf32, #tpu.memory_space<hbm>>
        %dma_wait3A_198 = tpu.memref_slice %arg5[%mul3A_192] : memref<5242880xf32, #tpu.memory_space<hbm>> -> memref<4096xf32, #tpu.memory_space<hbm>>
        %dma_wait3A_199 = arith.constant 0 : i32
        %dma_wait3A_200 = tpu.memref_slice %arg10[%dma_wait3A_193, %dma_wait3A_199] : memref<2x4096xf32, #tpu.memory_space<vmem>> -> memref<1x4096xf32, #tpu.memory_space<vmem>>
        %dma_wait3A_201 = tpu.memref_squeeze %dma_wait3A_200 : memref<1x4096xf32, #tpu.memory_space<vmem>> -> memref<4096xf32, #tpu.memory_space<vmem>>
        tpu.wait_dma2 semaphore(%arg15 : memref<!tpu.dma_semaphore, #tpu.memory_space<semaphore_mem>>) src(%dma_wait3A_201 : memref<4096xf32, #tpu.memory_space<vmem>>) dst(%dma_wait3A_198 : memref<4096xf32, #tpu.memory_space<hbm>>)
      } else {
      }
      %mul3A_177 = arith.constant 128 : i32
      %mul3A_178 = arith.muli %add3A_166, %mul3A_177 : i32
      %add3A_179 = arith.addi %mul3A_10, %mul3A_178 : i32
      %mul3A_180 = arith.constant 32 : i32
      %mul3A_181 = arith.muli %add3A_179, %mul3A_180 : i32
      %dma_start3A_182 = arith.constant 1 : i32
      %dma_start3A_183 = arith.constant 0 : i32
      %dma_start3A_184 = tpu.memref_slice %arg10[%dma_start3A_182, %dma_start3A_183] : memref<2x4096xf32, #tpu.memory_space<vmem>> -> memref<1x4096xf32, #tpu.memory_space<vmem>>
      %dma_start3A_185 = tpu.memref_squeeze %dma_start3A_184 : memref<1x4096xf32, #tpu.memory_space<vmem>> -> memref<4096xf32, #tpu.memory_space<vmem>>
      %dma_start3A_186 = tpu.memref_slice %arg5[%mul3A_181] : memref<5242880xf32, #tpu.memory_space<hbm>> -> memref<4096xf32, #tpu.memory_space<hbm>>
      %dma_start3A_187 = tpu.memref_slice %arg5[%mul3A_181] : memref<5242880xf32, #tpu.memory_space<hbm>> -> memref<4096xf32, #tpu.memory_space<hbm>>
      %dma_start3A_188 = arith.constant 0 : i32
      %dma_start3A_189 = tpu.memref_slice %arg10[%dma_start3A_182, %dma_start3A_188] : memref<2x4096xf32, #tpu.memory_space<vmem>> -> memref<1x4096xf32, #tpu.memory_space<vmem>>
      %dma_start3A_190 = tpu.memref_squeeze %dma_start3A_189 : memref<1x4096xf32, #tpu.memory_space<vmem>> -> memref<4096xf32, #tpu.memory_space<vmem>>
      tpu.enqueue_dma source(%dma_start3A_190 : memref<4096xf32, #tpu.memory_space<vmem>>) target(%dma_start3A_187 : memref<4096xf32, #tpu.memory_space<hbm>>) target_semaphore(%arg15 : memref<!tpu.dma_semaphore, #tpu.memory_space<semaphore_mem>>)
    }
    %while3A_52 = arith.constant 1 : i32
    scf.for %while3A_75 = %while3A_50 to %while3A_46 step %while3A_52  : i32 {
      %mul3A_76 = arith.muli %while3A_75, %while3A : i32
      %add3A_77 = arith.addi %while3A_43, %mul3A_76 : i32
      %add3A_78 = arith.constant 1 : i32
      %add3A_79 = arith.addi %add3A_77, %add3A_78 : i32
      %mul3A_80 = arith.constant 128 : i32
      %mul3A_81 = arith.muli %add3A_79, %mul3A_80 : i32
      %dma_start3A_82 = arith.constant 1 : i32
      %dma_start3A_83 = arith.constant 0 : i32
      %dma_start3A_84 = arith.constant 0 : i32
      %dma_start3A_85 = tpu.memref_slice %arg8[%dma_start3A_82, %dma_start3A_83, %dma_start3A_84] : memref<2x128x128xf32, #tpu.memory_space<vmem>> -> memref<1x128x128xf32, #tpu.memory_space<vmem>>
      %dma_start3A_86 = tpu.memref_squeeze %dma_start3A_85 : memref<1x128x128xf32, #tpu.memory_space<vmem>> -> memref<128x128xf32, #tpu.memory_space<vmem>>
      %dma_start3A_87 = tpu.memref_slice %arg6[%mul3A_81] : memref<5120xi32, #tpu.memory_space<vmem>> -> memref<128xi32, #tpu.memory_space<vmem>>
      %dma_start3A_88 = arith.constant 0 : i32
      %dma_start3A_89 = arith.constant 0 : i32
      %dma_start3A_90 = tpu.memref_slice %arg2[%dma_start3A_88, %dma_start3A_89] : memref<10000x128xf32, #tpu.memory_space<hbm>> -> memref<10000x128xf32, #tpu.memory_space<hbm>>
      tpu.enqueue_indirect_dma source(%dma_start3A_90 : memref<10000x128xf32, #tpu.memory_space<hbm>>) target(%dma_start3A_86 : memref<128x128xf32, #tpu.memory_space<vmem>>) offsets(%dma_start3A_87 : memref<128xi32, #tpu.memory_space<vmem>>) semaphore(%arg13 : memref<!tpu.dma_semaphore, #tpu.memory_space<semaphore_mem>>)
      %dma_start3A_91 = arith.constant 1 : i32
      %dma_start3A_92 = arith.constant 0 : i32
      %dma_start3A_93 = arith.constant 0 : i32
      %dma_start3A_94 = tpu.memref_slice %arg9[%dma_start3A_91, %dma_start3A_92, %dma_start3A_93] : memref<2x128x128xf32, #tpu.memory_space<vmem>> -> memref<1x128x128xf32, #tpu.memory_space<vmem>>
      %dma_start3A_95 = tpu.memref_squeeze %dma_start3A_94 : memref<1x128x128xf32, #tpu.memory_space<vmem>> -> memref<128x128xf32, #tpu.memory_space<vmem>>
      %dma_start3A_96 = tpu.memref_slice %arg7[%mul3A_81] : memref<5120xi32, #tpu.memory_space<vmem>> -> memref<128xi32, #tpu.memory_space<vmem>>
      %dma_start3A_97 = arith.constant 0 : i32
      %dma_start3A_98 = arith.constant 0 : i32
      %dma_start3A_99 = tpu.memref_slice %arg2[%dma_start3A_97, %dma_start3A_98] : memref<10000x128xf32, #tpu.memory_space<hbm>> -> memref<10000x128xf32, #tpu.memory_space<hbm>>
      tpu.enqueue_indirect_dma source(%dma_start3A_99 : memref<10000x128xf32, #tpu.memory_space<hbm>>) target(%dma_start3A_95 : memref<128x128xf32, #tpu.memory_space<vmem>>) offsets(%dma_start3A_96 : memref<128xi32, #tpu.memory_space<vmem>>) semaphore(%arg13 : memref<!tpu.dma_semaphore, #tpu.memory_space<semaphore_mem>>)
      %dma_wait3A_100 = arith.constant 0 : i32
      %dma_wait3A_101 = arith.constant 0 : i32
      %dma_wait3A_102 = arith.constant 0 : i32
      %dma_wait3A_103 = tpu.memref_slice %arg8[%dma_wait3A_100, %dma_wait3A_101, %dma_wait3A_102] : memref<2x128x128xf32, #tpu.memory_space<vmem>> -> memref<1x128x128xf32, #tpu.memory_space<vmem>>
      %dma_wait3A_104 = tpu.memref_squeeze %dma_wait3A_103 : memref<1x128x128xf32, #tpu.memory_space<vmem>> -> memref<128x128xf32, #tpu.memory_space<vmem>>
      %dma_wait3A_105 = arith.constant 0 : i32
      %dma_wait3A_106 = tpu.memref_slice %arg6[%dma_wait3A_105] : memref<5120xi32, #tpu.memory_space<vmem>> -> memref<128xi32, #tpu.memory_space<vmem>>
      %dma_wait3A_107 = arith.constant 0 : i32
      %dma_wait3A_108 = arith.constant 0 : i32
      %dma_wait3A_109 = tpu.memref_slice %arg2[%dma_wait3A_107, %dma_wait3A_108] : memref<10000x128xf32, #tpu.memory_space<hbm>> -> memref<10000x128xf32, #tpu.memory_space<hbm>>
      tpu.wait_indirect_dma semaphore(%arg12 : memref<!tpu.dma_semaphore, #tpu.memory_space<semaphore_mem>>) src(%dma_wait3A_109 : memref<10000x128xf32, #tpu.memory_space<hbm>>) dst(%dma_wait3A_104 : memref<128x128xf32, #tpu.memory_space<vmem>>)
      %dma_wait3A_110 = arith.constant 0 : i32
      %dma_wait3A_111 = arith.constant 0 : i32
      %dma_wait3A_112 = arith.constant 0 : i32
      %dma_wait3A_113 = tpu.memref_slice %arg9[%dma_wait3A_110, %dma_wait3A_111, %dma_wait3A_112] : memref<2x128x128xf32, #tpu.memory_space<vmem>> -> memref<1x128x128xf32, #tpu.memory_space<vmem>>
      %dma_wait3A_114 = tpu.memref_squeeze %dma_wait3A_113 : memref<1x128x128xf32, #tpu.memory_space<vmem>> -> memref<128x128xf32, #tpu.memory_space<vmem>>
      %dma_wait3A_115 = arith.constant 0 : i32
      %dma_wait3A_116 = tpu.memref_slice %arg7[%dma_wait3A_115] : memref<5120xi32, #tpu.memory_space<vmem>> -> memref<128xi32, #tpu.memory_space<vmem>>
      %dma_wait3A_117 = arith.constant 0 : i32
      %dma_wait3A_118 = arith.constant 0 : i32
      %dma_wait3A_119 = tpu.memref_slice %arg2[%dma_wait3A_117, %dma_wait3A_118] : memref<10000x128xf32, #tpu.memory_space<hbm>> -> memref<10000x128xf32, #tpu.memory_space<hbm>>
      tpu.wait_indirect_dma semaphore(%arg12 : memref<!tpu.dma_semaphore, #tpu.memory_space<semaphore_mem>>) src(%dma_wait3A_119 : memref<10000x128xf32, #tpu.memory_space<hbm>>) dst(%dma_wait3A_114 : memref<128x128xf32, #tpu.memory_space<vmem>>)
      %scan3A = arith.constant 0 : i32
      %scan3A_120 = arith.constant 16 : i32
      %scan3A_121 = arith.addi %scan3A, %scan3A_120 : i32
      %scan3A_122 = arith.constant 1 : i32
      scf.for %scan3A_191 = %scan3A to %scan3A_121 step %scan3A_122  : i32 {
        %mul3A_192 = arith.constant 8 : i32
        %mul3A_193 = arith.muli %scan3A_191, %mul3A_192 : i32
        %add3A_194 = arith.constant 0 : i32
        %add3A_195 = arith.addi %add3A_194, %mul3A_193 : i32
        %mul3A_196 = arith.constant 32 : i32
        %mul3A_197 = arith.muli %add3A_195, %mul3A_196 : i32
        %add3A_198 = arith.constant 0 : i32
        %add3A_199 = arith.addi %add3A_195, %add3A_198 : i32
        %get3A = arith.constant 0 : i32
        %get3A_200 = arith.index_cast %get3A : i32 to index
        %get3A_201 = arith.index_cast %add3A_199 : i32 to index
        %get3A_202 = arith.constant 0 : index
        %get3A_203 = tpu.vector_load %arg8[%get3A_200, %get3A_201, %get3A_202] {strides = array<i32>} : memref<2x128x128xf32, #tpu.memory_space<vmem>>, vector<1x1x16xf32>,
        %get3A_204 = vector.shape_cast %get3A_203 : vector<1x1x16xf32> to vector<1x16xf32>
        %add3A_205 = arith.constant 0 : i32
        %add3A_206 = arith.addi %add3A_195, %add3A_205 : i32
        %get3A_207 = arith.constant 0 : i32
        %get3A_208 = arith.index_cast %get3A_207 : i32 to index
        %get3A_209 = arith.index_cast %add3A_206 : i32 to index
        %get3A_210 = arith.constant 32 : index
        %get3A_211 = tpu.vector_load %arg9[%get3A_208, %get3A_209, %get3A_210] {strides = array<i32>} : memref<2x128x128xf32, #tpu.memory_space<vmem>>, vector<1x1x16xf32>,
        %get3A_212 = vector.shape_cast %get3A_211 : vector<1x1x16xf32> to vector<1x16xf32>
        %add3A_213 = arith.addf %get3A_204, %get3A_212 : vector<1x16xf32>
        %squeeze3A = vector.shape_cast %add3A_213 : vector<1x16xf32> to vector<16xf32>
        %add3A_214 = arith.constant 0 : i32
        %add3A_215 = arith.addi %mul3A_197, %add3A_214 : i32
        %add3A_216 = arith.constant 0 : i32
        %add3A_217 = arith.addi %add3A_215, %add3A_216 : i32
        %swap3A = arith.constant 0 : i32
        %swap3A_218 = arith.index_cast %swap3A : i32 to index
        %swap3A_219 = arith.index_cast %add3A_217 : i32 to index
        %swap3A_220 = tpu.vector_load %arg10[%swap3A_218, %swap3A_219] {strides = array<i32>} : memref<2x4096xf32, #tpu.memory_space<vmem>>, vector<1x16xf32>,
        %swap3A_221 = vector.shape_cast %swap3A_220 : vector<1x16xf32> to vector<16xf32>
        %swap3A_222 = vector.shape_cast %squeeze3A : vector<16xf32> to vector<1x16xf32>
        tpu.vector_store %arg10[%swap3A_218, %swap3A_219], %swap3A_222 {strides = array<i32>} : memref<2x4096xf32, #tpu.memory_space<vmem>>, vector<1x16xf32>,
        %add3A_223 = arith.constant 0 : i32
        %add3A_224 = arith.addi %add3A_195, %add3A_223 : i32
        %get3A_225 = arith.constant 0 : i32
        %get3A_226 = arith.index_cast %get3A_225 : i32 to index
        %get3A_227 = arith.index_cast %add3A_224 : i32 to index
        %get3A_228 = arith.constant 16 : index
        %get3A_229 = tpu.vector_load %arg8[%get3A_226, %get3A_227, %get3A_228] {strides = array<i32>} : memref<2x128x128xf32, #tpu.memory_space<vmem>>, vector<1x1x16xf32>,
        %get3A_230 = vector.shape_cast %get3A_229 : vector<1x1x16xf32> to vector<1x16xf32>
        %add3A_231 = arith.constant 0 : i32
        %add3A_232 = arith.addi %add3A_195, %add3A_231 : i32
        %get3A_233 = arith.constant 0 : i32
        %get3A_234 = arith.index_cast %get3A_233 : i32 to index
        %get3A_235 = arith.index_cast %add3A_232 : i32 to index
        %get3A_236 = arith.constant 48 : index
        %get3A_237 = tpu.vector_load %arg9[%get3A_234, %get3A_235, %get3A_236] {strides = array<i32>} : memref<2x128x128xf32, #tpu.memory_space<vmem>>, vector<1x1x16xf32>,
        %get3A_238 = vector.shape_cast %get3A_237 : vector<1x1x16xf32> to vector<1x16xf32>
        %add3A_239 = arith.addf %get3A_230, %get3A_238 : vector<1x16xf32>
        %squeeze3A_240 = vector.shape_cast %add3A_239 : vector<1x16xf32> to vector<16xf32>
        %add3A_241 = arith.constant 0 : i32
        %add3A_242 = arith.addi %mul3A_197, %add3A_241 : i32
        %add3A_243 = arith.constant 16 : i32
        %add3A_244 = arith.addi %add3A_242, %add3A_243 : i32
        %swap3A_245 = arith.constant 0 : i32
        %swap3A_246 = arith.index_cast %swap3A_245 : i32 to index
        %swap3A_247 = arith.index_cast %add3A_244 : i32 to index
        %swap3A_248 = tpu.vector_load %arg10[%swap3A_246, %swap3A_247] {strides = array<i32>} : memref<2x4096xf32, #tpu.memory_space<vmem>>, vector<1x16xf32>,
        %swap3A_249 = vector.shape_cast %swap3A_248 : vector<1x16xf32> to vector<16xf32>
        %swap3A_250 = vector.shape_cast %squeeze3A_240 : vector<16xf32> to vector<1x16xf32>
        tpu.vector_store %arg10[%swap3A_246, %swap3A_247], %swap3A_250 {strides = array<i32>} : memref<2x4096xf32, #tpu.memory_space<vmem>>, vector<1x16xf32>,
        %add3A_251 = arith.constant 1 : i32
        %add3A_252 = arith.addi %add3A_195, %add3A_251 : i32
        %get3A_253 = arith.constant 0 : i32
        %get3A_254 = arith.index_cast %get3A_253 : i32 to index
        %get3A_255 = arith.index_cast %add3A_252 : i32 to index
        %get3A_256 = arith.constant 0 : index
        %get3A_257 = tpu.vector_load %arg8[%get3A_254, %get3A_255, %get3A_256] {strides = array<i32>} : memref<2x128x128xf32, #tpu.memory_space<vmem>>, vector<1x1x16xf32>,
        %get3A_258 = vector.shape_cast %get3A_257 : vector<1x1x16xf32> to vector<1x16xf32>
        %add3A_259 = arith.constant 1 : i32
        %add3A_260 = arith.addi %add3A_195, %add3A_259 : i32
        %get3A_261 = arith.constant 0 : i32
        %get3A_262 = arith.index_cast %get3A_261 : i32 to index
        %get3A_263 = arith.index_cast %add3A_260 : i32 to index
        %get3A_264 = arith.constant 32 : index
        %get3A_265 = tpu.vector_load %arg9[%get3A_262, %get3A_263, %get3A_264] {strides = array<i32>} : memref<2x128x128xf32, #tpu.memory_space<vmem>>, vector<1x1x16xf32>,
        %get3A_266 = vector.shape_cast %get3A_265 : vector<1x1x16xf32> to vector<1x16xf32>
        %add3A_267 = arith.addf %get3A_258, %get3A_266 : vector<1x16xf32>
        %squeeze3A_268 = vector.shape_cast %add3A_267 : vector<1x16xf32> to vector<16xf32>
        %add3A_269 = arith.constant 32 : i32
        %add3A_270 = arith.addi %mul3A_197, %add3A_269 : i32
        %add3A_271 = arith.constant 0 : i32
        %add3A_272 = arith.addi %add3A_270, %add3A_271 : i32
        %swap3A_273 = arith.constant 0 : i32
        %swap3A_274 = arith.index_cast %swap3A_273 : i32 to index
        %swap3A_275 = arith.index_cast %add3A_272 : i32 to index
        %swap3A_276 = tpu.vector_load %arg10[%swap3A_274, %swap3A_275] {strides = array<i32>} : memref<2x4096xf32, #tpu.memory_space<vmem>>, vector<1x16xf32>,
        %swap3A_277 = vector.shape_cast %swap3A_276 : vector<1x16xf32> to vector<16xf32>
        %swap3A_278 = vector.shape_cast %squeeze3A_268 : vector<16xf32> to vector<1x16xf32>
        tpu.vector_store %arg10[%swap3A_274, %swap3A_275], %swap3A_278 {strides = array<i32>} : memref<2x4096xf32, #tpu.memory_space<vmem>>, vector<1x16xf32>,
        %add3A_279 = arith.constant 1 : i32
        %add3A_280 = arith.addi %add3A_195, %add3A_279 : i32
        %get3A_281 = arith.constant 0 : i32
        %get3A_282 = arith.index_cast %get3A_281 : i32 to index
        %get3A_283 = arith.index_cast %add3A_280 : i32 to index
        %get3A_284 = arith.constant 16 : index
        %get3A_285 = tpu.vector_load %arg8[%get3A_282, %get3A_283, %get3A_284] {strides = array<i32>} : memref<2x128x128xf32, #tpu.memory_space<vmem>>, vector<1x1x16xf32>,
        %get3A_286 = vector.shape_cast %get3A_285 : vector<1x1x16xf32> to vector<1x16xf32>
        %add3A_287 = arith.constant 1 : i32
        %add3A_288 = arith.addi %add3A_195, %add3A_287 : i32
        %get3A_289 = arith.constant 0 : i32
        %get3A_290 = arith.index_cast %get3A_289 : i32 to index
        %get3A_291 = arith.index_cast %add3A_288 : i32 to index
        %get3A_292 = arith.constant 48 : index
        %get3A_293 = tpu.vector_load %arg9[%get3A_290, %get3A_291, %get3A_292] {strides = array<i32>} : memref<2x128x128xf32, #tpu.memory_space<vmem>>, vector<1x1x16xf32>,
        %get3A_294 = vector.shape_cast %get3A_293 : vector<1x1x16xf32> to vector<1x16xf32>
        %add3A_295 = arith.addf %get3A_286, %get3A_294 : vector<1x16xf32>
        %squeeze3A_296 = vector.shape_cast %add3A_295 : vector<1x16xf32> to vector<16xf32>
        %add3A_297 = arith.constant 32 : i32
        %add3A_298 = arith.addi %mul3A_197, %add3A_297 : i32
        %add3A_299 = arith.constant 16 : i32
        %add3A_300 = arith.addi %add3A_298, %add3A_299 : i32
        %swap3A_301 = arith.constant 0 : i32
        %swap3A_302 = arith.index_cast %swap3A_301 : i32 to index
        %swap3A_303 = arith.index_cast %add3A_300 : i32 to index
        %swap3A_304 = tpu.vector_load %arg10[%swap3A_302, %swap3A_303] {strides = array<i32>} : memref<2x4096xf32, #tpu.memory_space<vmem>>, vector<1x16xf32>,
        %swap3A_305 = vector.shape_cast %swap3A_304 : vector<1x16xf32> to vector<16xf32>
        %swap3A_306 = vector.shape_cast %squeeze3A_296 : vector<16xf32> to vector<1x16xf32>
        tpu.vector_store %arg10[%swap3A_302, %swap3A_303], %swap3A_306 {strides = array<i32>} : memref<2x4096xf32, #tpu.memory_space<vmem>>, vector<1x16xf32>,
        %add3A_307 = arith.constant 2 : i32
        %add3A_308 = arith.addi %add3A_195, %add3A_307 : i32
        %get3A_309 = arith.constant 0 : i32
        %get3A_310 = arith.index_cast %get3A_309 : i32 to index
        %get3A_311 = arith.index_cast %add3A_308 : i32 to index
        %get3A_312 = arith.constant 0 : index
        %get3A_313 = tpu.vector_load %arg8[%get3A_310, %get3A_311, %get3A_312] {strides = array<i32>} : memref<2x128x128xf32, #tpu.memory_space<vmem>>, vector<1x1x16xf32>,
        %get3A_314 = vector.shape_cast %get3A_313 : vector<1x1x16xf32> to vector<1x16xf32>
        %add3A_315 = arith.constant 2 : i32
        %add3A_316 = arith.addi %add3A_195, %add3A_315 : i32
        %get3A_317 = arith.constant 0 : i32
        %get3A_318 = arith.index_cast %get3A_317 : i32 to index
        %get3A_319 = arith.index_cast %add3A_316 : i32 to index
        %get3A_320 = arith.constant 32 : index
        %get3A_321 = tpu.vector_load %arg9[%get3A_318, %get3A_319, %get3A_320] {strides = array<i32>} : memref<2x128x128xf32, #tpu.memory_space<vmem>>, vector<1x1x16xf32>,
        %get3A_322 = vector.shape_cast %get3A_321 : vector<1x1x16xf32> to vector<1x16xf32>
        %add3A_323 = arith.addf %get3A_314, %get3A_322 : vector<1x16xf32>
        %squeeze3A_324 = vector.shape_cast %add3A_323 : vector<1x16xf32> to vector<16xf32>
        %add3A_325 = arith.constant 64 : i32
        %add3A_326 = arith.addi %mul3A_197, %add3A_325 : i32
        %add3A_327 = arith.constant 0 : i32
        %add3A_328 = arith.addi %add3A_326, %add3A_327 : i32
        %swap3A_329 = arith.constant 0 : i32
        %swap3A_330 = arith.index_cast %swap3A_329 : i32 to index
        %swap3A_331 = arith.index_cast %add3A_328 : i32 to index
        %swap3A_332 = tpu.vector_load %arg10[%swap3A_330, %swap3A_331] {strides = array<i32>} : memref<2x4096xf32, #tpu.memory_space<vmem>>, vector<1x16xf32>,
        %swap3A_333 = vector.shape_cast %swap3A_332 : vector<1x16xf32> to vector<16xf32>
        %swap3A_334 = vector.shape_cast %squeeze3A_324 : vector<16xf32> to vector<1x16xf32>
        tpu.vector_store %arg10[%swap3A_330, %swap3A_331], %swap3A_334 {strides = array<i32>} : memref<2x4096xf32, #tpu.memory_space<vmem>>, vector<1x16xf32>,
        %add3A_335 = arith.constant 2 : i32
        %add3A_336 = arith.addi %add3A_195, %add3A_335 : i32
        %get3A_337 = arith.constant 0 : i32
        %get3A_338 = arith.index_cast %get3A_337 : i32 to index
        %get3A_339 = arith.index_cast %add3A_336 : i32 to index
        %get3A_340 = arith.constant 16 : index
        %get3A_341 = tpu.vector_load %arg8[%get3A_338, %get3A_339, %get3A_340] {strides = array<i32>} : memref<2x128x128xf32, #tpu.memory_space<vmem>>, vector<1x1x16xf32>,
        %get3A_342 = vector.shape_cast %get3A_341 : vector<1x1x16xf32> to vector<1x16xf32>
        %add3A_343 = arith.constant 2 : i32
        %add3A_344 = arith.addi %add3A_195, %add3A_343 : i32
        %get3A_345 = arith.constant 0 : i32
        %get3A_346 = arith.index_cast %get3A_345 : i32 to index
        %get3A_347 = arith.index_cast %add3A_344 : i32 to index
        %get3A_348 = arith.constant 48 : index
        %get3A_349 = tpu.vector_load %arg9[%get3A_346, %get3A_347, %get3A_348] {strides = array<i32>} : memref<2x128x128xf32, #tpu.memory_space<vmem>>, vector<1x1x16xf32>,
        %get3A_350 = vector.shape_cast %get3A_349 : vector<1x1x16xf32> to vector<1x16xf32>
        %add3A_351 = arith.addf %get3A_342, %get3A_350 : vector<1x16xf32>
        %squeeze3A_352 = vector.shape_cast %add3A_351 : vector<1x16xf32> to vector<16xf32>
        %add3A_353 = arith.constant 64 : i32
        %add3A_354 = arith.addi %mul3A_197, %add3A_353 : i32
        %add3A_355 = arith.constant 16 : i32
        %add3A_356 = arith.addi %add3A_354, %add3A_355 : i32
        %swap3A_357 = arith.constant 0 : i32
        %swap3A_358 = arith.index_cast %swap3A_357 : i32 to index
        %swap3A_359 = arith.index_cast %add3A_356 : i32 to index
        %swap3A_360 = tpu.vector_load %arg10[%swap3A_358, %swap3A_359] {strides = array<i32>} : memref<2x4096xf32, #tpu.memory_space<vmem>>, vector<1x16xf32>,
        %swap3A_361 = vector.shape_cast %swap3A_360 : vector<1x16xf32> to vector<16xf32>
        %swap3A_362 = vector.shape_cast %squeeze3A_352 : vector<16xf32> to vector<1x16xf32>
        tpu.vector_store %arg10[%swap3A_358, %swap3A_359], %swap3A_362 {strides = array<i32>} : memref<2x4096xf32, #tpu.memory_space<vmem>>, vector<1x16xf32>,
        %add3A_363 = arith.constant 3 : i32
        %add3A_364 = arith.addi %add3A_195, %add3A_363 : i32
        %get3A_365 = arith.constant 0 : i32
        %get3A_366 = arith.index_cast %get3A_365 : i32 to index
        %get3A_367 = arith.index_cast %add3A_364 : i32 to index
        %get3A_368 = arith.constant 0 : index
        %get3A_369 = tpu.vector_load %arg8[%get3A_366, %get3A_367, %get3A_368] {strides = array<i32>} : memref<2x128x128xf32, #tpu.memory_space<vmem>>, vector<1x1x16xf32>,
        %get3A_370 = vector.shape_cast %get3A_369 : vector<1x1x16xf32> to vector<1x16xf32>
        %add3A_371 = arith.constant 3 : i32
        %add3A_372 = arith.addi %add3A_195, %add3A_371 : i32
        %get3A_373 = arith.constant 0 : i32
        %get3A_374 = arith.index_cast %get3A_373 : i32 to index
        %get3A_375 = arith.index_cast %add3A_372 : i32 to index
        %get3A_376 = arith.constant 32 : index
        %get3A_377 = tpu.vector_load %arg9[%get3A_374, %get3A_375, %get3A_376] {strides = array<i32>} : memref<2x128x128xf32, #tpu.memory_space<vmem>>, vector<1x1x16xf32>,
        %get3A_378 = vector.shape_cast %get3A_377 : vector<1x1x16xf32> to vector<1x16xf32>
        %add3A_379 = arith.addf %get3A_370, %get3A_378 : vector<1x16xf32>
        %squeeze3A_380 = vector.shape_cast %add3A_379 : vector<1x16xf32> to vector<16xf32>
        %add3A_381 = arith.constant 96 : i32
        %add3A_382 = arith.addi %mul3A_197, %add3A_381 : i32
        %add3A_383 = arith.constant 0 : i32
        %add3A_384 = arith.addi %add3A_382, %add3A_383 : i32
        %swap3A_385 = arith.constant 0 : i32
        %swap3A_386 = arith.index_cast %swap3A_385 : i32 to index
        %swap3A_387 = arith.index_cast %add3A_384 : i32 to index
        %swap3A_388 = tpu.vector_load %arg10[%swap3A_386, %swap3A_387] {strides = array<i32>} : memref<2x4096xf32, #tpu.memory_space<vmem>>, vector<1x16xf32>,
        %swap3A_389 = vector.shape_cast %swap3A_388 : vector<1x16xf32> to vector<16xf32>
        %swap3A_390 = vector.shape_cast %squeeze3A_380 : vector<16xf32> to vector<1x16xf32>
        tpu.vector_store %arg10[%swap3A_386, %swap3A_387], %swap3A_390 {strides = array<i32>} : memref<2x4096xf32, #tpu.memory_space<vmem>>, vector<1x16xf32>,
        %add3A_391 = arith.constant 3 : i32
        %add3A_392 = arith.addi %add3A_195, %add3A_391 : i32
        %get3A_393 = arith.constant 0 : i32
        %get3A_394 = arith.index_cast %get3A_393 : i32 to index
        %get3A_395 = arith.index_cast %add3A_392 : i32 to index
        %get3A_396 = arith.constant 16 : index
        %get3A_397 = tpu.vector_load %arg8[%get3A_394, %get3A_395, %get3A_396] {strides = array<i32>} : memref<2x128x128xf32, #tpu.memory_space<vmem>>, vector<1x1x16xf32>,
        %get3A_398 = vector.shape_cast %get3A_397 : vector<1x1x16xf32> to vector<1x16xf32>
        %add3A_399 = arith.constant 3 : i32
        %add3A_400 = arith.addi %add3A_195, %add3A_399 : i32
        %get3A_401 = arith.constant 0 : i32
        %get3A_402 = arith.index_cast %get3A_401 : i32 to index
        %get3A_403 = arith.index_cast %add3A_400 : i32 to index
        %get3A_404 = arith.constant 48 : index
        %get3A_405 = tpu.vector_load %arg9[%get3A_402, %get3A_403, %get3A_404] {strides = array<i32>} : memref<2x128x128xf32, #tpu.memory_space<vmem>>, vector<1x1x16xf32>,
        %get3A_406 = vector.shape_cast %get3A_405 : vector<1x1x16xf32> to vector<1x16xf32>
        %add3A_407 = arith.addf %get3A_398, %get3A_406 : vector<1x16xf32>
        %squeeze3A_408 = vector.shape_cast %add3A_407 : vector<1x16xf32> to vector<16xf32>
        %add3A_409 = arith.constant 96 : i32
        %add3A_410 = arith.addi %mul3A_197, %add3A_409 : i32
        %add3A_411 = arith.constant 16 : i32
        %add3A_412 = arith.addi %add3A_410, %add3A_411 : i32
        %swap3A_413 = arith.constant 0 : i32
        %swap3A_414 = arith.index_cast %swap3A_413 : i32 to index
        %swap3A_415 = arith.index_cast %add3A_412 : i32 to index
        %swap3A_416 = tpu.vector_load %arg10[%swap3A_414, %swap3A_415] {strides = array<i32>} : memref<2x4096xf32, #tpu.memory_space<vmem>>, vector<1x16xf32>,
        %swap3A_417 = vector.shape_cast %swap3A_416 : vector<1x16xf32> to vector<16xf32>
        %swap3A_418 = vector.shape_cast %squeeze3A_408 : vector<16xf32> to vector<1x16xf32>
        tpu.vector_store %arg10[%swap3A_414, %swap3A_415], %swap3A_418 {strides = array<i32>} : memref<2x4096xf32, #tpu.memory_space<vmem>>, vector<1x16xf32>,
        %add3A_419 = arith.constant 4 : i32
        %add3A_420 = arith.addi %add3A_195, %add3A_419 : i32
        %get3A_421 = arith.constant 0 : i32
        %get3A_422 = arith.index_cast %get3A_421 : i32 to index
        %get3A_423 = arith.index_cast %add3A_420 : i32 to index
        %get3A_424 = arith.constant 0 : index
        %get3A_425 = tpu.vector_load %arg8[%get3A_422, %get3A_423, %get3A_424] {strides = array<i32>} : memref<2x128x128xf32, #tpu.memory_space<vmem>>, vector<1x1x16xf32>,
        %get3A_426 = vector.shape_cast %get3A_425 : vector<1x1x16xf32> to vector<1x16xf32>
        %add3A_427 = arith.constant 4 : i32
        %add3A_428 = arith.addi %add3A_195, %add3A_427 : i32
        %get3A_429 = arith.constant 0 : i32
        %get3A_430 = arith.index_cast %get3A_429 : i32 to index
        %get3A_431 = arith.index_cast %add3A_428 : i32 to index
        %get3A_432 = arith.constant 32 : index
        %get3A_433 = tpu.vector_load %arg9[%get3A_430, %get3A_431, %get3A_432] {strides = array<i32>} : memref<2x128x128xf32, #tpu.memory_space<vmem>>, vector<1x1x16xf32>,
        %get3A_434 = vector.shape_cast %get3A_433 : vector<1x1x16xf32> to vector<1x16xf32>
        %add3A_435 = arith.addf %get3A_426, %get3A_434 : vector<1x16xf32>
        %squeeze3A_436 = vector.shape_cast %add3A_435 : vector<1x16xf32> to vector<16xf32>
        %add3A_437 = arith.constant 128 : i32
        %add3A_438 = arith.addi %mul3A_197, %add3A_437 : i32
        %add3A_439 = arith.constant 0 : i32
        %add3A_440 = arith.addi %add3A_438, %add3A_439 : i32
        %swap3A_441 = arith.constant 0 : i32
        %swap3A_442 = arith.index_cast %swap3A_441 : i32 to index
        %swap3A_443 = arith.index_cast %add3A_440 : i32 to index
        %swap3A_444 = tpu.vector_load %arg10[%swap3A_442, %swap3A_443] {strides = array<i32>} : memref<2x4096xf32, #tpu.memory_space<vmem>>, vector<1x16xf32>,
        %swap3A_445 = vector.shape_cast %swap3A_444 : vector<1x16xf32> to vector<16xf32>
        %swap3A_446 = vector.shape_cast %squeeze3A_436 : vector<16xf32> to vector<1x16xf32>
        tpu.vector_store %arg10[%swap3A_442, %swap3A_443], %swap3A_446 {strides = array<i32>} : memref<2x4096xf32, #tpu.memory_space<vmem>>, vector<1x16xf32>,
        %add3A_447 = arith.constant 4 : i32
        %add3A_448 = arith.addi %add3A_195, %add3A_447 : i32
        %get3A_449 = arith.constant 0 : i32
        %get3A_450 = arith.index_cast %get3A_449 : i32 to index
        %get3A_451 = arith.index_cast %add3A_448 : i32 to index
        %get3A_452 = arith.constant 16 : index
        %get3A_453 = tpu.vector_load %arg8[%get3A_450, %get3A_451, %get3A_452] {strides = array<i32>} : memref<2x128x128xf32, #tpu.memory_space<vmem>>, vector<1x1x16xf32>,
        %get3A_454 = vector.shape_cast %get3A_453 : vector<1x1x16xf32> to vector<1x16xf32>
        %add3A_455 = arith.constant 4 : i32
        %add3A_456 = arith.addi %add3A_195, %add3A_455 : i32
        %get3A_457 = arith.constant 0 : i32
        %get3A_458 = arith.index_cast %get3A_457 : i32 to index
        %get3A_459 = arith.index_cast %add3A_456 : i32 to index
        %get3A_460 = arith.constant 48 : index
        %get3A_461 = tpu.vector_load %arg9[%get3A_458, %get3A_459, %get3A_460] {strides = array<i32>} : memref<2x128x128xf32, #tpu.memory_space<vmem>>, vector<1x1x16xf32>,
        %get3A_462 = vector.shape_cast %get3A_461 : vector<1x1x16xf32> to vector<1x16xf32>
        %add3A_463 = arith.addf %get3A_454, %get3A_462 : vector<1x16xf32>
        %squeeze3A_464 = vector.shape_cast %add3A_463 : vector<1x16xf32> to vector<16xf32>
        %add3A_465 = arith.constant 128 : i32
        %add3A_466 = arith.addi %mul3A_197, %add3A_465 : i32
        %add3A_467 = arith.constant 16 : i32
        %add3A_468 = arith.addi %add3A_466, %add3A_467 : i32
        %swap3A_469 = arith.constant 0 : i32
        %swap3A_470 = arith.index_cast %swap3A_469 : i32 to index
        %swap3A_471 = arith.index_cast %add3A_468 : i32 to index
        %swap3A_472 = tpu.vector_load %arg10[%swap3A_470, %swap3A_471] {strides = array<i32>} : memref<2x4096xf32, #tpu.memory_space<vmem>>, vector<1x16xf32>,
        %swap3A_473 = vector.shape_cast %swap3A_472 : vector<1x16xf32> to vector<16xf32>
        %swap3A_474 = vector.shape_cast %squeeze3A_464 : vector<16xf32> to vector<1x16xf32>
        tpu.vector_store %arg10[%swap3A_470, %swap3A_471], %swap3A_474 {strides = array<i32>} : memref<2x4096xf32, #tpu.memory_space<vmem>>, vector<1x16xf32>,
        %add3A_475 = arith.constant 5 : i32
        %add3A_476 = arith.addi %add3A_195, %add3A_475 : i32
        %get3A_477 = arith.constant 0 : i32
        %get3A_478 = arith.index_cast %get3A_477 : i32 to index
        %get3A_479 = arith.index_cast %add3A_476 : i32 to index
        %get3A_480 = arith.constant 0 : index
        %get3A_481 = tpu.vector_load %arg8[%get3A_478, %get3A_479, %get3A_480] {strides = array<i32>} : memref<2x128x128xf32, #tpu.memory_space<vmem>>, vector<1x1x16xf32>,
        %get3A_482 = vector.shape_cast %get3A_481 : vector<1x1x16xf32> to vector<1x16xf32>
        %add3A_483 = arith.constant 5 : i32
        %add3A_484 = arith.addi %add3A_195, %add3A_483 : i32
        %get3A_485 = arith.constant 0 : i32
        %get3A_486 = arith.index_cast %get3A_485 : i32 to index
        %get3A_487 = arith.index_cast %add3A_484 : i32 to index
        %get3A_488 = arith.constant 32 : index
        %get3A_489 = tpu.vector_load %arg9[%get3A_486, %get3A_487, %get3A_488] {strides = array<i32>} : memref<2x128x128xf32, #tpu.memory_space<vmem>>, vector<1x1x16xf32>,
        %get3A_490 = vector.shape_cast %get3A_489 : vector<1x1x16xf32> to vector<1x16xf32>
        %add3A_491 = arith.addf %get3A_482, %get3A_490 : vector<1x16xf32>
        %squeeze3A_492 = vector.shape_cast %add3A_491 : vector<1x16xf32> to vector<16xf32>
        %add3A_493 = arith.constant 160 : i32
        %add3A_494 = arith.addi %mul3A_197, %add3A_493 : i32
        %add3A_495 = arith.constant 0 : i32
        %add3A_496 = arith.addi %add3A_494, %add3A_495 : i32
        %swap3A_497 = arith.constant 0 : i32
        %swap3A_498 = arith.index_cast %swap3A_497 : i32 to index
        %swap3A_499 = arith.index_cast %add3A_496 : i32 to index
        %swap3A_500 = tpu.vector_load %arg10[%swap3A_498, %swap3A_499] {strides = array<i32>} : memref<2x4096xf32, #tpu.memory_space<vmem>>, vector<1x16xf32>,
        %swap3A_501 = vector.shape_cast %swap3A_500 : vector<1x16xf32> to vector<16xf32>
        %swap3A_502 = vector.shape_cast %squeeze3A_492 : vector<16xf32> to vector<1x16xf32>
        tpu.vector_store %arg10[%swap3A_498, %swap3A_499], %swap3A_502 {strides = array<i32>} : memref<2x4096xf32, #tpu.memory_space<vmem>>, vector<1x16xf32>,
        %add3A_503 = arith.constant 5 : i32
        %add3A_504 = arith.addi %add3A_195, %add3A_503 : i32
        %get3A_505 = arith.constant 0 : i32
        %get3A_506 = arith.index_cast %get3A_505 : i32 to index
        %get3A_507 = arith.index_cast %add3A_504 : i32 to index
        %get3A_508 = arith.constant 16 : index
        %get3A_509 = tpu.vector_load %arg8[%get3A_506, %get3A_507, %get3A_508] {strides = array<i32>} : memref<2x128x128xf32, #tpu.memory_space<vmem>>, vector<1x1x16xf32>,
        %get3A_510 = vector.shape_cast %get3A_509 : vector<1x1x16xf32> to vector<1x16xf32>
        %add3A_511 = arith.constant 5 : i32
        %add3A_512 = arith.addi %add3A_195, %add3A_511 : i32
        %get3A_513 = arith.constant 0 : i32
        %get3A_514 = arith.index_cast %get3A_513 : i32 to index
        %get3A_515 = arith.index_cast %add3A_512 : i32 to index
        %get3A_516 = arith.constant 48 : index
        %get3A_517 = tpu.vector_load %arg9[%get3A_514, %get3A_515, %get3A_516] {strides = array<i32>} : memref<2x128x128xf32, #tpu.memory_space<vmem>>, vector<1x1x16xf32>,
        %get3A_518 = vector.shape_cast %get3A_517 : vector<1x1x16xf32> to vector<1x16xf32>
        %add3A_519 = arith.addf %get3A_510, %get3A_518 : vector<1x16xf32>
        %squeeze3A_520 = vector.shape_cast %add3A_519 : vector<1x16xf32> to vector<16xf32>
        %add3A_521 = arith.constant 160 : i32
        %add3A_522 = arith.addi %mul3A_197, %add3A_521 : i32
        %add3A_523 = arith.constant 16 : i32
        %add3A_524 = arith.addi %add3A_522, %add3A_523 : i32
        %swap3A_525 = arith.constant 0 : i32
        %swap3A_526 = arith.index_cast %swap3A_525 : i32 to index
        %swap3A_527 = arith.index_cast %add3A_524 : i32 to index
        %swap3A_528 = tpu.vector_load %arg10[%swap3A_526, %swap3A_527] {strides = array<i32>} : memref<2x4096xf32, #tpu.memory_space<vmem>>, vector<1x16xf32>,
        %swap3A_529 = vector.shape_cast %swap3A_528 : vector<1x16xf32> to vector<16xf32>
        %swap3A_530 = vector.shape_cast %squeeze3A_520 : vector<16xf32> to vector<1x16xf32>
        tpu.vector_store %arg10[%swap3A_526, %swap3A_527], %swap3A_530 {strides = array<i32>} : memref<2x4096xf32, #tpu.memory_space<vmem>>, vector<1x16xf32>,
        %add3A_531 = arith.constant 6 : i32
        %add3A_532 = arith.addi %add3A_195, %add3A_531 : i32
        %get3A_533 = arith.constant 0 : i32
        %get3A_534 = arith.index_cast %get3A_533 : i32 to index
        %get3A_535 = arith.index_cast %add3A_532 : i32 to index
        %get3A_536 = arith.constant 0 : index
        %get3A_537 = tpu.vector_load %arg8[%get3A_534, %get3A_535, %get3A_536] {strides = array<i32>} : memref<2x128x128xf32, #tpu.memory_space<vmem>>, vector<1x1x16xf32>,
        %get3A_538 = vector.shape_cast %get3A_537 : vector<1x1x16xf32> to vector<1x16xf32>
        %add3A_539 = arith.constant 6 : i32
        %add3A_540 = arith.addi %add3A_195, %add3A_539 : i32
        %get3A_541 = arith.constant 0 : i32
        %get3A_542 = arith.index_cast %get3A_541 : i32 to index
        %get3A_543 = arith.index_cast %add3A_540 : i32 to index
        %get3A_544 = arith.constant 32 : index
        %get3A_545 = tpu.vector_load %arg9[%get3A_542, %get3A_543, %get3A_544] {strides = array<i32>} : memref<2x128x128xf32, #tpu.memory_space<vmem>>, vector<1x1x16xf32>,
        %get3A_546 = vector.shape_cast %get3A_545 : vector<1x1x16xf32> to vector<1x16xf32>
        %add3A_547 = arith.addf %get3A_538, %get3A_546 : vector<1x16xf32>
        %squeeze3A_548 = vector.shape_cast %add3A_547 : vector<1x16xf32> to vector<16xf32>
        %add3A_549 = arith.constant 192 : i32
        %add3A_550 = arith.addi %mul3A_197, %add3A_549 : i32
        %add3A_551 = arith.constant 0 : i32
        %add3A_552 = arith.addi %add3A_550, %add3A_551 : i32
        %swap3A_553 = arith.constant 0 : i32
        %swap3A_554 = arith.index_cast %swap3A_553 : i32 to index
        %swap3A_555 = arith.index_cast %add3A_552 : i32 to index
        %swap3A_556 = tpu.vector_load %arg10[%swap3A_554, %swap3A_555] {strides = array<i32>} : memref<2x4096xf32, #tpu.memory_space<vmem>>, vector<1x16xf32>,
        %swap3A_557 = vector.shape_cast %swap3A_556 : vector<1x16xf32> to vector<16xf32>
        %swap3A_558 = vector.shape_cast %squeeze3A_548 : vector<16xf32> to vector<1x16xf32>
        tpu.vector_store %arg10[%swap3A_554, %swap3A_555], %swap3A_558 {strides = array<i32>} : memref<2x4096xf32, #tpu.memory_space<vmem>>, vector<1x16xf32>,
        %add3A_559 = arith.constant 6 : i32
        %add3A_560 = arith.addi %add3A_195, %add3A_559 : i32
        %get3A_561 = arith.constant 0 : i32
        %get3A_562 = arith.index_cast %get3A_561 : i32 to index
        %get3A_563 = arith.index_cast %add3A_560 : i32 to index
        %get3A_564 = arith.constant 16 : index
        %get3A_565 = tpu.vector_load %arg8[%get3A_562, %get3A_563, %get3A_564] {strides = array<i32>} : memref<2x128x128xf32, #tpu.memory_space<vmem>>, vector<1x1x16xf32>,
        %get3A_566 = vector.shape_cast %get3A_565 : vector<1x1x16xf32> to vector<1x16xf32>
        %add3A_567 = arith.constant 6 : i32
        %add3A_568 = arith.addi %add3A_195, %add3A_567 : i32
        %get3A_569 = arith.constant 0 : i32
        %get3A_570 = arith.index_cast %get3A_569 : i32 to index
        %get3A_571 = arith.index_cast %add3A_568 : i32 to index
        %get3A_572 = arith.constant 48 : index
        %get3A_573 = tpu.vector_load %arg9[%get3A_570, %get3A_571, %get3A_572] {strides = array<i32>} : memref<2x128x128xf32, #tpu.memory_space<vmem>>, vector<1x1x16xf32>,
        %get3A_574 = vector.shape_cast %get3A_573 : vector<1x1x16xf32> to vector<1x16xf32>
        %add3A_575 = arith.addf %get3A_566, %get3A_574 : vector<1x16xf32>
        %squeeze3A_576 = vector.shape_cast %add3A_575 : vector<1x16xf32> to vector<16xf32>
        %add3A_577 = arith.constant 192 : i32
        %add3A_578 = arith.addi %mul3A_197, %add3A_577 : i32
        %add3A_579 = arith.constant 16 : i32
        %add3A_580 = arith.addi %add3A_578, %add3A_579 : i32
        %swap3A_581 = arith.constant 0 : i32
        %swap3A_582 = arith.index_cast %swap3A_581 : i32 to index
        %swap3A_583 = arith.index_cast %add3A_580 : i32 to index
        %swap3A_584 = tpu.vector_load %arg10[%swap3A_582, %swap3A_583] {strides = array<i32>} : memref<2x4096xf32, #tpu.memory_space<vmem>>, vector<1x16xf32>,
        %swap3A_585 = vector.shape_cast %swap3A_584 : vector<1x16xf32> to vector<16xf32>
        %swap3A_586 = vector.shape_cast %squeeze3A_576 : vector<16xf32> to vector<1x16xf32>
        tpu.vector_store %arg10[%swap3A_582, %swap3A_583], %swap3A_586 {strides = array<i32>} : memref<2x4096xf32, #tpu.memory_space<vmem>>, vector<1x16xf32>,
        %add3A_587 = arith.constant 7 : i32
        %add3A_588 = arith.addi %add3A_195, %add3A_587 : i32
        %get3A_589 = arith.constant 0 : i32
        %get3A_590 = arith.index_cast %get3A_589 : i32 to index
        %get3A_591 = arith.index_cast %add3A_588 : i32 to index
        %get3A_592 = arith.constant 0 : index
        %get3A_593 = tpu.vector_load %arg8[%get3A_590, %get3A_591, %get3A_592] {strides = array<i32>} : memref<2x128x128xf32, #tpu.memory_space<vmem>>, vector<1x1x16xf32>,
        %get3A_594 = vector.shape_cast %get3A_593 : vector<1x1x16xf32> to vector<1x16xf32>
        %add3A_595 = arith.constant 7 : i32
        %add3A_596 = arith.addi %add3A_195, %add3A_595 : i32
        %get3A_597 = arith.constant 0 : i32
        %get3A_598 = arith.index_cast %get3A_597 : i32 to index
        %get3A_599 = arith.index_cast %add3A_596 : i32 to index
        %get3A_600 = arith.constant 32 : index
        %get3A_601 = tpu.vector_load %arg9[%get3A_598, %get3A_599, %get3A_600] {strides = array<i32>} : memref<2x128x128xf32, #tpu.memory_space<vmem>>, vector<1x1x16xf32>,
        %get3A_602 = vector.shape_cast %get3A_601 : vector<1x1x16xf32> to vector<1x16xf32>
        %add3A_603 = arith.addf %get3A_594, %get3A_602 : vector<1x16xf32>
        %squeeze3A_604 = vector.shape_cast %add3A_603 : vector<1x16xf32> to vector<16xf32>
        %add3A_605 = arith.constant 224 : i32
        %add3A_606 = arith.addi %mul3A_197, %add3A_605 : i32
        %add3A_607 = arith.constant 0 : i32
        %add3A_608 = arith.addi %add3A_606, %add3A_607 : i32
        %swap3A_609 = arith.constant 0 : i32
        %swap3A_610 = arith.index_cast %swap3A_609 : i32 to index
        %swap3A_611 = arith.index_cast %add3A_608 : i32 to index
        %swap3A_612 = tpu.vector_load %arg10[%swap3A_610, %swap3A_611] {strides = array<i32>} : memref<2x4096xf32, #tpu.memory_space<vmem>>, vector<1x16xf32>,
        %swap3A_613 = vector.shape_cast %swap3A_612 : vector<1x16xf32> to vector<16xf32>
        %swap3A_614 = vector.shape_cast %squeeze3A_604 : vector<16xf32> to vector<1x16xf32>
        tpu.vector_store %arg10[%swap3A_610, %swap3A_611], %swap3A_614 {strides = array<i32>} : memref<2x4096xf32, #tpu.memory_space<vmem>>, vector<1x16xf32>,
        %add3A_615 = arith.constant 7 : i32
        %add3A_616 = arith.addi %add3A_195, %add3A_615 : i32
        %get3A_617 = arith.constant 0 : i32
        %get3A_618 = arith.index_cast %get3A_617 : i32 to index
        %get3A_619 = arith.index_cast %add3A_616 : i32 to index
        %get3A_620 = arith.constant 16 : index
        %get3A_621 = tpu.vector_load %arg8[%get3A_618, %get3A_619, %get3A_620] {strides = array<i32>} : memref<2x128x128xf32, #tpu.memory_space<vmem>>, vector<1x1x16xf32>,
        %get3A_622 = vector.shape_cast %get3A_621 : vector<1x1x16xf32> to vector<1x16xf32>
        %add3A_623 = arith.constant 7 : i32
        %add3A_624 = arith.addi %add3A_195, %add3A_623 : i32
        %get3A_625 = arith.constant 0 : i32
        %get3A_626 = arith.index_cast %get3A_625 : i32 to index
        %get3A_627 = arith.index_cast %add3A_624 : i32 to index
        %get3A_628 = arith.constant 48 : index
        %get3A_629 = tpu.vector_load %arg9[%get3A_626, %get3A_627, %get3A_628] {strides = array<i32>} : memref<2x128x128xf32, #tpu.memory_space<vmem>>, vector<1x1x16xf32>,
        %get3A_630 = vector.shape_cast %get3A_629 : vector<1x1x16xf32> to vector<1x16xf32>
        %add3A_631 = arith.addf %get3A_622, %get3A_630 : vector<1x16xf32>
        %squeeze3A_632 = vector.shape_cast %add3A_631 : vector<1x16xf32> to vector<16xf32>
        %add3A_633 = arith.constant 224 : i32
        %add3A_634 = arith.addi %mul3A_197, %add3A_633 : i32
        %add3A_635 = arith.constant 16 : i32
        %add3A_636 = arith.addi %add3A_634, %add3A_635 : i32
        %swap3A_637 = arith.constant 0 : i32
        %swap3A_638 = arith.index_cast %swap3A_637 : i32 to index
        %swap3A_639 = arith.index_cast %add3A_636 : i32 to index
        %swap3A_640 = tpu.vector_load %arg10[%swap3A_638, %swap3A_639] {strides = array<i32>} : memref<2x4096xf32, #tpu.memory_space<vmem>>, vector<1x16xf32>,
        %swap3A_641 = vector.shape_cast %swap3A_640 : vector<1x16xf32> to vector<16xf32>
        %swap3A_642 = vector.shape_cast %squeeze3A_632 : vector<16xf32> to vector<1x16xf32>
        tpu.vector_store %arg10[%swap3A_638, %swap3A_639], %swap3A_642 {strides = array<i32>} : memref<2x4096xf32, #tpu.memory_space<vmem>>, vector<1x16xf32>,
      }
      %scan3A_123 = arith.constant 16 : i32
      %ge3A = arith.constant 2 : i32
      %ge3A_124 = arith.cmpi sge, %add3A_77, %ge3A : i32
      %convert_element_type3A = arith.extui %ge3A_124 : i1 to i32
      %cond3A = arith.constant 0 : i32
      %cond3A_125 = arith.cmpi ne, %convert_element_type3A, %cond3A : i32
      scf.if %cond3A_125 {
        %mul3A_191 = arith.constant 32 : i32
        %mul3A_192 = arith.muli %mul3A_10, %mul3A_191 : i32
        %dma_wait3A_193 = arith.constant 0 : i32
        %dma_wait3A_194 = arith.constant 0 : i32
        %dma_wait3A_195 = tpu.memref_slice %arg10[%dma_wait3A_193, %dma_wait3A_194] : memref<2x4096xf32, #tpu.memory_space<vmem>> -> memref<1x4096xf32, #tpu.memory_space<vmem>>
        %dma_wait3A_196 = tpu.memref_squeeze %dma_wait3A_195 : memref<1x4096xf32, #tpu.memory_space<vmem>> -> memref<4096xf32, #tpu.memory_space<vmem>>
        %dma_wait3A_197 = tpu.memref_slice %arg5[%mul3A_192] : memref<5242880xf32, #tpu.memory_space<hbm>> -> memref<4096xf32, #tpu.memory_space<hbm>>
        %dma_wait3A_198 = tpu.memref_slice %arg5[%mul3A_192] : memref<5242880xf32, #tpu.memory_space<hbm>> -> memref<4096xf32, #tpu.memory_space<hbm>>
        %dma_wait3A_199 = arith.constant 0 : i32
        %dma_wait3A_200 = tpu.memref_slice %arg10[%dma_wait3A_193, %dma_wait3A_199] : memref<2x4096xf32, #tpu.memory_space<vmem>> -> memref<1x4096xf32, #tpu.memory_space<vmem>>
        %dma_wait3A_201 = tpu.memref_squeeze %dma_wait3A_200 : memref<1x4096xf32, #tpu.memory_space<vmem>> -> memref<4096xf32, #tpu.memory_space<vmem>>
        tpu.wait_dma2 semaphore(%arg14 : memref<!tpu.dma_semaphore, #tpu.memory_space<semaphore_mem>>) src(%dma_wait3A_201 : memref<4096xf32, #tpu.memory_space<vmem>>) dst(%dma_wait3A_198 : memref<4096xf32, #tpu.memory_space<hbm>>)
      } else {
      }
      %mul3A_126 = arith.constant 128 : i32
      %mul3A_127 = arith.muli %add3A_77, %mul3A_126 : i32
      %add3A_128 = arith.addi %mul3A_10, %mul3A_127 : i32
      %mul3A_129 = arith.constant 32 : i32
      %mul3A_130 = arith.muli %add3A_128, %mul3A_129 : i32
      %dma_start3A_131 = arith.constant 0 : i32
      %dma_start3A_132 = arith.constant 0 : i32
      %dma_start3A_133 = tpu.memref_slice %arg10[%dma_start3A_131, %dma_start3A_132] : memref<2x4096xf32, #tpu.memory_space<vmem>> -> memref<1x4096xf32, #tpu.memory_space<vmem>>
      %dma_start3A_134 = tpu.memref_squeeze %dma_start3A_133 : memref<1x4096xf32, #tpu.memory_space<vmem>> -> memref<4096xf32, #tpu.memory_space<vmem>>
      %dma_start3A_135 = tpu.memref_slice %arg5[%mul3A_130] : memref<5242880xf32, #tpu.memory_space<hbm>> -> memref<4096xf32, #tpu.memory_space<hbm>>
      %dma_start3A_136 = tpu.memref_slice %arg5[%mul3A_130] : memref<5242880xf32, #tpu.memory_space<hbm>> -> memref<4096xf32, #tpu.memory_space<hbm>>
      %dma_start3A_137 = arith.constant 0 : i32
      %dma_start3A_138 = tpu.memref_slice %arg10[%dma_start3A_131, %dma_start3A_137] : memref<2x4096xf32, #tpu.memory_space<vmem>> -> memref<1x4096xf32, #tpu.memory_space<vmem>>
      %dma_start3A_139 = tpu.memref_squeeze %dma_start3A_138 : memref<1x4096xf32, #tpu.memory_space<vmem>> -> memref<4096xf32, #tpu.memory_space<vmem>>
      tpu.enqueue_dma source(%dma_start3A_139 : memref<4096xf32, #tpu.memory_space<vmem>>) target(%dma_start3A_136 : memref<4096xf32, #tpu.memory_space<hbm>>) target_semaphore(%arg14 : memref<!tpu.dma_semaphore, #tpu.memory_space<semaphore_mem>>)
      %add3A_140 = arith.constant 2 : i32
      %add3A_141 = arith.addi %add3A_77, %add3A_140 : i32
      %lt3A = arith.cmpi slt, %add3A_141, %select_n3A : i32
      %convert_element_type3A_142 = arith.extui %lt3A : i1 to i32
      %cond3A_143 = arith.constant 0 : i32
      %cond3A_144 = arith.cmpi ne, %convert_element_type3A_142, %cond3A_143 : i32
      scf.if %cond3A_144 {
        %add3A_191 = arith.constant 2 : i32
        %add3A_192 = arith.addi %add3A_77, %add3A_191 : i32
        %mul3A_193 = arith.constant 128 : i32
        %mul3A_194 = arith.muli %add3A_192, %mul3A_193 : i32
        %dma_start3A_195 = arith.constant 0 : i32
        %dma_start3A_196 = arith.constant 0 : i32
        %dma_start3A_197 = arith.constant 0 : i32
        %dma_start3A_198 = tpu.memref_slice %arg8[%dma_start3A_195, %dma_start3A_196, %dma_start3A_197] : memref<2x128x128xf32, #tpu.memory_space<vmem>> -> memref<1x128x128xf32, #tpu.memory_space<vmem>>
        %dma_start3A_199 = tpu.memref_squeeze %dma_start3A_198 : memref<1x128x128xf32, #tpu.memory_space<vmem>> -> memref<128x128xf32, #tpu.memory_space<vmem>>
        %dma_start3A_200 = tpu.memref_slice %arg6[%mul3A_194] : memref<5120xi32, #tpu.memory_space<vmem>> -> memref<128xi32, #tpu.memory_space<vmem>>
        %dma_start3A_201 = arith.constant 0 : i32
        %dma_start3A_202 = arith.constant 0 : i32
        %dma_start3A_203 = tpu.memref_slice %arg2[%dma_start3A_201, %dma_start3A_202] : memref<10000x128xf32, #tpu.memory_space<hbm>> -> memref<10000x128xf32, #tpu.memory_space<hbm>>
        tpu.enqueue_indirect_dma source(%dma_start3A_203 : memref<10000x128xf32, #tpu.memory_space<hbm>>) target(%dma_start3A_199 : memref<128x128xf32, #tpu.memory_space<vmem>>) offsets(%dma_start3A_200 : memref<128xi32, #tpu.memory_space<vmem>>) semaphore(%arg12 : memref<!tpu.dma_semaphore, #tpu.memory_space<semaphore_mem>>)
        %dma_start3A_204 = arith.constant 0 : i32
        %dma_start3A_205 = arith.constant 0 : i32
        %dma_start3A_206 = arith.constant 0 : i32
        %dma_start3A_207 = tpu.memref_slice %arg9[%dma_start3A_204, %dma_start3A_205, %dma_start3A_206] : memref<2x128x128xf32, #tpu.memory_space<vmem>> -> memref<1x128x128xf32, #tpu.memory_space<vmem>>
        %dma_start3A_208 = tpu.memref_squeeze %dma_start3A_207 : memref<1x128x128xf32, #tpu.memory_space<vmem>> -> memref<128x128xf32, #tpu.memory_space<vmem>>
        %dma_start3A_209 = tpu.memref_slice %arg7[%mul3A_194] : memref<5120xi32, #tpu.memory_space<vmem>> -> memref<128xi32, #tpu.memory_space<vmem>>
        %dma_start3A_210 = arith.constant 0 : i32
        %dma_start3A_211 = arith.constant 0 : i32
        %dma_start3A_212 = tpu.memref_slice %arg2[%dma_start3A_210, %dma_start3A_211] : memref<10000x128xf32, #tpu.memory_space<hbm>> -> memref<10000x128xf32, #tpu.memory_space<hbm>>
        tpu.enqueue_indirect_dma source(%dma_start3A_212 : memref<10000x128xf32, #tpu.memory_space<hbm>>) target(%dma_start3A_208 : memref<128x128xf32, #tpu.memory_space<vmem>>) offsets(%dma_start3A_209 : memref<128xi32, #tpu.memory_space<vmem>>) semaphore(%arg12 : memref<!tpu.dma_semaphore, #tpu.memory_space<semaphore_mem>>)
      } else {
      }
      %dma_wait3A_145 = arith.constant 1 : i32
      %dma_wait3A_146 = arith.constant 0 : i32
      %dma_wait3A_147 = arith.constant 0 : i32
      %dma_wait3A_148 = tpu.memref_slice %arg8[%dma_wait3A_145, %dma_wait3A_146, %dma_wait3A_147] : memref<2x128x128xf32, #tpu.memory_space<vmem>> -> memref<1x128x128xf32, #tpu.memory_space<vmem>>
      %dma_wait3A_149 = tpu.memref_squeeze %dma_wait3A_148 : memref<1x128x128xf32, #tpu.memory_space<vmem>> -> memref<128x128xf32, #tpu.memory_space<vmem>>
      %dma_wait3A_150 = arith.constant 0 : i32
      %dma_wait3A_151 = tpu.memref_slice %arg6[%dma_wait3A_150] : memref<5120xi32, #tpu.memory_space<vmem>> -> memref<128xi32, #tpu.memory_space<vmem>>
      %dma_wait3A_152 = arith.constant 0 : i32
      %dma_wait3A_153 = arith.constant 0 : i32
      %dma_wait3A_154 = tpu.memref_slice %arg2[%dma_wait3A_152, %dma_wait3A_153] : memref<10000x128xf32, #tpu.memory_space<hbm>> -> memref<10000x128xf32, #tpu.memory_space<hbm>>
      tpu.wait_indirect_dma semaphore(%arg13 : memref<!tpu.dma_semaphore, #tpu.memory_space<semaphore_mem>>) src(%dma_wait3A_154 : memref<10000x128xf32, #tpu.memory_space<hbm>>) dst(%dma_wait3A_149 : memref<128x128xf32, #tpu.memory_space<vmem>>)
      %dma_wait3A_155 = arith.constant 1 : i32
      %dma_wait3A_156 = arith.constant 0 : i32
      %dma_wait3A_157 = arith.constant 0 : i32
      %dma_wait3A_158 = tpu.memref_slice %arg9[%dma_wait3A_155, %dma_wait3A_156, %dma_wait3A_157] : memref<2x128x128xf32, #tpu.memory_space<vmem>> -> memref<1x128x128xf32, #tpu.memory_space<vmem>>
      %dma_wait3A_159 = tpu.memref_squeeze %dma_wait3A_158 : memref<1x128x128xf32, #tpu.memory_space<vmem>> -> memref<128x128xf32, #tpu.memory_space<vmem>>
      %dma_wait3A_160 = arith.constant 0 : i32
      %dma_wait3A_161 = tpu.memref_slice %arg7[%dma_wait3A_160] : memref<5120xi32, #tpu.memory_space<vmem>> -> memref<128xi32, #tpu.memory_space<vmem>>
      %dma_wait3A_162 = arith.constant 0 : i32
      %dma_wait3A_163 = arith.constant 0 : i32
      %dma_wait3A_164 = tpu.memref_slice %arg2[%dma_wait3A_162, %dma_wait3A_163] : memref<10000x128xf32, #tpu.memory_space<hbm>> -> memref<10000x128xf32, #tpu.memory_space<hbm>>
      tpu.wait_indirect_dma semaphore(%arg13 : memref<!tpu.dma_semaphore, #tpu.memory_space<semaphore_mem>>) src(%dma_wait3A_164 : memref<10000x128xf32, #tpu.memory_space<hbm>>) dst(%dma_wait3A_159 : memref<128x128xf32, #tpu.memory_space<vmem>>)
      %add3A_165 = arith.constant 1 : i32
      %add3A_166 = arith.addi %add3A_77, %add3A_165 : i32
      %scan3A_167 = arith.constant 0 : i32
      %scan3A_168 = arith.constant 16 : i32
      %scan3A_169 = arith.addi %scan3A_167, %scan3A_168 : i32
      %scan3A_170 = arith.constant 1 : i32
      scf.for %scan3A_191 = %scan3A_167 to %scan3A_169 step %scan3A_170  : i32 {
        %mul3A_192 = arith.constant 8 : i32
        %mul3A_193 = arith.muli %scan3A_191, %mul3A_192 : i32
        %add3A_194 = arith.constant 0 : i32
        %add3A_195 = arith.addi %add3A_194, %mul3A_193 : i32
        %mul3A_196 = arith.constant 32 : i32
        %mul3A_197 = arith.muli %add3A_195, %mul3A_196 : i32
        %add3A_198 = arith.constant 0 : i32
        %add3A_199 = arith.addi %add3A_195, %add3A_198 : i32
        %get3A = arith.constant 1 : i32
        %get3A_200 = arith.index_cast %get3A : i32 to index
        %get3A_201 = arith.index_cast %add3A_199 : i32 to index
        %get3A_202 = arith.constant 0 : index
        %get3A_203 = tpu.vector_load %arg8[%get3A_200, %get3A_201, %get3A_202] {strides = array<i32>} : memref<2x128x128xf32, #tpu.memory_space<vmem>>, vector<1x1x16xf32>,
        %get3A_204 = vector.shape_cast %get3A_203 : vector<1x1x16xf32> to vector<1x16xf32>
        %add3A_205 = arith.constant 0 : i32
        %add3A_206 = arith.addi %add3A_195, %add3A_205 : i32
        %get3A_207 = arith.constant 1 : i32
        %get3A_208 = arith.index_cast %get3A_207 : i32 to index
        %get3A_209 = arith.index_cast %add3A_206 : i32 to index
        %get3A_210 = arith.constant 32 : index
        %get3A_211 = tpu.vector_load %arg9[%get3A_208, %get3A_209, %get3A_210] {strides = array<i32>} : memref<2x128x128xf32, #tpu.memory_space<vmem>>, vector<1x1x16xf32>,
        %get3A_212 = vector.shape_cast %get3A_211 : vector<1x1x16xf32> to vector<1x16xf32>
        %add3A_213 = arith.addf %get3A_204, %get3A_212 : vector<1x16xf32>
        %squeeze3A = vector.shape_cast %add3A_213 : vector<1x16xf32> to vector<16xf32>
        %add3A_214 = arith.constant 0 : i32
        %add3A_215 = arith.addi %mul3A_197, %add3A_214 : i32
        %add3A_216 = arith.constant 0 : i32
        %add3A_217 = arith.addi %add3A_215, %add3A_216 : i32
        %swap3A = arith.constant 1 : i32
        %swap3A_218 = arith.index_cast %swap3A : i32 to index
        %swap3A_219 = arith.index_cast %add3A_217 : i32 to index
        %swap3A_220 = tpu.vector_load %arg10[%swap3A_218, %swap3A_219] {strides = array<i32>} : memref<2x4096xf32, #tpu.memory_space<vmem>>, vector<1x16xf32>,
        %swap3A_221 = vector.shape_cast %swap3A_220 : vector<1x16xf32> to vector<16xf32>
        %swap3A_222 = vector.shape_cast %squeeze3A : vector<16xf32> to vector<1x16xf32>
        tpu.vector_store %arg10[%swap3A_218, %swap3A_219], %swap3A_222 {strides = array<i32>} : memref<2x4096xf32, #tpu.memory_space<vmem>>, vector<1x16xf32>,
        %add3A_223 = arith.constant 0 : i32
        %add3A_224 = arith.addi %add3A_195, %add3A_223 : i32
        %get3A_225 = arith.constant 1 : i32
        %get3A_226 = arith.index_cast %get3A_225 : i32 to index
        %get3A_227 = arith.index_cast %add3A_224 : i32 to index
        %get3A_228 = arith.constant 16 : index
        %get3A_229 = tpu.vector_load %arg8[%get3A_226, %get3A_227, %get3A_228] {strides = array<i32>} : memref<2x128x128xf32, #tpu.memory_space<vmem>>, vector<1x1x16xf32>,
        %get3A_230 = vector.shape_cast %get3A_229 : vector<1x1x16xf32> to vector<1x16xf32>
        %add3A_231 = arith.constant 0 : i32
        %add3A_232 = arith.addi %add3A_195, %add3A_231 : i32
        %get3A_233 = arith.constant 1 : i32
        %get3A_234 = arith.index_cast %get3A_233 : i32 to index
        %get3A_235 = arith.index_cast %add3A_232 : i32 to index
        %get3A_236 = arith.constant 48 : index
        %get3A_237 = tpu.vector_load %arg9[%get3A_234, %get3A_235, %get3A_236] {strides = array<i32>} : memref<2x128x128xf32, #tpu.memory_space<vmem>>, vector<1x1x16xf32>,
        %get3A_238 = vector.shape_cast %get3A_237 : vector<1x1x16xf32> to vector<1x16xf32>
        %add3A_239 = arith.addf %get3A_230, %get3A_238 : vector<1x16xf32>
        %squeeze3A_240 = vector.shape_cast %add3A_239 : vector<1x16xf32> to vector<16xf32>
        %add3A_241 = arith.constant 0 : i32
        %add3A_242 = arith.addi %mul3A_197, %add3A_241 : i32
        %add3A_243 = arith.constant 16 : i32
        %add3A_244 = arith.addi %add3A_242, %add3A_243 : i32
        %swap3A_245 = arith.constant 1 : i32
        %swap3A_246 = arith.index_cast %swap3A_245 : i32 to index
        %swap3A_247 = arith.index_cast %add3A_244 : i32 to index
        %swap3A_248 = tpu.vector_load %arg10[%swap3A_246, %swap3A_247] {strides = array<i32>} : memref<2x4096xf32, #tpu.memory_space<vmem>>, vector<1x16xf32>,
        %swap3A_249 = vector.shape_cast %swap3A_248 : vector<1x16xf32> to vector<16xf32>
        %swap3A_250 = vector.shape_cast %squeeze3A_240 : vector<16xf32> to vector<1x16xf32>
        tpu.vector_store %arg10[%swap3A_246, %swap3A_247], %swap3A_250 {strides = array<i32>} : memref<2x4096xf32, #tpu.memory_space<vmem>>, vector<1x16xf32>,
        %add3A_251 = arith.constant 1 : i32
        %add3A_252 = arith.addi %add3A_195, %add3A_251 : i32
        %get3A_253 = arith.constant 1 : i32
        %get3A_254 = arith.index_cast %get3A_253 : i32 to index
        %get3A_255 = arith.index_cast %add3A_252 : i32 to index
        %get3A_256 = arith.constant 0 : index
        %get3A_257 = tpu.vector_load %arg8[%get3A_254, %get3A_255, %get3A_256] {strides = array<i32>} : memref<2x128x128xf32, #tpu.memory_space<vmem>>, vector<1x1x16xf32>,
        %get3A_258 = vector.shape_cast %get3A_257 : vector<1x1x16xf32> to vector<1x16xf32>
        %add3A_259 = arith.constant 1 : i32
        %add3A_260 = arith.addi %add3A_195, %add3A_259 : i32
        %get3A_261 = arith.constant 1 : i32
        %get3A_262 = arith.index_cast %get3A_261 : i32 to index
        %get3A_263 = arith.index_cast %add3A_260 : i32 to index
        %get3A_264 = arith.constant 32 : index
        %get3A_265 = tpu.vector_load %arg9[%get3A_262, %get3A_263, %get3A_264] {strides = array<i32>} : memref<2x128x128xf32, #tpu.memory_space<vmem>>, vector<1x1x16xf32>,
        %get3A_266 = vector.shape_cast %get3A_265 : vector<1x1x16xf32> to vector<1x16xf32>
        %add3A_267 = arith.addf %get3A_258, %get3A_266 : vector<1x16xf32>
        %squeeze3A_268 = vector.shape_cast %add3A_267 : vector<1x16xf32> to vector<16xf32>
        %add3A_269 = arith.constant 32 : i32
        %add3A_270 = arith.addi %mul3A_197, %add3A_269 : i32
        %add3A_271 = arith.constant 0 : i32
        %add3A_272 = arith.addi %add3A_270, %add3A_271 : i32
        %swap3A_273 = arith.constant 1 : i32
        %swap3A_274 = arith.index_cast %swap3A_273 : i32 to index
        %swap3A_275 = arith.index_cast %add3A_272 : i32 to index
        %swap3A_276 = tpu.vector_load %arg10[%swap3A_274, %swap3A_275] {strides = array<i32>} : memref<2x4096xf32, #tpu.memory_space<vmem>>, vector<1x16xf32>,
        %swap3A_277 = vector.shape_cast %swap3A_276 : vector<1x16xf32> to vector<16xf32>
        %swap3A_278 = vector.shape_cast %squeeze3A_268 : vector<16xf32> to vector<1x16xf32>
        tpu.vector_store %arg10[%swap3A_274, %swap3A_275], %swap3A_278 {strides = array<i32>} : memref<2x4096xf32, #tpu.memory_space<vmem>>, vector<1x16xf32>,
        %add3A_279 = arith.constant 1 : i32
        %add3A_280 = arith.addi %add3A_195, %add3A_279 : i32
        %get3A_281 = arith.constant 1 : i32
        %get3A_282 = arith.index_cast %get3A_281 : i32 to index
        %get3A_283 = arith.index_cast %add3A_280 : i32 to index
        %get3A_284 = arith.constant 16 : index
        %get3A_285 = tpu.vector_load %arg8[%get3A_282, %get3A_283, %get3A_284] {strides = array<i32>} : memref<2x128x128xf32, #tpu.memory_space<vmem>>, vector<1x1x16xf32>,
        %get3A_286 = vector.shape_cast %get3A_285 : vector<1x1x16xf32> to vector<1x16xf32>
        %add3A_287 = arith.constant 1 : i32
        %add3A_288 = arith.addi %add3A_195, %add3A_287 : i32
        %get3A_289 = arith.constant 1 : i32
        %get3A_290 = arith.index_cast %get3A_289 : i32 to index
        %get3A_291 = arith.index_cast %add3A_288 : i32 to index
        %get3A_292 = arith.constant 48 : index
        %get3A_293 = tpu.vector_load %arg9[%get3A_290, %get3A_291, %get3A_292] {strides = array<i32>} : memref<2x128x128xf32, #tpu.memory_space<vmem>>, vector<1x1x16xf32>,
        %get3A_294 = vector.shape_cast %get3A_293 : vector<1x1x16xf32> to vector<1x16xf32>
        %add3A_295 = arith.addf %get3A_286, %get3A_294 : vector<1x16xf32>
        %squeeze3A_296 = vector.shape_cast %add3A_295 : vector<1x16xf32> to vector<16xf32>
        %add3A_297 = arith.constant 32 : i32
        %add3A_298 = arith.addi %mul3A_197, %add3A_297 : i32
        %add3A_299 = arith.constant 16 : i32
        %add3A_300 = arith.addi %add3A_298, %add3A_299 : i32
        %swap3A_301 = arith.constant 1 : i32
        %swap3A_302 = arith.index_cast %swap3A_301 : i32 to index
        %swap3A_303 = arith.index_cast %add3A_300 : i32 to index
        %swap3A_304 = tpu.vector_load %arg10[%swap3A_302, %swap3A_303] {strides = array<i32>} : memref<2x4096xf32, #tpu.memory_space<vmem>>, vector<1x16xf32>,
        %swap3A_305 = vector.shape_cast %swap3A_304 : vector<1x16xf32> to vector<16xf32>
        %swap3A_306 = vector.shape_cast %squeeze3A_296 : vector<16xf32> to vector<1x16xf32>
        tpu.vector_store %arg10[%swap3A_302, %swap3A_303], %swap3A_306 {strides = array<i32>} : memref<2x4096xf32, #tpu.memory_space<vmem>>, vector<1x16xf32>,
        %add3A_307 = arith.constant 2 : i32
        %add3A_308 = arith.addi %add3A_195, %add3A_307 : i32
        %get3A_309 = arith.constant 1 : i32
        %get3A_310 = arith.index_cast %get3A_309 : i32 to index
        %get3A_311 = arith.index_cast %add3A_308 : i32 to index
        %get3A_312 = arith.constant 0 : index
        %get3A_313 = tpu.vector_load %arg8[%get3A_310, %get3A_311, %get3A_312] {strides = array<i32>} : memref<2x128x128xf32, #tpu.memory_space<vmem>>, vector<1x1x16xf32>,
        %get3A_314 = vector.shape_cast %get3A_313 : vector<1x1x16xf32> to vector<1x16xf32>
        %add3A_315 = arith.constant 2 : i32
        %add3A_316 = arith.addi %add3A_195, %add3A_315 : i32
        %get3A_317 = arith.constant 1 : i32
        %get3A_318 = arith.index_cast %get3A_317 : i32 to index
        %get3A_319 = arith.index_cast %add3A_316 : i32 to index
        %get3A_320 = arith.constant 32 : index
        %get3A_321 = tpu.vector_load %arg9[%get3A_318, %get3A_319, %get3A_320] {strides = array<i32>} : memref<2x128x128xf32, #tpu.memory_space<vmem>>, vector<1x1x16xf32>,
        %get3A_322 = vector.shape_cast %get3A_321 : vector<1x1x16xf32> to vector<1x16xf32>
        %add3A_323 = arith.addf %get3A_314, %get3A_322 : vector<1x16xf32>
        %squeeze3A_324 = vector.shape_cast %add3A_323 : vector<1x16xf32> to vector<16xf32>
        %add3A_325 = arith.constant 64 : i32
        %add3A_326 = arith.addi %mul3A_197, %add3A_325 : i32
        %add3A_327 = arith.constant 0 : i32
        %add3A_328 = arith.addi %add3A_326, %add3A_327 : i32
        %swap3A_329 = arith.constant 1 : i32
        %swap3A_330 = arith.index_cast %swap3A_329 : i32 to index
        %swap3A_331 = arith.index_cast %add3A_328 : i32 to index
        %swap3A_332 = tpu.vector_load %arg10[%swap3A_330, %swap3A_331] {strides = array<i32>} : memref<2x4096xf32, #tpu.memory_space<vmem>>, vector<1x16xf32>,
        %swap3A_333 = vector.shape_cast %swap3A_332 : vector<1x16xf32> to vector<16xf32>
        %swap3A_334 = vector.shape_cast %squeeze3A_324 : vector<16xf32> to vector<1x16xf32>
        tpu.vector_store %arg10[%swap3A_330, %swap3A_331], %swap3A_334 {strides = array<i32>} : memref<2x4096xf32, #tpu.memory_space<vmem>>, vector<1x16xf32>,
        %add3A_335 = arith.constant 2 : i32
        %add3A_336 = arith.addi %add3A_195, %add3A_335 : i32
        %get3A_337 = arith.constant 1 : i32
        %get3A_338 = arith.index_cast %get3A_337 : i32 to index
        %get3A_339 = arith.index_cast %add3A_336 : i32 to index
        %get3A_340 = arith.constant 16 : index
        %get3A_341 = tpu.vector_load %arg8[%get3A_338, %get3A_339, %get3A_340] {strides = array<i32>} : memref<2x128x128xf32, #tpu.memory_space<vmem>>, vector<1x1x16xf32>,
        %get3A_342 = vector.shape_cast %get3A_341 : vector<1x1x16xf32> to vector<1x16xf32>
        %add3A_343 = arith.constant 2 : i32
        %add3A_344 = arith.addi %add3A_195, %add3A_343 : i32
        %get3A_345 = arith.constant 1 : i32
        %get3A_346 = arith.index_cast %get3A_345 : i32 to index
        %get3A_347 = arith.index_cast %add3A_344 : i32 to index
        %get3A_348 = arith.constant 48 : index
        %get3A_349 = tpu.vector_load %arg9[%get3A_346, %get3A_347, %get3A_348] {strides = array<i32>} : memref<2x128x128xf32, #tpu.memory_space<vmem>>, vector<1x1x16xf32>,
        %get3A_350 = vector.shape_cast %get3A_349 : vector<1x1x16xf32> to vector<1x16xf32>
        %add3A_351 = arith.addf %get3A_342, %get3A_350 : vector<1x16xf32>
        %squeeze3A_352 = vector.shape_cast %add3A_351 : vector<1x16xf32> to vector<16xf32>
        %add3A_353 = arith.constant 64 : i32
        %add3A_354 = arith.addi %mul3A_197, %add3A_353 : i32
        %add3A_355 = arith.constant 16 : i32
        %add3A_356 = arith.addi %add3A_354, %add3A_355 : i32
        %swap3A_357 = arith.constant 1 : i32
        %swap3A_358 = arith.index_cast %swap3A_357 : i32 to index
        %swap3A_359 = arith.index_cast %add3A_356 : i32 to index
        %swap3A_360 = tpu.vector_load %arg10[%swap3A_358, %swap3A_359] {strides = array<i32>} : memref<2x4096xf32, #tpu.memory_space<vmem>>, vector<1x16xf32>,
        %swap3A_361 = vector.shape_cast %swap3A_360 : vector<1x16xf32> to vector<16xf32>
        %swap3A_362 = vector.shape_cast %squeeze3A_352 : vector<16xf32> to vector<1x16xf32>
        tpu.vector_store %arg10[%swap3A_358, %swap3A_359], %swap3A_362 {strides = array<i32>} : memref<2x4096xf32, #tpu.memory_space<vmem>>, vector<1x16xf32>,
        %add3A_363 = arith.constant 3 : i32
        %add3A_364 = arith.addi %add3A_195, %add3A_363 : i32
        %get3A_365 = arith.constant 1 : i32
        %get3A_366 = arith.index_cast %get3A_365 : i32 to index
        %get3A_367 = arith.index_cast %add3A_364 : i32 to index
        %get3A_368 = arith.constant 0 : index
        %get3A_369 = tpu.vector_load %arg8[%get3A_366, %get3A_367, %get3A_368] {strides = array<i32>} : memref<2x128x128xf32, #tpu.memory_space<vmem>>, vector<1x1x16xf32>,
        %get3A_370 = vector.shape_cast %get3A_369 : vector<1x1x16xf32> to vector<1x16xf32>
        %add3A_371 = arith.constant 3 : i32
        %add3A_372 = arith.addi %add3A_195, %add3A_371 : i32
        %get3A_373 = arith.constant 1 : i32
        %get3A_374 = arith.index_cast %get3A_373 : i32 to index
        %get3A_375 = arith.index_cast %add3A_372 : i32 to index
        %get3A_376 = arith.constant 32 : index
        %get3A_377 = tpu.vector_load %arg9[%get3A_374, %get3A_375, %get3A_376] {strides = array<i32>} : memref<2x128x128xf32, #tpu.memory_space<vmem>>, vector<1x1x16xf32>,
        %get3A_378 = vector.shape_cast %get3A_377 : vector<1x1x16xf32> to vector<1x16xf32>
        %add3A_379 = arith.addf %get3A_370, %get3A_378 : vector<1x16xf32>
        %squeeze3A_380 = vector.shape_cast %add3A_379 : vector<1x16xf32> to vector<16xf32>
        %add3A_381 = arith.constant 96 : i32
        %add3A_382 = arith.addi %mul3A_197, %add3A_381 : i32
        %add3A_383 = arith.constant 0 : i32
        %add3A_384 = arith.addi %add3A_382, %add3A_383 : i32
        %swap3A_385 = arith.constant 1 : i32
        %swap3A_386 = arith.index_cast %swap3A_385 : i32 to index
        %swap3A_387 = arith.index_cast %add3A_384 : i32 to index
        %swap3A_388 = tpu.vector_load %arg10[%swap3A_386, %swap3A_387] {strides = array<i32>} : memref<2x4096xf32, #tpu.memory_space<vmem>>, vector<1x16xf32>,
        %swap3A_389 = vector.shape_cast %swap3A_388 : vector<1x16xf32> to vector<16xf32>
        %swap3A_390 = vector.shape_cast %squeeze3A_380 : vector<16xf32> to vector<1x16xf32>
        tpu.vector_store %arg10[%swap3A_386, %swap3A_387], %swap3A_390 {strides = array<i32>} : memref<2x4096xf32, #tpu.memory_space<vmem>>, vector<1x16xf32>,
        %add3A_391 = arith.constant 3 : i32
        %add3A_392 = arith.addi %add3A_195, %add3A_391 : i32
        %get3A_393 = arith.constant 1 : i32
        %get3A_394 = arith.index_cast %get3A_393 : i32 to index
        %get3A_395 = arith.index_cast %add3A_392 : i32 to index
        %get3A_396 = arith.constant 16 : index
        %get3A_397 = tpu.vector_load %arg8[%get3A_394, %get3A_395, %get3A_396] {strides = array<i32>} : memref<2x128x128xf32, #tpu.memory_space<vmem>>, vector<1x1x16xf32>,
        %get3A_398 = vector.shape_cast %get3A_397 : vector<1x1x16xf32> to vector<1x16xf32>
        %add3A_399 = arith.constant 3 : i32
        %add3A_400 = arith.addi %add3A_195, %add3A_399 : i32
        %get3A_401 = arith.constant 1 : i32
        %get3A_402 = arith.index_cast %get3A_401 : i32 to index
        %get3A_403 = arith.index_cast %add3A_400 : i32 to index
        %get3A_404 = arith.constant 48 : index
        %get3A_405 = tpu.vector_load %arg9[%get3A_402, %get3A_403, %get3A_404] {strides = array<i32>} : memref<2x128x128xf32, #tpu.memory_space<vmem>>, vector<1x1x16xf32>,
        %get3A_406 = vector.shape_cast %get3A_405 : vector<1x1x16xf32> to vector<1x16xf32>
        %add3A_407 = arith.addf %get3A_398, %get3A_406 : vector<1x16xf32>
        %squeeze3A_408 = vector.shape_cast %add3A_407 : vector<1x16xf32> to vector<16xf32>
        %add3A_409 = arith.constant 96 : i32
        %add3A_410 = arith.addi %mul3A_197, %add3A_409 : i32
        %add3A_411 = arith.constant 16 : i32
        %add3A_412 = arith.addi %add3A_410, %add3A_411 : i32
        %swap3A_413 = arith.constant 1 : i32
        %swap3A_414 = arith.index_cast %swap3A_413 : i32 to index
        %swap3A_415 = arith.index_cast %add3A_412 : i32 to index
        %swap3A_416 = tpu.vector_load %arg10[%swap3A_414, %swap3A_415] {strides = array<i32>} : memref<2x4096xf32, #tpu.memory_space<vmem>>, vector<1x16xf32>,
        %swap3A_417 = vector.shape_cast %swap3A_416 : vector<1x16xf32> to vector<16xf32>
        %swap3A_418 = vector.shape_cast %squeeze3A_408 : vector<16xf32> to vector<1x16xf32>
        tpu.vector_store %arg10[%swap3A_414, %swap3A_415], %swap3A_418 {strides = array<i32>} : memref<2x4096xf32, #tpu.memory_space<vmem>>, vector<1x16xf32>,
        %add3A_419 = arith.constant 4 : i32
        %add3A_420 = arith.addi %add3A_195, %add3A_419 : i32
        %get3A_421 = arith.constant 1 : i32
        %get3A_422 = arith.index_cast %get3A_421 : i32 to index
        %get3A_423 = arith.index_cast %add3A_420 : i32 to index
        %get3A_424 = arith.constant 0 : index
        %get3A_425 = tpu.vector_load %arg8[%get3A_422, %get3A_423, %get3A_424] {strides = array<i32>} : memref<2x128x128xf32, #tpu.memory_space<vmem>>, vector<1x1x16xf32>,
        %get3A_426 = vector.shape_cast %get3A_425 : vector<1x1x16xf32> to vector<1x16xf32>
        %add3A_427 = arith.constant 4 : i32
        %add3A_428 = arith.addi %add3A_195, %add3A_427 : i32
        %get3A_429 = arith.constant 1 : i32
        %get3A_430 = arith.index_cast %get3A_429 : i32 to index
        %get3A_431 = arith.index_cast %add3A_428 : i32 to index
        %get3A_432 = arith.constant 32 : index
        %get3A_433 = tpu.vector_load %arg9[%get3A_430, %get3A_431, %get3A_432] {strides = array<i32>} : memref<2x128x128xf32, #tpu.memory_space<vmem>>, vector<1x1x16xf32>,
        %get3A_434 = vector.shape_cast %get3A_433 : vector<1x1x16xf32> to vector<1x16xf32>
        %add3A_435 = arith.addf %get3A_426, %get3A_434 : vector<1x16xf32>
        %squeeze3A_436 = vector.shape_cast %add3A_435 : vector<1x16xf32> to vector<16xf32>
        %add3A_437 = arith.constant 128 : i32
        %add3A_438 = arith.addi %mul3A_197, %add3A_437 : i32
        %add3A_439 = arith.constant 0 : i32
        %add3A_440 = arith.addi %add3A_438, %add3A_439 : i32
        %swap3A_441 = arith.constant 1 : i32
        %swap3A_442 = arith.index_cast %swap3A_441 : i32 to index
        %swap3A_443 = arith.index_cast %add3A_440 : i32 to index
        %swap3A_444 = tpu.vector_load %arg10[%swap3A_442, %swap3A_443] {strides = array<i32>} : memref<2x4096xf32, #tpu.memory_space<vmem>>, vector<1x16xf32>,
        %swap3A_445 = vector.shape_cast %swap3A_444 : vector<1x16xf32> to vector<16xf32>
        %swap3A_446 = vector.shape_cast %squeeze3A_436 : vector<16xf32> to vector<1x16xf32>
        tpu.vector_store %arg10[%swap3A_442, %swap3A_443], %swap3A_446 {strides = array<i32>} : memref<2x4096xf32, #tpu.memory_space<vmem>>, vector<1x16xf32>,
        %add3A_447 = arith.constant 4 : i32
        %add3A_448 = arith.addi %add3A_195, %add3A_447 : i32
        %get3A_449 = arith.constant 1 : i32
        %get3A_450 = arith.index_cast %get3A_449 : i32 to index
        %get3A_451 = arith.index_cast %add3A_448 : i32 to index
        %get3A_452 = arith.constant 16 : index
        %get3A_453 = tpu.vector_load %arg8[%get3A_450, %get3A_451, %get3A_452] {strides = array<i32>} : memref<2x128x128xf32, #tpu.memory_space<vmem>>, vector<1x1x16xf32>,
        %get3A_454 = vector.shape_cast %get3A_453 : vector<1x1x16xf32> to vector<1x16xf32>
        %add3A_455 = arith.constant 4 : i32
        %add3A_456 = arith.addi %add3A_195, %add3A_455 : i32
        %get3A_457 = arith.constant 1 : i32
        %get3A_458 = arith.index_cast %get3A_457 : i32 to index
        %get3A_459 = arith.index_cast %add3A_456 : i32 to index
        %get3A_460 = arith.constant 48 : index
        %get3A_461 = tpu.vector_load %arg9[%get3A_458, %get3A_459, %get3A_460] {strides = array<i32>} : memref<2x128x128xf32, #tpu.memory_space<vmem>>, vector<1x1x16xf32>,
        %get3A_462 = vector.shape_cast %get3A_461 : vector<1x1x16xf32> to vector<1x16xf32>
        %add3A_463 = arith.addf %get3A_454, %get3A_462 : vector<1x16xf32>
        %squeeze3A_464 = vector.shape_cast %add3A_463 : vector<1x16xf32> to vector<16xf32>
        %add3A_465 = arith.constant 128 : i32
        %add3A_466 = arith.addi %mul3A_197, %add3A_465 : i32
        %add3A_467 = arith.constant 16 : i32
        %add3A_468 = arith.addi %add3A_466, %add3A_467 : i32
        %swap3A_469 = arith.constant 1 : i32
        %swap3A_470 = arith.index_cast %swap3A_469 : i32 to index
        %swap3A_471 = arith.index_cast %add3A_468 : i32 to index
        %swap3A_472 = tpu.vector_load %arg10[%swap3A_470, %swap3A_471] {strides = array<i32>} : memref<2x4096xf32, #tpu.memory_space<vmem>>, vector<1x16xf32>,
        %swap3A_473 = vector.shape_cast %swap3A_472 : vector<1x16xf32> to vector<16xf32>
        %swap3A_474 = vector.shape_cast %squeeze3A_464 : vector<16xf32> to vector<1x16xf32>
        tpu.vector_store %arg10[%swap3A_470, %swap3A_471], %swap3A_474 {strides = array<i32>} : memref<2x4096xf32, #tpu.memory_space<vmem>>, vector<1x16xf32>,
        %add3A_475 = arith.constant 5 : i32
        %add3A_476 = arith.addi %add3A_195, %add3A_475 : i32
        %get3A_477 = arith.constant 1 : i32
        %get3A_478 = arith.index_cast %get3A_477 : i32 to index
        %get3A_479 = arith.index_cast %add3A_476 : i32 to index
        %get3A_480 = arith.constant 0 : index
        %get3A_481 = tpu.vector_load %arg8[%get3A_478, %get3A_479, %get3A_480] {strides = array<i32>} : memref<2x128x128xf32, #tpu.memory_space<vmem>>, vector<1x1x16xf32>,
        %get3A_482 = vector.shape_cast %get3A_481 : vector<1x1x16xf32> to vector<1x16xf32>
        %add3A_483 = arith.constant 5 : i32
        %add3A_484 = arith.addi %add3A_195, %add3A_483 : i32
        %get3A_485 = arith.constant 1 : i32
        %get3A_486 = arith.index_cast %get3A_485 : i32 to index
        %get3A_487 = arith.index_cast %add3A_484 : i32 to index
        %get3A_488 = arith.constant 32 : index
        %get3A_489 = tpu.vector_load %arg9[%get3A_486, %get3A_487, %get3A_488] {strides = array<i32>} : memref<2x128x128xf32, #tpu.memory_space<vmem>>, vector<1x1x16xf32>,
        %get3A_490 = vector.shape_cast %get3A_489 : vector<1x1x16xf32> to vector<1x16xf32>
        %add3A_491 = arith.addf %get3A_482, %get3A_490 : vector<1x16xf32>
        %squeeze3A_492 = vector.shape_cast %add3A_491 : vector<1x16xf32> to vector<16xf32>
        %add3A_493 = arith.constant 160 : i32
        %add3A_494 = arith.addi %mul3A_197, %add3A_493 : i32
        %add3A_495 = arith.constant 0 : i32
        %add3A_496 = arith.addi %add3A_494, %add3A_495 : i32
        %swap3A_497 = arith.constant 1 : i32
        %swap3A_498 = arith.index_cast %swap3A_497 : i32 to index
        %swap3A_499 = arith.index_cast %add3A_496 : i32 to index
        %swap3A_500 = tpu.vector_load %arg10[%swap3A_498, %swap3A_499] {strides = array<i32>} : memref<2x4096xf32, #tpu.memory_space<vmem>>, vector<1x16xf32>,
        %swap3A_501 = vector.shape_cast %swap3A_500 : vector<1x16xf32> to vector<16xf32>
        %swap3A_502 = vector.shape_cast %squeeze3A_492 : vector<16xf32> to vector<1x16xf32>
        tpu.vector_store %arg10[%swap3A_498, %swap3A_499], %swap3A_502 {strides = array<i32>} : memref<2x4096xf32, #tpu.memory_space<vmem>>, vector<1x16xf32>,
        %add3A_503 = arith.constant 5 : i32
        %add3A_504 = arith.addi %add3A_195, %add3A_503 : i32
        %get3A_505 = arith.constant 1 : i32
        %get3A_506 = arith.index_cast %get3A_505 : i32 to index
        %get3A_507 = arith.index_cast %add3A_504 : i32 to index
        %get3A_508 = arith.constant 16 : index
        %get3A_509 = tpu.vector_load %arg8[%get3A_506, %get3A_507, %get3A_508] {strides = array<i32>} : memref<2x128x128xf32, #tpu.memory_space<vmem>>, vector<1x1x16xf32>,
        %get3A_510 = vector.shape_cast %get3A_509 : vector<1x1x16xf32> to vector<1x16xf32>
        %add3A_511 = arith.constant 5 : i32
        %add3A_512 = arith.addi %add3A_195, %add3A_511 : i32
        %get3A_513 = arith.constant 1 : i32
        %get3A_514 = arith.index_cast %get3A_513 : i32 to index
        %get3A_515 = arith.index_cast %add3A_512 : i32 to index
        %get3A_516 = arith.constant 48 : index
        %get3A_517 = tpu.vector_load %arg9[%get3A_514, %get3A_515, %get3A_516] {strides = array<i32>} : memref<2x128x128xf32, #tpu.memory_space<vmem>>, vector<1x1x16xf32>,
        %get3A_518 = vector.shape_cast %get3A_517 : vector<1x1x16xf32> to vector<1x16xf32>
        %add3A_519 = arith.addf %get3A_510, %get3A_518 : vector<1x16xf32>
        %squeeze3A_520 = vector.shape_cast %add3A_519 : vector<1x16xf32> to vector<16xf32>
        %add3A_521 = arith.constant 160 : i32
        %add3A_522 = arith.addi %mul3A_197, %add3A_521 : i32
        %add3A_523 = arith.constant 16 : i32
        %add3A_524 = arith.addi %add3A_522, %add3A_523 : i32
        %swap3A_525 = arith.constant 1 : i32
        %swap3A_526 = arith.index_cast %swap3A_525 : i32 to index
        %swap3A_527 = arith.index_cast %add3A_524 : i32 to index
        %swap3A_528 = tpu.vector_load %arg10[%swap3A_526, %swap3A_527] {strides = array<i32>} : memref<2x4096xf32, #tpu.memory_space<vmem>>, vector<1x16xf32>,
        %swap3A_529 = vector.shape_cast %swap3A_528 : vector<1x16xf32> to vector<16xf32>
        %swap3A_530 = vector.shape_cast %squeeze3A_520 : vector<16xf32> to vector<1x16xf32>
        tpu.vector_store %arg10[%swap3A_526, %swap3A_527], %swap3A_530 {strides = array<i32>} : memref<2x4096xf32, #tpu.memory_space<vmem>>, vector<1x16xf32>,
        %add3A_531 = arith.constant 6 : i32
        %add3A_532 = arith.addi %add3A_195, %add3A_531 : i32
        %get3A_533 = arith.constant 1 : i32
        %get3A_534 = arith.index_cast %get3A_533 : i32 to index
        %get3A_535 = arith.index_cast %add3A_532 : i32 to index
        %get3A_536 = arith.constant 0 : index
        %get3A_537 = tpu.vector_load %arg8[%get3A_534, %get3A_535, %get3A_536] {strides = array<i32>} : memref<2x128x128xf32, #tpu.memory_space<vmem>>, vector<1x1x16xf32>,
        %get3A_538 = vector.shape_cast %get3A_537 : vector<1x1x16xf32> to vector<1x16xf32>
        %add3A_539 = arith.constant 6 : i32
        %add3A_540 = arith.addi %add3A_195, %add3A_539 : i32
        %get3A_541 = arith.constant 1 : i32
        %get3A_542 = arith.index_cast %get3A_541 : i32 to index
        %get3A_543 = arith.index_cast %add3A_540 : i32 to index
        %get3A_544 = arith.constant 32 : index
        %get3A_545 = tpu.vector_load %arg9[%get3A_542, %get3A_543, %get3A_544] {strides = array<i32>} : memref<2x128x128xf32, #tpu.memory_space<vmem>>, vector<1x1x16xf32>,
        %get3A_546 = vector.shape_cast %get3A_545 : vector<1x1x16xf32> to vector<1x16xf32>
        %add3A_547 = arith.addf %get3A_538, %get3A_546 : vector<1x16xf32>
        %squeeze3A_548 = vector.shape_cast %add3A_547 : vector<1x16xf32> to vector<16xf32>
        %add3A_549 = arith.constant 192 : i32
        %add3A_550 = arith.addi %mul3A_197, %add3A_549 : i32
        %add3A_551 = arith.constant 0 : i32
        %add3A_552 = arith.addi %add3A_550, %add3A_551 : i32
        %swap3A_553 = arith.constant 1 : i32
        %swap3A_554 = arith.index_cast %swap3A_553 : i32 to index
        %swap3A_555 = arith.index_cast %add3A_552 : i32 to index
        %swap3A_556 = tpu.vector_load %arg10[%swap3A_554, %swap3A_555] {strides = array<i32>} : memref<2x4096xf32, #tpu.memory_space<vmem>>, vector<1x16xf32>,
        %swap3A_557 = vector.shape_cast %swap3A_556 : vector<1x16xf32> to vector<16xf32>
        %swap3A_558 = vector.shape_cast %squeeze3A_548 : vector<16xf32> to vector<1x16xf32>
        tpu.vector_store %arg10[%swap3A_554, %swap3A_555], %swap3A_558 {strides = array<i32>} : memref<2x4096xf32, #tpu.memory_space<vmem>>, vector<1x16xf32>,
        %add3A_559 = arith.constant 6 : i32
        %add3A_560 = arith.addi %add3A_195, %add3A_559 : i32
        %get3A_561 = arith.constant 1 : i32
        %get3A_562 = arith.index_cast %get3A_561 : i32 to index
        %get3A_563 = arith.index_cast %add3A_560 : i32 to index
        %get3A_564 = arith.constant 16 : index
        %get3A_565 = tpu.vector_load %arg8[%get3A_562, %get3A_563, %get3A_564] {strides = array<i32>} : memref<2x128x128xf32, #tpu.memory_space<vmem>>, vector<1x1x16xf32>,
        %get3A_566 = vector.shape_cast %get3A_565 : vector<1x1x16xf32> to vector<1x16xf32>
        %add3A_567 = arith.constant 6 : i32
        %add3A_568 = arith.addi %add3A_195, %add3A_567 : i32
        %get3A_569 = arith.constant 1 : i32
        %get3A_570 = arith.index_cast %get3A_569 : i32 to index
        %get3A_571 = arith.index_cast %add3A_568 : i32 to index
        %get3A_572 = arith.constant 48 : index
        %get3A_573 = tpu.vector_load %arg9[%get3A_570, %get3A_571, %get3A_572] {strides = array<i32>} : memref<2x128x128xf32, #tpu.memory_space<vmem>>, vector<1x1x16xf32>,
        %get3A_574 = vector.shape_cast %get3A_573 : vector<1x1x16xf32> to vector<1x16xf32>
        %add3A_575 = arith.addf %get3A_566, %get3A_574 : vector<1x16xf32>
        %squeeze3A_576 = vector.shape_cast %add3A_575 : vector<1x16xf32> to vector<16xf32>
        %add3A_577 = arith.constant 192 : i32
        %add3A_578 = arith.addi %mul3A_197, %add3A_577 : i32
        %add3A_579 = arith.constant 16 : i32
        %add3A_580 = arith.addi %add3A_578, %add3A_579 : i32
        %swap3A_581 = arith.constant 1 : i32
        %swap3A_582 = arith.index_cast %swap3A_581 : i32 to index
        %swap3A_583 = arith.index_cast %add3A_580 : i32 to index
        %swap3A_584 = tpu.vector_load %arg10[%swap3A_582, %swap3A_583] {strides = array<i32>} : memref<2x4096xf32, #tpu.memory_space<vmem>>, vector<1x16xf32>,
        %swap3A_585 = vector.shape_cast %swap3A_584 : vector<1x16xf32> to vector<16xf32>
        %swap3A_586 = vector.shape_cast %squeeze3A_576 : vector<16xf32> to vector<1x16xf32>
        tpu.vector_store %arg10[%swap3A_582, %swap3A_583], %swap3A_586 {strides = array<i32>} : memref<2x4096xf32, #tpu.memory_space<vmem>>, vector<1x16xf32>,
        %add3A_587 = arith.constant 7 : i32
        %add3A_588 = arith.addi %add3A_195, %add3A_587 : i32
        %get3A_589 = arith.constant 1 : i32
        %get3A_590 = arith.index_cast %get3A_589 : i32 to index
        %get3A_591 = arith.index_cast %add3A_588 : i32 to index
        %get3A_592 = arith.constant 0 : index
        %get3A_593 = tpu.vector_load %arg8[%get3A_590, %get3A_591, %get3A_592] {strides = array<i32>} : memref<2x128x128xf32, #tpu.memory_space<vmem>>, vector<1x1x16xf32>,
        %get3A_594 = vector.shape_cast %get3A_593 : vector<1x1x16xf32> to vector<1x16xf32>
        %add3A_595 = arith.constant 7 : i32
        %add3A_596 = arith.addi %add3A_195, %add3A_595 : i32
        %get3A_597 = arith.constant 1 : i32
        %get3A_598 = arith.index_cast %get3A_597 : i32 to index
        %get3A_599 = arith.index_cast %add3A_596 : i32 to index
        %get3A_600 = arith.constant 32 : index
        %get3A_601 = tpu.vector_load %arg9[%get3A_598, %get3A_599, %get3A_600] {strides = array<i32>} : memref<2x128x128xf32, #tpu.memory_space<vmem>>, vector<1x1x16xf32>,
        %get3A_602 = vector.shape_cast %get3A_601 : vector<1x1x16xf32> to vector<1x16xf32>
        %add3A_603 = arith.addf %get3A_594, %get3A_602 : vector<1x16xf32>
        %squeeze3A_604 = vector.shape_cast %add3A_603 : vector<1x16xf32> to vector<16xf32>
        %add3A_605 = arith.constant 224 : i32
        %add3A_606 = arith.addi %mul3A_197, %add3A_605 : i32
        %add3A_607 = arith.constant 0 : i32
        %add3A_608 = arith.addi %add3A_606, %add3A_607 : i32
        %swap3A_609 = arith.constant 1 : i32
        %swap3A_610 = arith.index_cast %swap3A_609 : i32 to index
        %swap3A_611 = arith.index_cast %add3A_608 : i32 to index
        %swap3A_612 = tpu.vector_load %arg10[%swap3A_610, %swap3A_611] {strides = array<i32>} : memref<2x4096xf32, #tpu.memory_space<vmem>>, vector<1x16xf32>,
        %swap3A_613 = vector.shape_cast %swap3A_612 : vector<1x16xf32> to vector<16xf32>
        %swap3A_614 = vector.shape_cast %squeeze3A_604 : vector<16xf32> to vector<1x16xf32>
        tpu.vector_store %arg10[%swap3A_610, %swap3A_611], %swap3A_614 {strides = array<i32>} : memref<2x4096xf32, #tpu.memory_space<vmem>>, vector<1x16xf32>,
        %add3A_615 = arith.constant 7 : i32
        %add3A_616 = arith.addi %add3A_195, %add3A_615 : i32
        %get3A_617 = arith.constant 1 : i32
        %get3A_618 = arith.index_cast %get3A_617 : i32 to index
        %get3A_619 = arith.index_cast %add3A_616 : i32 to index
        %get3A_620 = arith.constant 16 : index
        %get3A_621 = tpu.vector_load %arg8[%get3A_618, %get3A_619, %get3A_620] {strides = array<i32>} : memref<2x128x128xf32, #tpu.memory_space<vmem>>, vector<1x1x16xf32>,
        %get3A_622 = vector.shape_cast %get3A_621 : vector<1x1x16xf32> to vector<1x16xf32>
        %add3A_623 = arith.constant 7 : i32
        %add3A_624 = arith.addi %add3A_195, %add3A_623 : i32
        %get3A_625 = arith.constant 1 : i32
        %get3A_626 = arith.index_cast %get3A_625 : i32 to index
        %get3A_627 = arith.index_cast %add3A_624 : i32 to index
        %get3A_628 = arith.constant 48 : index
        %get3A_629 = tpu.vector_load %arg9[%get3A_626, %get3A_627, %get3A_628] {strides = array<i32>} : memref<2x128x128xf32, #tpu.memory_space<vmem>>, vector<1x1x16xf32>,
        %get3A_630 = vector.shape_cast %get3A_629 : vector<1x1x16xf32> to vector<1x16xf32>
        %add3A_631 = arith.addf %get3A_622, %get3A_630 : vector<1x16xf32>
        %squeeze3A_632 = vector.shape_cast %add3A_631 : vector<1x16xf32> to vector<16xf32>
        %add3A_633 = arith.constant 224 : i32
        %add3A_634 = arith.addi %mul3A_197, %add3A_633 : i32
        %add3A_635 = arith.constant 16 : i32
        %add3A_636 = arith.addi %add3A_634, %add3A_635 : i32
        %swap3A_637 = arith.constant 1 : i32
        %swap3A_638 = arith.index_cast %swap3A_637 : i32 to index
        %swap3A_639 = arith.index_cast %add3A_636 : i32 to index
        %swap3A_640 = tpu.vector_load %arg10[%swap3A_638, %swap3A_639] {strides = array<i32>} : memref<2x4096xf32, #tpu.memory_space<vmem>>, vector<1x16xf32>,
        %swap3A_641 = vector.shape_cast %swap3A_640 : vector<1x16xf32> to vector<16xf32>
        %swap3A_642 = vector.shape_cast %squeeze3A_632 : vector<16xf32> to vector<1x16xf32>
        tpu.vector_store %arg10[%swap3A_638, %swap3A_639], %swap3A_642 {strides = array<i32>} : memref<2x4096xf32, #tpu.memory_space<vmem>>, vector<1x16xf32>,
      }
      %scan3A_171 = arith.constant 16 : i32
      %ge3A_172 = arith.constant 2 : i32
      %ge3A_173 = arith.cmpi sge, %add3A_166, %ge3A_172 : i32
      %convert_element_type3A_174 = arith.extui %ge3A_173 : i1 to i32
      %cond3A_175 = arith.constant 0 : i32
      %cond3A_176 = arith.cmpi ne, %convert_element_type3A_174, %cond3A_175 : i32
      scf.if %cond3A_176 {
        %mul3A_191 = arith.constant 32 : i32
        %mul3A_192 = arith.muli %mul3A_10, %mul3A_191 : i32
        %dma_wait3A_193 = arith.constant 1 : i32
        %dma_wait3A_194 = arith.constant 0 : i32
        %dma_wait3A_195 = tpu.memref_slice %arg10[%dma_wait3A_193, %dma_wait3A_194] : memref<2x4096xf32, #tpu.memory_space<vmem>> -> memref<1x4096xf32, #tpu.memory_space<vmem>>
        %dma_wait3A_196 = tpu.memref_squeeze %dma_wait3A_195 : memref<1x4096xf32, #tpu.memory_space<vmem>> -> memref<4096xf32, #tpu.memory_space<vmem>>
        %dma_wait3A_197 = tpu.memref_slice %arg5[%mul3A_192] : memref<5242880xf32, #tpu.memory_space<hbm>> -> memref<4096xf32, #tpu.memory_space<hbm>>
        %dma_wait3A_198 = tpu.memref_slice %arg5[%mul3A_192] : memref<5242880xf32, #tpu.memory_space<hbm>> -> memref<4096xf32, #tpu.memory_space<hbm>>
        %dma_wait3A_199 = arith.constant 0 : i32
        %dma_wait3A_200 = tpu.memref_slice %arg10[%dma_wait3A_193, %dma_wait3A_199] : memref<2x4096xf32, #tpu.memory_space<vmem>> -> memref<1x4096xf32, #tpu.memory_space<vmem>>
        %dma_wait3A_201 = tpu.memref_squeeze %dma_wait3A_200 : memref<1x4096xf32, #tpu.memory_space<vmem>> -> memref<4096xf32, #tpu.memory_space<vmem>>
        tpu.wait_dma2 semaphore(%arg15 : memref<!tpu.dma_semaphore, #tpu.memory_space<semaphore_mem>>) src(%dma_wait3A_201 : memref<4096xf32, #tpu.memory_space<vmem>>) dst(%dma_wait3A_198 : memref<4096xf32, #tpu.memory_space<hbm>>)
      } else {
      }
      %mul3A_177 = arith.constant 128 : i32
      %mul3A_178 = arith.muli %add3A_166, %mul3A_177 : i32
      %add3A_179 = arith.addi %mul3A_10, %mul3A_178 : i32
      %mul3A_180 = arith.constant 32 : i32
      %mul3A_181 = arith.muli %add3A_179, %mul3A_180 : i32
      %dma_start3A_182 = arith.constant 1 : i32
      %dma_start3A_183 = arith.constant 0 : i32
      %dma_start3A_184 = tpu.memref_slice %arg10[%dma_start3A_182, %dma_start3A_183] : memref<2x4096xf32, #tpu.memory_space<vmem>> -> memref<1x4096xf32, #tpu.memory_space<vmem>>
      %dma_start3A_185 = tpu.memref_squeeze %dma_start3A_184 : memref<1x4096xf32, #tpu.memory_space<vmem>> -> memref<4096xf32, #tpu.memory_space<vmem>>
      %dma_start3A_186 = tpu.memref_slice %arg5[%mul3A_181] : memref<5242880xf32, #tpu.memory_space<hbm>> -> memref<4096xf32, #tpu.memory_space<hbm>>
      %dma_start3A_187 = tpu.memref_slice %arg5[%mul3A_181] : memref<5242880xf32, #tpu.memory_space<hbm>> -> memref<4096xf32, #tpu.memory_space<hbm>>
      %dma_start3A_188 = arith.constant 0 : i32
      %dma_start3A_189 = tpu.memref_slice %arg10[%dma_start3A_182, %dma_start3A_188] : memref<2x4096xf32, #tpu.memory_space<vmem>> -> memref<1x4096xf32, #tpu.memory_space<vmem>>
      %dma_start3A_190 = tpu.memref_squeeze %dma_start3A_189 : memref<1x4096xf32, #tpu.memory_space<vmem>> -> memref<4096xf32, #tpu.memory_space<vmem>>
      tpu.enqueue_dma source(%dma_start3A_190 : memref<4096xf32, #tpu.memory_space<vmem>>) target(%dma_start3A_187 : memref<4096xf32, #tpu.memory_space<hbm>>) target_semaphore(%arg15 : memref<!tpu.dma_semaphore, #tpu.memory_space<semaphore_mem>>)
    }
    %mul3A_53 = arith.constant 32 : i32
    %mul3A_54 = arith.muli %mul3A_10, %mul3A_53 : i32
    %dma_wait3A_55 = arith.constant 0 : i32
    %dma_wait3A_56 = arith.constant 0 : i32
    %dma_wait3A_57 = tpu.memref_slice %arg10[%dma_wait3A_55, %dma_wait3A_56] : memref<2x4096xf32, #tpu.memory_space<vmem>> -> memref<1x4096xf32, #tpu.memory_space<vmem>>
    %dma_wait3A_58 = tpu.memref_squeeze %dma_wait3A_57 : memref<1x4096xf32, #tpu.memory_space<vmem>> -> memref<4096xf32, #tpu.memory_space<vmem>>
    %dma_wait3A_59 = tpu.memref_slice %arg5[%mul3A_54] : memref<5242880xf32, #tpu.memory_space<hbm>> -> memref<4096xf32, #tpu.memory_space<hbm>>
    %dma_wait3A_60 = tpu.memref_slice %arg5[%mul3A_54] : memref<5242880xf32, #tpu.memory_space<hbm>> -> memref<4096xf32, #tpu.memory_space<hbm>>
    %dma_wait3A_61 = arith.constant 0 : i32
    %dma_wait3A_62 = tpu.memref_slice %arg10[%dma_wait3A_55, %dma_wait3A_61] : memref<2x4096xf32, #tpu.memory_space<vmem>> -> memref<1x4096xf32, #tpu.memory_space<vmem>>
    %dma_wait3A_63 = tpu.memref_squeeze %dma_wait3A_62 : memref<1x4096xf32, #tpu.memory_space<vmem>> -> memref<4096xf32, #tpu.memory_space<vmem>>
    tpu.wait_dma2 semaphore(%arg14 : memref<!tpu.dma_semaphore, #tpu.memory_space<semaphore_mem>>) src(%dma_wait3A_63 : memref<4096xf32, #tpu.memory_space<vmem>>) dst(%dma_wait3A_60 : memref<4096xf32, #tpu.memory_space<hbm>>)
    %mul3A_64 = arith.constant 32 : i32
    %mul3A_65 = arith.muli %mul3A_10, %mul3A_64 : i32
    %dma_wait3A_66 = arith.constant 1 : i32
    %dma_wait3A_67 = arith.constant 0 : i32
    %dma_wait3A_68 = tpu.memref_slice %arg10[%dma_wait3A_66, %dma_wait3A_67] : memref<2x4096xf32, #tpu.memory_space<vmem>> -> memref<1x4096xf32, #tpu.memory_space<vmem>>
    %dma_wait3A_69 = tpu.memref_squeeze %dma_wait3A_68 : memref<1x4096xf32, #tpu.memory_space<vmem>> -> memref<4096xf32, #tpu.memory_space<vmem>>
    %dma_wait3A_70 = tpu.memref_slice %arg5[%mul3A_65] : memref<5242880xf32, #tpu.memory_space<hbm>> -> memref<4096xf32, #tpu.memory_space<hbm>>
    %dma_wait3A_71 = tpu.memref_slice %arg5[%mul3A_65] : memref<5242880xf32, #tpu.memory_space<hbm>> -> memref<4096xf32, #tpu.memory_space<hbm>>
    %dma_wait3A_72 = arith.constant 0 : i32
    %dma_wait3A_73 = tpu.memref_slice %arg10[%dma_wait3A_66, %dma_wait3A_72] : memref<2x4096xf32, #tpu.memory_space<vmem>> -> memref<1x4096xf32, #tpu.memory_space<vmem>>
    %dma_wait3A_74 = tpu.memref_squeeze %dma_wait3A_73 : memref<1x4096xf32, #tpu.memory_space<vmem>> -> memref<4096xf32, #tpu.memory_space<vmem>>
    tpu.wait_dma2 semaphore(%arg15 : memref<!tpu.dma_semaphore, #tpu.memory_space<semaphore_mem>>) src(%dma_wait3A_74 : memref<4096xf32, #tpu.memory_space<vmem>>) dst(%dma_wait3A_71 : memref<4096xf32, #tpu.memory_space<hbm>>)
    return
  }
}

module attributes {stable_mosaic.version = 14 : i64} {
  func.func @_proj_body(%arg0: i32, %arg1: memref<1000x256xf32, #tpu.memory_space<vmem>>, %arg2: memref<256x128xf32, #tpu.memory_space<vmem>>, %arg3: memref<1x128xf32, #tpu.memory_space<vmem>>, %arg4: memref<1000x128xf32, #tpu.memory_space<vmem>>) attributes {dimension_semantics = [#tpu.dimension_semantics<arbitrary>], iteration_bounds = array<i64: 10>, scalar_prefetch = 0 : i64, scratch_operands = 0 : i64, tpu.core_type = #tpu.core_type<tc>, window_params = [{transform_indices = @transform_0, window_bounds = array<i64: 1000, 256>}, {pipeline_mode = #tpu.pipeline_mode<synchronous>, transform_indices = @transform_1, window_bounds = array<i64: 256, 128>}, {pipeline_mode = #tpu.pipeline_mode<synchronous>, transform_indices = @transform_2, window_bounds = array<i64: 1, 128>}, {transform_indices = @transform_3, window_bounds = array<i64: 1000, 128>}]} {
    %get3A = arith.constant 0 : index
    %get3A_0 = arith.constant 0 : index
    %get3A_1 = vector.load %arg1[%get3A, %get3A_0] : memref<1000x256xf32, #tpu.memory_space<vmem>>, vector<1000x256xf32>
    %get3A_2 = arith.constant 0 : index
    %get3A_3 = arith.constant 0 : index
    %get3A_4 = vector.load %arg2[%get3A_2, %get3A_3] : memref<256x128xf32, #tpu.memory_space<vmem>>, vector<256x128xf32>
    %dot_general3A = arith.constant dense<0.000000e+00> : vector<1000x128xf32>
    %dot_general3A_5 = tpu.matmul %get3A_1, %get3A_4, %dot_general3A {dimension_numbers = #tpu.dot_dimension_numbers<[1], [0], [0], [1], [0, 0, 1, 1], [], []>, precision = #tpu.contract_precision<fp32>, transpose_lhs_hint = false} : vector<1000x256xf32>, vector<256x128xf32>, vector<1000x128xf32> -> vector<1000x128xf32>
    %get3A_6 = arith.constant 0 : index
    %get3A_7 = arith.constant 0 : index
    %get3A_8 = vector.load %arg3[%get3A_6, %get3A_7] : memref<1x128xf32, #tpu.memory_space<vmem>>, vector<1x128xf32>
    %add3A = vector.broadcast %get3A_8 : vector<1x128xf32> to vector<1000x128xf32>
    %add3A_9 = arith.addf %dot_general3A_5, %add3A : vector<1000x128xf32>
    %swap3A = arith.constant 0 : index
    %swap3A_10 = arith.constant 0 : index
    %swap3A_11 = vector.load %arg4[%swap3A, %swap3A_10] : memref<1000x128xf32, #tpu.memory_space<vmem>>, vector<1000x128xf32>
    tpu.vector_store %arg4[%swap3A, %swap3A_10], %add3A_9 {strides = array<i32>} : memref<1000x128xf32, #tpu.memory_space<vmem>>, vector<1000x128xf32>,
    return
  }
  func.func @transform_0(%arg0: i32) -> (i32, i32) {
    %c0_i32 = arith.constant 0 : i32
    %c0_i32_0 = arith.constant 0 : i32
    return %arg0, %c0_i32 : i32, i32
  }
  func.func @transform_1(%arg0: i32) -> (i32, i32) {
    %c0_i32 = arith.constant 0 : i32
    %c0_i32_0 = arith.constant 0 : i32
    %c0_i32_1 = arith.constant 0 : i32
    return %c0_i32, %c0_i32_0 : i32, i32
  }
  func.func @transform_2(%arg0: i32) -> (i32, i32) {
    %c0_i32 = arith.constant 0 : i32
    %c0_i32_0 = arith.constant 0 : i32
    %c0_i32_1 = arith.constant 0 : i32
    return %c0_i32, %c0_i32_0 : i32, i32
  }
  func.func @transform_3(%arg0: i32) -> (i32, i32) {
    %c0_i32 = arith.constant 0 : i32
    %c0_i32_0 = arith.constant 0 : i32
    return %arg0, %c0_i32 : i32, i32
  }
}

module attributes {stable_mosaic.version = 14 : i64} {
  func.func @_mlp_body(%arg0: i32, %arg1: memref<2000x128xf32, #tpu.memory_space<vmem>>, %arg2: memref<128x64xf32, #tpu.memory_space<vmem>>, %arg3: memref<1x64xf32, #tpu.memory_space<vmem>>, %arg4: memref<64x64xf32, #tpu.memory_space<vmem>>, %arg5: memref<1x64xf32, #tpu.memory_space<vmem>>, %arg6: memref<64x32xf32, #tpu.memory_space<vmem>>, %arg7: memref<1x32xf32, #tpu.memory_space<vmem>>, %arg8: memref<32x16xf32, #tpu.memory_space<vmem>>, %arg9: memref<1x16xf32, #tpu.memory_space<vmem>>, %arg10: memref<16x16xf32, #tpu.memory_space<vmem>>, %arg11: memref<2000x16xf32, #tpu.memory_space<vmem>>) attributes {dimension_semantics = [#tpu.dimension_semantics<arbitrary>], iteration_bounds = array<i64: 20>, scalar_prefetch = 0 : i64, scratch_operands = 0 : i64, tpu.core_type = #tpu.core_type<tc>, window_params = [{transform_indices = @transform_0, window_bounds = array<i64: 2000, 128>}, {pipeline_mode = #tpu.pipeline_mode<synchronous>, transform_indices = @transform_1, window_bounds = array<i64: 128, 64>}, {pipeline_mode = #tpu.pipeline_mode<synchronous>, transform_indices = @transform_2, window_bounds = array<i64: 1, 64>}, {pipeline_mode = #tpu.pipeline_mode<synchronous>, transform_indices = @transform_3, window_bounds = array<i64: 64, 64>}, {pipeline_mode = #tpu.pipeline_mode<synchronous>, transform_indices = @transform_4, window_bounds = array<i64: 1, 64>}, {pipeline_mode = #tpu.pipeline_mode<synchronous>, transform_indices = @transform_5, window_bounds = array<i64: 64, 32>}, {pipeline_mode = #tpu.pipeline_mode<synchronous>, transform_indices = @transform_6, window_bounds = array<i64: 1, 32>}, {pipeline_mode = #tpu.pipeline_mode<synchronous>, transform_indices = @transform_7, window_bounds = array<i64: 32, 16>}, {pipeline_mode = #tpu.pipeline_mode<synchronous>, transform_indices = @transform_8, window_bounds = array<i64: 1, 16>}, {pipeline_mode = #tpu.pipeline_mode<synchronous>, transform_indices = @transform_9, window_bounds = array<i64: 16, 16>}, {transform_indices = @transform_10, window_bounds = array<i64: 2000, 16>}]} {
    %get3A = arith.constant 0 : index
    %get3A_0 = arith.constant 0 : index
    %get3A_1 = vector.load %arg1[%get3A, %get3A_0] : memref<2000x128xf32, #tpu.memory_space<vmem>>, vector<2000x128xf32>
    %ge3A = arith.constant 0.000000e+00 : f32
    %ge3A_2 = vector.broadcast %ge3A : f32 to vector<2000x128xf32>
    %ge3A_3 = arith.cmpf oge, %get3A_1, %ge3A_2 : vector<2000x128xf32>
    %mul3A = arith.constant 1.000000e-01 : f32
    %mul3A_4 = vector.broadcast %mul3A : f32 to vector<2000x128xf32>
    %mul3A_5 = arith.mulf %mul3A_4, %get3A_1 : vector<2000x128xf32>
    %select_n3A = arith.select %ge3A_3, %get3A_1, %mul3A_5 : vector<2000x128xi1>, vector<2000x128xf32>
    %get3A_6 = arith.constant 0 : index
    %get3A_7 = arith.constant 0 : index
    %get3A_8 = vector.load %arg2[%get3A_6, %get3A_7] : memref<128x64xf32, #tpu.memory_space<vmem>>, vector<128x64xf32>
    %dot_general3A = arith.constant dense<0.000000e+00> : vector<2000x64xf32>
    %dot_general3A_9 = tpu.matmul %select_n3A, %get3A_8, %dot_general3A {dimension_numbers = #tpu.dot_dimension_numbers<[1], [0], [0], [1], [0, 0, 1, 1], [], []>, transpose_lhs_hint = false} : vector<2000x128xf32>, vector<128x64xf32>, vector<2000x64xf32> -> vector<2000x64xf32>
    %get3A_10 = arith.constant 0 : index
    %get3A_11 = arith.constant 0 : index
    %get3A_12 = vector.load %arg3[%get3A_10, %get3A_11] : memref<1x64xf32, #tpu.memory_space<vmem>>, vector<1x64xf32>
    %add3A = vector.broadcast %get3A_12 : vector<1x64xf32> to vector<2000x64xf32>
    %add3A_13 = arith.addf %dot_general3A_9, %add3A : vector<2000x64xf32>
    %ge3A_14 = arith.constant 0.000000e+00 : f32
    %ge3A_15 = vector.broadcast %ge3A_14 : f32 to vector<2000x64xf32>
    %ge3A_16 = arith.cmpf oge, %add3A_13, %ge3A_15 : vector<2000x64xf32>
    %mul3A_17 = arith.constant 1.000000e-01 : f32
    %mul3A_18 = vector.broadcast %mul3A_17 : f32 to vector<2000x64xf32>
    %mul3A_19 = arith.mulf %mul3A_18, %add3A_13 : vector<2000x64xf32>
    %select_n3A_20 = arith.select %ge3A_16, %add3A_13, %mul3A_19 : vector<2000x64xi1>, vector<2000x64xf32>
    %get3A_21 = arith.constant 0 : index
    %get3A_22 = arith.constant 0 : index
    %get3A_23 = vector.load %arg4[%get3A_21, %get3A_22] : memref<64x64xf32, #tpu.memory_space<vmem>>, vector<64x64xf32>
    %dot_general3A_24 = arith.constant dense<0.000000e+00> : vector<2000x64xf32>
    %dot_general3A_25 = tpu.matmul %select_n3A_20, %get3A_23, %dot_general3A_24 {dimension_numbers = #tpu.dot_dimension_numbers<[1], [0], [0], [1], [0, 0, 1, 1], [], []>, transpose_lhs_hint = false} : vector<2000x64xf32>, vector<64x64xf32>, vector<2000x64xf32> -> vector<2000x64xf32>
    %get3A_26 = arith.constant 0 : index
    %get3A_27 = arith.constant 0 : index
    %get3A_28 = vector.load %arg5[%get3A_26, %get3A_27] : memref<1x64xf32, #tpu.memory_space<vmem>>, vector<1x64xf32>
    %add3A_29 = vector.broadcast %get3A_28 : vector<1x64xf32> to vector<2000x64xf32>
    %add3A_30 = arith.addf %dot_general3A_25, %add3A_29 : vector<2000x64xf32>
    %ge3A_31 = arith.constant 0.000000e+00 : f32
    %ge3A_32 = vector.broadcast %ge3A_31 : f32 to vector<2000x64xf32>
    %ge3A_33 = arith.cmpf oge, %add3A_30, %ge3A_32 : vector<2000x64xf32>
    %mul3A_34 = arith.constant 1.000000e-01 : f32
    %mul3A_35 = vector.broadcast %mul3A_34 : f32 to vector<2000x64xf32>
    %mul3A_36 = arith.mulf %mul3A_35, %add3A_30 : vector<2000x64xf32>
    %select_n3A_37 = arith.select %ge3A_33, %add3A_30, %mul3A_36 : vector<2000x64xi1>, vector<2000x64xf32>
    %get3A_38 = arith.constant 0 : index
    %get3A_39 = arith.constant 0 : index
    %get3A_40 = vector.load %arg6[%get3A_38, %get3A_39] : memref<64x32xf32, #tpu.memory_space<vmem>>, vector<64x32xf32>
    %dot_general3A_41 = arith.constant dense<0.000000e+00> : vector<2000x32xf32>
    %dot_general3A_42 = tpu.matmul %select_n3A_37, %get3A_40, %dot_general3A_41 {dimension_numbers = #tpu.dot_dimension_numbers<[1], [0], [0], [1], [0, 0, 1, 1], [], []>, transpose_lhs_hint = false} : vector<2000x64xf32>, vector<64x32xf32>, vector<2000x32xf32> -> vector<2000x32xf32>
    %get3A_43 = arith.constant 0 : index
    %get3A_44 = arith.constant 0 : index
    %get3A_45 = vector.load %arg7[%get3A_43, %get3A_44] : memref<1x32xf32, #tpu.memory_space<vmem>>, vector<1x32xf32>
    %add3A_46 = vector.broadcast %get3A_45 : vector<1x32xf32> to vector<2000x32xf32>
    %add3A_47 = arith.addf %dot_general3A_42, %add3A_46 : vector<2000x32xf32>
    %ge3A_48 = arith.constant 0.000000e+00 : f32
    %ge3A_49 = vector.broadcast %ge3A_48 : f32 to vector<2000x32xf32>
    %ge3A_50 = arith.cmpf oge, %add3A_47, %ge3A_49 : vector<2000x32xf32>
    %mul3A_51 = arith.constant 1.000000e-01 : f32
    %mul3A_52 = vector.broadcast %mul3A_51 : f32 to vector<2000x32xf32>
    %mul3A_53 = arith.mulf %mul3A_52, %add3A_47 : vector<2000x32xf32>
    %select_n3A_54 = arith.select %ge3A_50, %add3A_47, %mul3A_53 : vector<2000x32xi1>, vector<2000x32xf32>
    %get3A_55 = arith.constant 0 : index
    %get3A_56 = arith.constant 0 : index
    %get3A_57 = vector.load %arg8[%get3A_55, %get3A_56] : memref<32x16xf32, #tpu.memory_space<vmem>>, vector<32x16xf32>
    %dot_general3A_58 = arith.constant dense<0.000000e+00> : vector<2000x16xf32>
    %dot_general3A_59 = tpu.matmul %select_n3A_54, %get3A_57, %dot_general3A_58 {dimension_numbers = #tpu.dot_dimension_numbers<[1], [0], [0], [1], [0, 0, 1, 1], [], []>, transpose_lhs_hint = false} : vector<2000x32xf32>, vector<32x16xf32>, vector<2000x16xf32> -> vector<2000x16xf32>
    %get3A_60 = arith.constant 0 : index
    %get3A_61 = arith.constant 0 : index
    %get3A_62 = vector.load %arg9[%get3A_60, %get3A_61] : memref<1x16xf32, #tpu.memory_space<vmem>>, vector<1x16xf32>
    %add3A_63 = vector.broadcast %get3A_62 : vector<1x16xf32> to vector<2000x16xf32>
    %add3A_64 = arith.addf %dot_general3A_59, %add3A_63 : vector<2000x16xf32>
    %exp3A = math.exp %add3A_64 : vector<2000x16xf32>
    %get3A_65 = arith.constant 0 : index
    %get3A_66 = arith.constant 0 : index
    %get3A_67 = vector.load %arg10[%get3A_65, %get3A_66] : memref<16x16xf32, #tpu.memory_space<vmem>>, vector<16x16xf32>
    %dot_general3A_68 = arith.constant dense<0.000000e+00> : vector<2000x16xf32>
    %dot_general3A_69 = tpu.matmul %exp3A, %get3A_67, %dot_general3A_68 {dimension_numbers = #tpu.dot_dimension_numbers<[1], [0], [0], [1], [0, 0, 1, 1], [], []>, transpose_lhs_hint = false} : vector<2000x16xf32>, vector<16x16xf32>, vector<2000x16xf32> -> vector<2000x16xf32>
    %div3A = arith.divf %exp3A, %dot_general3A_69 : vector<2000x16xf32>
    %swap3A = arith.constant 0 : index
    %swap3A_70 = arith.constant 0 : index
    %swap3A_71 = vector.load %arg11[%swap3A, %swap3A_70] : memref<2000x16xf32, #tpu.memory_space<vmem>>, vector<2000x16xf32>
    tpu.vector_store %arg11[%swap3A, %swap3A_70], %div3A {strides = array<i32>} : memref<2000x16xf32, #tpu.memory_space<vmem>>, vector<2000x16xf32>,
    return
  }
  func.func @transform_0(%arg0: i32) -> (i32, i32) {
    %c0_i32 = arith.constant 0 : i32
    %c0_i32_0 = arith.constant 0 : i32
    return %arg0, %c0_i32 : i32, i32
  }
  func.func @transform_1(%arg0: i32) -> (i32, i32) {
    %c0_i32 = arith.constant 0 : i32
    %c0_i32_0 = arith.constant 0 : i32
    %c0_i32_1 = arith.constant 0 : i32
    return %c0_i32, %c0_i32_0 : i32, i32
  }
  func.func @transform_2(%arg0: i32) -> (i32, i32) {
    %c0_i32 = arith.constant 0 : i32
    %c0_i32_0 = arith.constant 0 : i32
    %c0_i32_1 = arith.constant 0 : i32
    return %c0_i32, %c0_i32_0 : i32, i32
  }
  func.func @transform_3(%arg0: i32) -> (i32, i32) {
    %c0_i32 = arith.constant 0 : i32
    %c0_i32_0 = arith.constant 0 : i32
    %c0_i32_1 = arith.constant 0 : i32
    return %c0_i32, %c0_i32_0 : i32, i32
  }
  func.func @transform_4(%arg0: i32) -> (i32, i32) {
    %c0_i32 = arith.constant 0 : i32
    %c0_i32_0 = arith.constant 0 : i32
    %c0_i32_1 = arith.constant 0 : i32
    return %c0_i32, %c0_i32_0 : i32, i32
  }
  func.func @transform_5(%arg0: i32) -> (i32, i32) {
    %c0_i32 = arith.constant 0 : i32
    %c0_i32_0 = arith.constant 0 : i32
    %c0_i32_1 = arith.constant 0 : i32
    return %c0_i32, %c0_i32_0 : i32, i32
  }
  func.func @transform_6(%arg0: i32) -> (i32, i32) {
    %c0_i32 = arith.constant 0 : i32
    %c0_i32_0 = arith.constant 0 : i32
    %c0_i32_1 = arith.constant 0 : i32
    return %c0_i32, %c0_i32_0 : i32, i32
  }
  func.func @transform_7(%arg0: i32) -> (i32, i32) {
    %c0_i32 = arith.constant 0 : i32
    %c0_i32_0 = arith.constant 0 : i32
    %c0_i32_1 = arith.constant 0 : i32
    return %c0_i32, %c0_i32_0 : i32, i32
  }
  func.func @transform_8(%arg0: i32) -> (i32, i32) {
    %c0_i32 = arith.constant 0 : i32
    %c0_i32_0 = arith.constant 0 : i32
    %c0_i32_1 = arith.constant 0 : i32
    return %c0_i32, %c0_i32_0 : i32, i32
  }
  func.func @transform_9(%arg0: i32) -> (i32, i32) {
    %c0_i32 = arith.constant 0 : i32
    %c0_i32_0 = arith.constant 0 : i32
    %c0_i32_1 = arith.constant 0 : i32
    return %c0_i32, %c0_i32_0 : i32, i32
  }
  func.func @transform_10(%arg0: i32) -> (i32, i32) {
    %c0_i32 = arith.constant 0 : i32
    %c0_i32_0 = arith.constant 0 : i32
    return %arg0, %c0_i32 : i32, i32
  }
}

</mosaic_0001>

<sc_bundles>
// kernel: kernel.5.cloned.1.call-start
scs
__scs_entry_jumppad:
0x0: {  	(pc) =	sbr.rel $0x88, $3  }
0x1: {  	(tag) =	ssettag $0x0;
	lr =	simm.s32 $0x1  }
0x2: {  	[smem:$0x3F95] =	sst lr;
	_ =	strace $0xD0000000  }
0x3: {  	_ = 	snop  }
0x4: {  	_ = 	snop  }
0x5: {  	_ = 	snop  }
0x6: {  	_ = 	snop  }
0x7: {  	_ = 	snop  }
__scs_overlays_trampoline_lowered:
0x8: {  	[smem:$0x3FA4] =	sst s0  }
0x9: {  	[smem:$0x3FA5] =	sst s1  }
0xa: {  	[smem:$0x3FA6] =	sst s2  }
0xb: {  	[smem:$0x3FA7] =	sst s3  }
0xc: {  	[smem:$0x3FA8] =	sst s4  }
0xd: {  	[smem:$0x3FA9] =	sst s5  }
0xe: {  	[smem:$0x3FAA] =	sst s6  }
0xf: {  	[smem:$0x3FAB] =	sst s7  }
0x10: {  	[smem:$0x3FAC] =	sst s8  }
0x11: {  	[smem:$0x3FAD] =	sst s9;
	s0 =	simm.s32 @!p0 $0x0  }
0x12: {  	s1 =	sld [smem:$0x3F93];
	s0 =	simm.s32 @p0 $0x1  }
0x13: {  	[smem:$0x3FAE] =	sst s0;
	s0 =	simm.s32 @!p1 $0x0  }
0x14: {  	s2 =	sld [smem:$0x3F92];
	s0 =	simm.s32 @p1 $0x1  }
0x15: {  	[smem:$0x3FAF] =	sst s0;
	s0 =	simm.s32 @!p2 $0x0  }
0x16: {  	s3 =	sld [smem:$0x3FDB];
	s0 =	simm.s32 @p2 $0x1  }
0x17: {  	s4 =	simm.s32 $0x1BF5;
	[smem:$0x3FB1] =	sst s0  }
0x18: {  	s0 =	sld [smem:$0x3F94];
	_ =	swait.ge [sflag:s4], $0x0  }
0x19: {  	s7 =	sld [smem:$0x3F95]  }
0x1a: {  	s8 =	sadd.s32 $0xFFFFE003, lr  }
0x1b: {  	s9 =	sadd.s32 $0xFFFFFEF7, lr;
	s5 =	simm.s32 $0xFFFFFFFF;
	p2 =	slt.u32 s8, $0xFFFFF086  }
0x1c: {  	p1 =	slt.u32 s9, $0xF7A;
	s5 =	simm.s32 @!p2 $0x0  }
0x1d: {  	s5 =	simm.s32 @p1 $0x1;
	p0 =	seq.s32 s7, s2  }
0x1e: {  	s7 =	smul.u32 @!p0 $0xF7A, s2;
	p2 =	seq.s32 @!p0 s5, $0x0  }
0x1f: {  	s9 =	smul.u32 $0xF7A, s1;
	s8 =	simm.s32 @!p0 $0x1BF5;
	p2 =	por !p2, p0  }
0x20: {  	[sflag:s8] =	ssyncset.s32 @!p0 $0xFFFFF086;
	s6 =	sadd.s32 @!p0 s3, s7;
	s7 =	simm.s32 @!p0 $0x108  }
0x21: {  	s3 =	sadd.s32 s3, s9;
	s6 =	sadd.s32 @!p0 $0x88, s6;
	s7 =	simm.s32 @p2 $0x1082  }
0x22: {  	[simem:s7], [sflag:s8] =	dma.local @!p0 [hbm:s6], $0xF7A  }
0x23: {  	s9 =	sor.u32 $0xD0000000, s2;
	s6 =	simm.s32 $0x108;
	_ =	swait.ge @!p0 [sflag:s8], $0x0  }
0x24: {  	s3 =	sadd.s32 $0x88, s3;
	s6 =	simm.s32 @!p1 $0x1082;
	[sflag:s4] =	ssyncset.s32 $0xFFFFF086  }
0x25: {  	[simem:s6], [sflag:s4] =	dma.local [hbm:s3], $0xF7A  }
0x26: {  	[smem:$0x3F95] =	sst s1;
	(tag) =	ssettag s2;
	_ =	strace s9  }
0x27: {  	s1 =	sld [smem:$0x3FA5]  }
0x28: {  	s2 =	sld [smem:$0x3FA6]  }
0x29: {  	s4 =	sld [smem:$0x3FA8]  }
0x2a: {  	p0 =	seq.s32 s5, $0x0;
	s5 =	sld [smem:$0x3FA9]  }
0x2b: {  	s6 =	sld [smem:$0x3FAA]  }
0x2c: {  	s7 =	sld [smem:$0x3FAB]  }
0x2d: {  	s3 =	simm.s32 $0x108;
	s8 =	sld [smem:$0x3FAC]  }
0x2e: {  	s3 =	simm.s32 @!p0 $0x1082;
	s9 =	sld [smem:$0x3FAD]  }
0x2f: {  	lr =	sadd.s32 s0, s3;
	s0 =	sld [smem:$0x3FA4]  }
0x30: {  	s3 =	sld [smem:$0x3FA7]  }
0x31: {  	[smem:$0x3FB0] =	sst s10  }
0x32: {  	s10 =	sld [smem:$0x3FAE];
	_ =	sdelay $0x3  }
0x33: {  	p0 =	seq.s32 s10, $0x1;
	s10 =	sld [smem:$0x3FB0];
	_ =	sdelay $0x3  }
0x34: {  	[smem:$0x3FB0] =	sst s10  }
0x35: {  	s10 =	sld [smem:$0x3FAF];
	_ =	sdelay $0x3  }
0x36: {  	p1 =	seq.s32 s10, $0x1;
	s10 =	sld [smem:$0x3FB0];
	_ =	sdelay $0x3  }
0x37: {  	[smem:$0x3FB0] =	sst s10  }
0x38: {  	s10 =	sld [smem:$0x3FB1]  }
0x39: {  	_ = 	snop;
	(pc) =	sbr.ind lr, $3  }
0x3a: {  	_ = 	snop  }
0x3b: {  	_ = 	snop  }
0x3c: {  	p2 =	seq.s32 s10, $0x1;
	s10 =	sld [smem:$0x3FB0]  }
0x3d: {  	_ =	shalt  }
0x3e: {  	_ =	shalt  }
0x3f: {  	_ =	shalt  }
0x40: {  	_ =	shalt  }
0x41: {  	_ =	shalt  }
0x42: {  	_ =	shalt  }
0x43: {  	_ =	shalt  }
0x44: {  	_ =	shalt  }
0x45: {  	_ =	shalt  }
0x46: {  	_ =	shalt  }
0x47: {  	_ =	shalt  }
0x48: {  	_ =	shalt  }
0x49: {  	_ =	shalt  }
0x4a: {  	_ =	shalt  }
0x4b: {  	_ =	shalt  }
0x4c: {  	_ =	shalt  }
0x4d: {  	_ =	shalt  }
0x4e: {  	_ =	shalt  }
0x4f: {  	_ =	shalt  }
0x50: {  	_ =	shalt  }
0x51: {  	_ =	shalt  }
0x52: {  	_ =	shalt  }
0x53: {  	_ =	shalt  }
0x54: {  	_ =	shalt  }
0x55: {  	_ =	shalt  }
0x56: {  	_ =	shalt  }
0x57: {  	_ =	shalt  }
0x58: {  	_ =	shalt  }
0x59: {  	_ =	shalt  }
0x5a: {  	_ =	shalt  }
0x5b: {  	_ =	shalt  }
0x5c: {  	_ =	shalt  }
0x5d: {  	_ =	shalt  }
0x5e: {  	_ =	shalt  }
0x5f: {  	_ =	shalt  }
0x60: {  	_ =	shalt  }
0x61: {  	_ =	shalt  }
0x62: {  	_ =	shalt  }
0x63: {  	_ =	shalt  }
0x64: {  	_ =	shalt  }
0x65: {  	_ =	shalt  }
0x66: {  	_ =	shalt  }
0x67: {  	_ =	shalt  }
0x68: {  	_ =	shalt  }
0x69: {  	_ =	shalt  }
0x6a: {  	_ =	shalt  }
0x6b: {  	_ =	shalt  }
0x6c: {  	_ =	shalt  }
0x6d: {  	_ =	shalt  }
0x6e: {  	_ =	shalt  }
0x6f: {  	_ =	shalt  }
0x70: {  	_ =	shalt  }
0x71: {  	_ =	shalt  }
0x72: {  	_ =	shalt  }
0x73: {  	_ =	shalt  }
0x74: {  	_ =	shalt  }
0x75: {  	_ =	shalt  }
0x76: {  	_ =	shalt  }
0x77: {  	_ =	shalt  }
0x78: {  	_ =	shalt  }
0x79: {  	_ =	shalt  }
0x7a: {  	_ =	shalt  }
0x7b: {  	_ =	shalt  }
0x7c: {  	_ =	shalt  }
0x7d: {  	_ =	shalt  }
0x7e: {  	_ =	shalt  }
0x7f: {  	_ =	shalt  }
0x80: {  	_ =	shalt  }
0x81: {  	_ =	shalt  }
0x82: {  	_ =	shalt  }
0x83: {  	_ =	shalt  }
0x84: {  	_ =	shalt  }
0x85: {  	_ =	shalt  }
0x86: {  	_ =	shalt  }
0x87: {  	_ =	shalt  }
.Lfunc_end0:
.L_simem_size_0:
called_computation_lowered:
.L_overlay_start_0:
0x88: {  	s2 =	sld [smem:$0x3FD9]  }
0x89: {  	s3 =	sld [smem:$0x3FFE];
	_ =	sdelay $0x1  }
0x8a: {  	s1 =	srdreg.scid  }
0x8b: {  	s0 =	sand.u32 $0x1, s1  }
0x8c: {  	s17 =	sshll.u32 s0, $0xA;
	s2 =	sadd.s32 s3, s2  }
0x8d: {  	s2 =	sadd.s32 s2, s17  }
0x8e: {  	[smem:$0x3FBC] =	sst s2  }
0x8f: {  	_ = 	snop  }
0x90: {  	s2 =	sld [smem:$0x3FD0];
	(tm) =	ssettm $0x1  }
0x91: {  	s18 =	sld [smem:$0x3FFB];
	_ =	sdelay $0x3  }
0x92: {  	_ =	strace s18  }
0x93: {  	s3 =	sld [smem:$0x3FFC];
	_ =	sdelay $0x3  }
0x94: {  	_ =	strace s3  }
0x95: {  	s3 =	sld [smem:$0x3FFD];
	_ =	sdelay $0x3  }
0x96: {  	_ =	strace s3  }
0x97: {  	_ =	strace $0x8FFFFFFF  }
0x98: {  	s19 =	sld [smem:$0x3FDB];
	_ =	sdelay $0x1  }
0x99: {  	s4 =	simm.s32 $_scs_section_size  }
0x9a: {  	s5 =	simm.s32 $_size__tile_overlayer_lowered;
	s6 =	simm.s32 $_tile_overlayer_lowered  }
0x9b: {  	s22 =	simm.s32 $0x1BFF;
	s21 =	sshll.u32 s6, $0x1;
	s3 =	sadd.s32 s4, s19  }
0x9c: {  	s7 =	simm.s32 $0x0;
	s20 =	sshll.u32 s5, $0x1;
	s5 =	sadd.s32 s21, s3  }
0x9d: {  	[timem:s7], [sflag:s22] =	dma.local [hbm:s5], s20  }
0x9e: {  	_ =	swait.ge [sflag:s22], s20  }
0x9f: {  	s4 =	ssub.s32 $0x0, s20;
	[sflag:s22] =	ssyncset.done $0x0  }
0xa0: {  	[sflag:s22] =	ssyncadd.s32 s4;
	_ =	sdelay $0x1  }
0xa1: {  	s23 =	simm.s32 $0x1B8B  }
0xa2: {  	_ =	swait.ge [sflag:s23], $0x1  }
0xa3: {  	[sflag:s23] =	ssyncset.done $0x0  }
0xa4: {  	s25 =	simm.s32 $0x1B8E;
	s24 =	sld [smem:$0x3FFE];
	[sflag:s23] =	ssyncadd.s32 $0xFFFFFFFF  }
0xa5: {  	s26 =	simm.s32 $execute0_lowered;
	[smem:$0x3FD2] =	sst s25  }
0xa6: {  	s5 =	sshll.u32 s26, $0x1;
	_ =	strace $0x80000046;
	[dreg:$0x1] =	wrdreg $0xFFFFFFFF  }
0xa7: {  	s28 =	simm.s32 $_size_execute0_lowered;
	s3 =	sadd.s32 s3, s5;
	[dreg:$0x0] =	wrdreg $0x0  }
0xa8: {  	s5 =	sshll.u32 s28, $0x1;
	[dreg:$0x2] =	wrdreg s3  }
0xa9: {  	[dreg:$0x3] =	wrdreg s5  }
0xaa: {  	[dreg:$0x4] =	wrdreg $0xC0  }
0xab: {  	_ =	task [dreg:s7], $0x5FFFF  }
0xac: {  	[dreg:$0x1] =	wrdreg $0xFFFFFFFF  }
0xad: {  	[dreg:$0x0] =	wrdreg $0x60  }
0xae: {  	[dreg:$0x2] =	wrdreg s24  }
0xaf: {  	[dreg:$0x3] =	wrdreg s2  }
0xb0: {  	[dreg:$0x4] =	wrdreg $0x9  }
0xb1: {  	_ =	task.clear_ibuf [dreg:s7], $0x5FFFF;
	_ =	strace $0x90000046  }
0xb2: {  	s29 =	simm.s32 $0x9;
	_ =	strace $0x80000048  }
0xb3: {  	_ =	swait.ge [sflag:s29], $0x1  }
0xb4: {  	[sflag:s29] =	ssyncadd.s32 $0xFFFFFFFF  }
0xb5: {  	_ =	strace $0x90000048  }
0xb6: {  	_ =	sfence  }
0xb7: {  	s30 =	sld [smem:$0x0];
	_ =	sdelay $0x2  }
0xb8: {  	s31 =	sshll.u32 s1, $0xD;
	s1 =	sshrl.u32 s1, $0x2  }
0xb9: {  	s3 =	sand.u32 $0x4000, s31;
	s1 =	sadd.s32 s1, s30  }
0xba: {  	s0 =	sor.u32 s3, s0;
	s1 =	sshll.u32 s1, $0x11  }
0xbb: {  	s0 =	sor.u32 s1, s0  }
0xbc: {  	s0 =	sadd.s32 $0x8F2B, s0  }
0xbd: {  	[sflag:s0] =	ssyncadd.remote.s32 $0x1  }
0xbe: {  	_ =	sfence.sel $0xFFFF  }
0xbf: {  	[dreg:$0x0] =	wrdreg $0xFFFFFFFF;
	(pc) =	sbr.abs _section_cstart, $3  }
0xc0: {  	[dreg:$0x1] =	wrdreg $0xFFFFFFFF  }
0xc1: {  	_ =	task.clear_ibuf [dreg:s7], $0x2FFFF;
	_ =	strace $0x9FFFFFFF  }
0xc2: {  	(tm) =	ssettm $0x7FFFFFFF  }
0xc3: {  	_ =	shalt  }
tec
execute0_lowered:
.L_overlay_start_1:
0x0: {  	(tag) =	ssettag $0x1  }
0x1: {  	s4 =	rddreg [dreg:$0x0]  }
0x2: {  	s5 =	rddreg [dreg:$0x1]  }
0x3: {  	s0 =	stileid.u32;
	s3 =	srdreg.scid  }
0x4: {  	s1 =	rddreg [dreg:$0x2];
	s2 =	simm.s32 $0x0;
	s11 =	simm.s32 $0x2800  }
0x5: {  	s12 =	simm.s32 $0xA800;
	s13 =	simm.s32 $0x6800;
	s14 =	simm.s32 $0xE800  }
0x6: {  	s15 =	simm.s32 $0x2;
	s16 =	simm.s32 $0x3;
	s17 =	simm.s32 $0x4  }
0x7: {  	s18 =	simm.s32 $0x5;
	s19 =	simm.s32 $0x0;
	s6 =	smul.u32 $0x1400, s0  }
0x8: {  	s7 =	sand.u32 $0x1, s3;
	[smem:$0x7FF] =	sst s2;
	s3 =	sadd.s32 $0x5E00, s4  }
0x9: {  	p0 =	seq.s32 s7, $0x0;
	s7 =	ssub.s32 $0x2, s7;
	s8 =	sadd.s32 $0x14000, s6  }
0xa: {  	_ =	strace $0x80000047;
	s10 =	sshrl.u32 s7, $0x1;
	s8 =	smov.u32 @p0 s6  }
0xb: {  	s7 =	ssub.s32 s7, s10;
	s10 =	simm.s32 $0x80;
	s6 =	sshrl.u32 s8, $0x3  }
0xc: {  	s8 =	sshll.u32 s8, $0x2;
	s7 =	smax.u32 s7, $0x1;
	s9 =	sadd.s32 s6, s4  }
0xd: {  	s8 =	sadd.s32 s8, s4;
	s4 =	sadd.s32 s5, s6;
	s5 =	sadd.s32 $0xA00, s9  }
0xe: {  	s6 =	sadd.s32 $0x2D000, s8;
	s8 =	simm.s32 $0x1400;
	s9 =	simm.s32 $0x1  }
.LBB2_1:
0xf: {  	[tilespmem:s2], [sflag:$0x1] =	stream.linear.gather [hbm4b:s4+s2], $0x1400, $0x38;
	[tilespmem:$0x14800] =	vst v63  }
0x10: {  	_ = 	snop  }
0x11: {  	[tilespmem:s8], [sflag:$0x1] =	stream.linear.gather [hbm4b:s5+s2], $0x1400, $0x38;
	[tilespmem:$0x14800] =	vst v63  }
0x12: {  	_ =	swait.ge [sflag:s9], $0x1400  }
0x13: {  	[sflag:s9] =	ssyncset.done $0x0  }
0x14: {  	[sflag:s9] =	ssyncadd.s32 $0xFFFFEC00  }
0x15: {  	_ =	swait.ge [sflag:s9], $0x1400  }
0x16: {  	[sflag:s9] =	ssyncset.done $0x0  }
0x17: {  	[sflag:s9] =	ssyncadd.s32 $0xFFFFEC00  }
0x18: {  	[tilespmem:s11], [sflag:$0x2] =	stream.indirect.gather [hbm4b:s3+s10], $0x80, s2, s10, $0xb8;
	[tilespmem:$0x14800] =	vst v63  }
0x19: {  	s20 =	simm.s32 $0x0  }
0x1a: {  	[tilespmem:s12], [sflag:$0x2] =	stream.indirect.gather [hbm4b:s3+s10], $0x80, s8, s10, $0xb8;
	[tilespmem:$0x14800] =	vst v63  }
.LBB2_2:
0x1b: {  	s21 =	sshllo.u32 s20, $0x1  }
0x1c: {  	s22 =	sshll.u32 s21, $0x7  }
0x1d: {  	[tilespmem:s13], [sflag:$0x3] =	stream.indirect.gather [hbm4b:s3+s10], $0x80, s22, s10, $0xb8;
	[tilespmem:$0x14800] =	vst v63  }
0x1e: {  	s22 =	sadd.s32 $0x1400, s22  }
0x1f: {  	[tilespmem:s14], [sflag:$0x3] =	stream.indirect.gather [hbm4b:s3+s10], $0x80, s22, s10, $0xb8;
	[tilespmem:$0x14800] =	vst v63  }
0x20: {  	_ =	swait.ge [sflag:s15], $0x4000  }
0x21: {  	[sflag:s15] =	ssyncset.done $0x0  }
0x22: {  	[sflag:s15] =	ssyncadd.s32 $0xFFFFC000  }
0x23: {  	_ =	swait.ge [sflag:s15], $0x4000  }
0x24: {  	[sflag:s15] =	ssyncset.done $0x0  }
0x25: {  	s22 =	simm.s32 $0x0;
	[sflag:s15] =	ssyncadd.s32 $0xFFFFC000  }
0x26: {  	v0 =	vld [tilespmem:s22+$0x2800]  }
0x27: {  	v1 =	vld [tilespmem:s22+$0xA820];
	_ =	sdelay $0x4  }
0x28: {  	v0 =	vadd.f32 v1, v0  }
0x29: {  	s23 =	simm.s32 $0x12900  }
0x2a: {  	[tilespmem:s23+$0xFFFFFF00] =	vst v0  }
0x2b: {  	v0 =	vld [tilespmem:s22+$0x2810]  }
0x2c: {  	v1 =	vld [tilespmem:s22+$0xA830];
	_ =	sdelay $0x4  }
0x2d: {  	v0 =	vadd.f32 v1, v0;
	_ =	sdelay $0x1  }
0x2e: {  	[tilespmem:s23+$0xFFFFFF10] =	vst v0  }
0x2f: {  	v0 =	vld [tilespmem:s22+$0x2880]  }
0x30: {  	v1 =	vld [tilespmem:s22+$0xA8A0];
	_ =	sdelay $0x4  }
0x31: {  	v0 =	vadd.f32 v1, v0;
	_ =	sdelay $0x1  }
0x32: {  	[tilespmem:s23+$0xFFFFFF20] =	vst v0  }
0x33: {  	v0 =	vld [tilespmem:s22+$0x2890]  }
0x34: {  	v1 =	vld [tilespmem:s22+$0xA8B0];
	_ =	sdelay $0x4  }
0x35: {  	v0 =	vadd.f32 v1, v0;
	_ =	sdelay $0x1  }
0x36: {  	[tilespmem:s23+$0xFFFFFF30] =	vst v0  }
0x37: {  	v0 =	vld [tilespmem:s22+$0x2900]  }
0x38: {  	v1 =	vld [tilespmem:s22+$0xA920];
	_ =	sdelay $0x4  }
0x39: {  	v0 =	vadd.f32 v1, v0;
	_ =	sdelay $0x1  }
0x3a: {  	[tilespmem:s23+$0xFFFFFF40] =	vst v0  }
0x3b: {  	v0 =	vld [tilespmem:s22+$0x2910]  }
0x3c: {  	v1 =	vld [tilespmem:s22+$0xA930];
	_ =	sdelay $0x4  }
0x3d: {  	v0 =	vadd.f32 v1, v0;
	_ =	sdelay $0x1  }
0x3e: {  	[tilespmem:s23+$0xFFFFFF50] =	vst v0  }
0x3f: {  	v0 =	vld [tilespmem:s22+$0x2980]  }
0x40: {  	v1 =	vld [tilespmem:s22+$0xA9A0];
	_ =	sdelay $0x4  }
0x41: {  	v0 =	vadd.f32 v1, v0;
	_ =	sdelay $0x1  }
0x42: {  	[tilespmem:s23+$0xFFFFFF60] =	vst v0  }
0x43: {  	v0 =	vld [tilespmem:s22+$0x2990]  }
0x44: {  	v1 =	vld [tilespmem:s22+$0xA9B0];
	_ =	sdelay $0x4  }
0x45: {  	v0 =	vadd.f32 v1, v0;
	_ =	sdelay $0x1  }
0x46: {  	[tilespmem:s23+$0xFFFFFF70] =	vst v0  }
0x47: {  	v0 =	vld [tilespmem:s22+$0x2A00]  }
0x48: {  	v1 =	vld [tilespmem:s22+$0xAA20];
	_ =	sdelay $0x4  }
0x49: {  	v0 =	vadd.f32 v1, v0;
	_ =	sdelay $0x1  }
0x4a: {  	[tilespmem:s23+$0x0] =	vst v0  }
0x4b: {  	v0 =	vld [tilespmem:s22+$0x2A10]  }
0x4c: {  	v1 =	vld [tilespmem:s22+$0xAA30];
	_ =	sdelay $0x4  }
0x4d: {  	v0 =	vadd.f32 v1, v0;
	_ =	sdelay $0x1  }
0x4e: {  	[tilespmem:s23+$0x10] =	vst v0  }
0x4f: {  	v0 =	vld [tilespmem:s22+$0x2A80]  }
0x50: {  	v1 =	vld [tilespmem:s22+$0xAAA0];
	_ =	sdelay $0x4  }
0x51: {  	v0 =	vadd.f32 v1, v0;
	_ =	sdelay $0x1  }
0x52: {  	[tilespmem:s23+$0x20] =	vst v0  }
0x53: {  	v0 =	vld [tilespmem:s22+$0x2A90]  }
0x54: {  	v1 =	vld [tilespmem:s22+$0xAAB0];
	_ =	sdelay $0x4  }
0x55: {  	v0 =	vadd.f32 v1, v0;
	_ =	sdelay $0x1  }
0x56: {  	[tilespmem:s23+$0x30] =	vst v0  }
0x57: {  	v0 =	vld [tilespmem:s22+$0x2B00]  }
0x58: {  	v1 =	vld [tilespmem:s22+$0xAB20];
	_ =	sdelay $0x4  }
0x59: {  	v0 =	vadd.f32 v1, v0;
	_ =	sdelay $0x1  }
0x5a: {  	[tilespmem:s23+$0x40] =	vst v0  }
0x5b: {  	v0 =	vld [tilespmem:s22+$0x2B10]  }
0x5c: {  	v1 =	vld [tilespmem:s22+$0xAB30];
	_ =	sdelay $0x4  }
0x5d: {  	v0 =	vadd.f32 v1, v0;
	_ =	sdelay $0x1  }
0x5e: {  	[tilespmem:s23+$0x50] =	vst v0  }
0x5f: {  	s25 =	simm.s32 $0x1000;
	s24 =	simm.s32 $0x12900;
	v0 =	vld [tilespmem:s22+$0x2B80]  }
.LBB2_3:
0x60: {  	p0 =	sne.s32 s25, $0xF000  }
0x61: {  	v1 =	vld [tilespmem:s22+$0xABA0];
	s23 =	sadd.s32 $0x200, s23;
	s26 =	smov.u32 s25;
	s25 =	sadd.s32 $0x1000, s25  }
0x62: {  	_ =	sdelay $0x3  }
0x63: {  	v0 =	vadd.f32 v1, v0;
	_ =	sdelay $0x1  }
0x64: {  	[tilespmem:s24+$0x60] =	vst v0  }
0x65: {  	v0 =	vld [tilespmem:s22+$0x2B90]  }
0x66: {  	v1 =	vld [tilespmem:s22+$0xABB0];
	_ =	sdelay $0x4  }
0x67: {  	v0 =	vadd.f32 v1, v0;
	_ =	sdelay $0x1  }
0x68: {  	s22 =	sshra.s32 s26, $0x2;
	[tilespmem:s24+$0x70] =	vst v0;
	s24 =	smov.u32 s23  }
0x69: {  	v0 =	vld [tilespmem:s22+$0x2800]  }
0x6a: {  	v1 =	vld [tilespmem:s22+$0xA820];
	_ =	sdelay $0x4  }
0x6b: {  	v0 =	vadd.f32 v1, v0;
	_ =	sdelay $0x1  }
0x6c: {  	[tilespmem:s23+$0xFFFFFF00] =	vst v0  }
0x6d: {  	v0 =	vld [tilespmem:s22+$0x2810]  }
0x6e: {  	v1 =	vld [tilespmem:s22+$0xA830];
	_ =	sdelay $0x4  }
0x6f: {  	v0 =	vadd.f32 v1, v0;
	_ =	sdelay $0x1  }
0x70: {  	[tilespmem:s23+$0xFFFFFF10] =	vst v0  }
0x71: {  	v0 =	vld [tilespmem:s22+$0x2880]  }
0x72: {  	v1 =	vld [tilespmem:s22+$0xA8A0];
	_ =	sdelay $0x4  }
0x73: {  	v0 =	vadd.f32 v1, v0;
	_ =	sdelay $0x1  }
0x74: {  	[tilespmem:s23+$0xFFFFFF20] =	vst v0  }
0x75: {  	v0 =	vld [tilespmem:s22+$0x2890]  }
0x76: {  	v1 =	vld [tilespmem:s22+$0xA8B0];
	_ =	sdelay $0x4  }
0x77: {  	v0 =	vadd.f32 v1, v0;
	_ =	sdelay $0x1  }
0x78: {  	[tilespmem:s23+$0xFFFFFF30] =	vst v0  }
0x79: {  	v0 =	vld [tilespmem:s22+$0x2900]  }
0x7a: {  	v1 =	vld [tilespmem:s22+$0xA920];
	_ =	sdelay $0x4  }
0x7b: {  	v0 =	vadd.f32 v1, v0;
	_ =	sdelay $0x1  }
0x7c: {  	[tilespmem:s23+$0xFFFFFF40] =	vst v0  }
0x7d: {  	v0 =	vld [tilespmem:s22+$0x2910]  }
0x7e: {  	v1 =	vld [tilespmem:s22+$0xA930];
	_ =	sdelay $0x4  }
0x7f: {  	v0 =	vadd.f32 v1, v0;
	_ =	sdelay $0x1  }
0x80: {  	[tilespmem:s23+$0xFFFFFF50] =	vst v0  }
0x81: {  	v0 =	vld [tilespmem:s22+$0x2980]  }
0x82: {  	v1 =	vld [tilespmem:s22+$0xA9A0];
	_ =	sdelay $0x4  }
0x83: {  	v0 =	vadd.f32 v1, v0;
	_ =	sdelay $0x1  }
0x84: {  	[tilespmem:s23+$0xFFFFFF60] =	vst v0  }
0x85: {  	v0 =	vld [tilespmem:s22+$0x2990]  }
0x86: {  	v1 =	vld [tilespmem:s22+$0xA9B0];
	_ =	sdelay $0x4  }
0x87: {  	v0 =	vadd.f32 v1, v0;
	_ =	sdelay $0x1  }
0x88: {  	[tilespmem:s23+$0xFFFFFF70] =	vst v0  }
0x89: {  	v0 =	vld [tilespmem:s22+$0x2A00]  }
0x8a: {  	v1 =	vld [tilespmem:s22+$0xAA20];
	_ =	sdelay $0x4  }
0x8b: {  	v0 =	vadd.f32 v1, v0;
	_ =	sdelay $0x1  }
0x8c: {  	[tilespmem:s23+$0x0] =	vst v0  }
0x8d: {  	v0 =	vld [tilespmem:s22+$0x2A10]  }
0x8e: {  	v1 =	vld [tilespmem:s22+$0xAA30];
	_ =	sdelay $0x4  }
0x8f: {  	v0 =	vadd.f32 v1, v0;
	_ =	sdelay $0x1  }
0x90: {  	[tilespmem:s23+$0x10] =	vst v0  }
0x91: {  	v0 =	vld [tilespmem:s22+$0x2A80]  }
0x92: {  	v1 =	vld [tilespmem:s22+$0xAAA0];
	_ =	sdelay $0x4  }
0x93: {  	v0 =	vadd.f32 v1, v0;
	_ =	sdelay $0x1  }
0x94: {  	[tilespmem:s23+$0x20] =	vst v0  }
0x95: {  	v0 =	vld [tilespmem:s22+$0x2A90]  }
0x96: {  	v1 =	vld [tilespmem:s22+$0xAAB0];
	_ =	sdelay $0x4  }
0x97: {  	v0 =	vadd.f32 v1, v0;
	_ =	sdelay $0x1  }
0x98: {  	[tilespmem:s23+$0x30] =	vst v0  }
0x99: {  	v0 =	vld [tilespmem:s22+$0x2B00]  }
0x9a: {  	v1 =	vld [tilespmem:s22+$0xAB20];
	_ =	sdelay $0x4  }
0x9b: {  	v0 =	vadd.f32 v1, v0;
	_ =	sdelay $0x1  }
0x9c: {  	[tilespmem:s23+$0x40] =	vst v0  }
0x9d: {  	v0 =	vld [tilespmem:s22+$0x2B10]  }
0x9e: {  	v1 =	vld [tilespmem:s22+$0xAB30];
	_ =	sdelay $0x3  }
.Ltmp0:
0x9f: {  	(pc) =	sbr.rel @p0 .LBB2_3-.Ltmp0, $3  }
0xa0: {  	v0 =	vadd.f32 v1, v0;
	_ =	sdelay $0x1  }
0xa1: {  	[tilespmem:s23+$0x50] =	vst v0  }
0xa2: {  	v0 =	vld [tilespmem:s22+$0x2B80]  }
0xa3: {  	v1 =	vld [tilespmem:s22+$0xABA0];
	_ =	sdelay $0x4  }
0xa4: {  	v0 =	vadd.f32 v1, v0;
	_ =	sdelay $0x1  }
0xa5: {  	[tilespmem:s24+$0x60] =	vst v0  }
0xa6: {  	v0 =	vld [tilespmem:s22+$0x2B90]  }
0xa7: {  	v63 =	vld [tilespmem:s22+$0xABB0];
	_ =	sdelay $0x4  }
0xa8: {  	v0 =	vadd.f32 v63, v0  }
0xa9: {  	p0 =	seq.s32 s20, $0x0  }
0xaa: {  	s22 =	simm.s32 @!p0 $0x4;
	[tilespmem:s24+$0x70] =	vst v0  }
0xab: {  	_ =	swait.ge @!p0 [sflag:s22], $0x1000  }
0xac: {  	s23 =	sshll.u32 s20, $0xA;
	[sflag:s22] =	ssyncset.done @!p0 $0x0  }
0xad: {  	s25 =	simm.s32 $0x12900;
	[sflag:s22] =	ssyncadd.s32 @!p0 $0xFFFFF000;
	s22 =	sadd.s32 s23, s6  }
0xae: {  	s24 =	simm.s32 $0x10;
	s23 =	simm.s32 $0x12800;
	s26 =	sadd.s32 $0x0, s22  }
.LBB2_5:
0xaf: {  	[hbm4b:s26+s2] =	stream.linear.scatter [tilespmem:s23], [sflag:$0x4], $0x80, $0x38;
	[tilespmem:$0x14800] =	vst v63  }
0xb0: {  	s26 =	smov.u32 s24;
	s23 =	smov.u32 s25;
	p1 =	sne.s32 s24, $0x1F0  }
.Ltmp1:
0xb1: {  	s24 =	sadd.s32 $0x10, s24;
	(pc) =	sbr.rel @p1 .LBB2_5-.Ltmp1, $2  }
0xb2: {  	_ =	sdelay $0x2  }
0xb3: {  	s25 =	sadd.s32 $0x100, s25;
	s26 =	sadd.s32 s26, s22  }
0xb4: {  	[hbm4b:s26+s2] =	stream.linear.scatter [tilespmem:s23], [sflag:$0x4], $0x80, $0x38;
	[tilespmem:$0x14800] =	vst v63  }
0xb5: {  	p1 =	seq.s32 s20, $0x13  }
0xb6: {  	s22 =	sshll.u32 @!p1 s20, $0x8  }
0xb7: {  	s24 =	simm.s32 @!p1 $0x80;
	s25 =	simm.s32 @!p1 $0x2800;
	s23 =	sadd.s32 @!p1 $0x100, s22  }
0xb8: {  	[tilespmem:s25], [sflag:$0x2] =	stream.indirect.gather @!p1 [hbm4b:s3+s24], $0x80, s23, s24, $0xb8;
	[tilespmem:$0x14800] =	vst v63  }
0xb9: {  	s22 =	sadd.s32 @!p1 $0x1500, s22;
	s23 =	simm.s32 @!p1 $0xA800  }
0xba: {  	[tilespmem:s23], [sflag:$0x2] =	stream.indirect.gather @!p1 [hbm4b:s3+s24], $0x80, s22, s24, $0xb8;
	[tilespmem:$0x14800] =	vst v63  }
0xbb: {  	_ =	swait.ge [sflag:s16], $0x4000  }
0xbc: {  	[sflag:s16] =	ssyncset.done $0x0  }
0xbd: {  	[sflag:s16] =	ssyncadd.s32 $0xFFFFC000  }
0xbe: {  	_ =	swait.ge [sflag:s16], $0x4000  }
0xbf: {  	[sflag:s16] =	ssyncset.done $0x0  }
0xc0: {  	s22 =	simm.s32 $0x0;
	[sflag:s16] =	ssyncadd.s32 $0xFFFFC000  }
0xc1: {  	v0 =	vld [tilespmem:s22+$0x6800]  }
0xc2: {  	v1 =	vld [tilespmem:s22+$0xE820];
	_ =	sdelay $0x4  }
0xc3: {  	v0 =	vadd.f32 v1, v0  }
0xc4: {  	s23 =	simm.s32 $0x12980  }
0xc5: {  	[tilespmem:s23+$0xFFFFFF00] =	vst v0  }
0xc6: {  	v0 =	vld [tilespmem:s22+$0x6810]  }
0xc7: {  	v1 =	vld [tilespmem:s22+$0xE830];
	_ =	sdelay $0x4  }
0xc8: {  	v0 =	vadd.f32 v1, v0;
	_ =	sdelay $0x1  }
0xc9: {  	[tilespmem:s23+$0xFFFFFF10] =	vst v0  }
0xca: {  	v0 =	vld [tilespmem:s22+$0x6880]  }
0xcb: {  	v1 =	vld [tilespmem:s22+$0xE8A0];
	_ =	sdelay $0x4  }
0xcc: {  	v0 =	vadd.f32 v1, v0;
	_ =	sdelay $0x1  }
0xcd: {  	[tilespmem:s23+$0xFFFFFF20] =	vst v0  }
0xce: {  	v0 =	vld [tilespmem:s22+$0x6890]  }
0xcf: {  	v1 =	vld [tilespmem:s22+$0xE8B0];
	_ =	sdelay $0x4  }
0xd0: {  	v0 =	vadd.f32 v1, v0;
	_ =	sdelay $0x1  }
0xd1: {  	[tilespmem:s23+$0xFFFFFF30] =	vst v0  }
0xd2: {  	v0 =	vld [tilespmem:s22+$0x6900]  }
0xd3: {  	v1 =	vld [tilespmem:s22+$0xE920];
	_ =	sdelay $0x4  }
0xd4: {  	v0 =	vadd.f32 v1, v0;
	_ =	sdelay $0x1  }
0xd5: {  	[tilespmem:s23+$0xFFFFFF40] =	vst v0  }
0xd6: {  	v0 =	vld [tilespmem:s22+$0x6910]  }
0xd7: {  	v1 =	vld [tilespmem:s22+$0xE930];
	_ =	sdelay $0x4  }
0xd8: {  	v0 =	vadd.f32 v1, v0;
	_ =	sdelay $0x1  }
0xd9: {  	[tilespmem:s23+$0xFFFFFF50] =	vst v0  }
0xda: {  	v0 =	vld [tilespmem:s22+$0x6980]  }
0xdb: {  	v1 =	vld [tilespmem:s22+$0xE9A0];
	_ =	sdelay $0x4  }
0xdc: {  	v0 =	vadd.f32 v1, v0;
	_ =	sdelay $0x1  }
0xdd: {  	[tilespmem:s23+$0xFFFFFF60] =	vst v0  }
0xde: {  	v0 =	vld [tilespmem:s22+$0x6990]  }
0xdf: {  	v1 =	vld [tilespmem:s22+$0xE9B0];
	_ =	sdelay $0x4  }
0xe0: {  	v0 =	vadd.f32 v1, v0;
	_ =	sdelay $0x1  }
0xe1: {  	[tilespmem:s23+$0xFFFFFF70] =	vst v0  }
0xe2: {  	v0 =	vld [tilespmem:s22+$0x6A00]  }
0xe3: {  	v1 =	vld [tilespmem:s22+$0xEA20];
	_ =	sdelay $0x4  }
0xe4: {  	v0 =	vadd.f32 v1, v0;
	_ =	sdelay $0x1  }
0xe5: {  	[tilespmem:s23+$0x0] =	vst v0  }
0xe6: {  	v0 =	vld [tilespmem:s22+$0x6A10]  }
0xe7: {  	v1 =	vld [tilespmem:s22+$0xEA30];
	_ =	sdelay $0x4  }
0xe8: {  	v0 =	vadd.f32 v1, v0;
	_ =	sdelay $0x1  }
0xe9: {  	[tilespmem:s23+$0x10] =	vst v0  }
0xea: {  	v0 =	vld [tilespmem:s22+$0x6A80]  }
0xeb: {  	v1 =	vld [tilespmem:s22+$0xEAA0];
	_ =	sdelay $0x4  }
0xec: {  	v0 =	vadd.f32 v1, v0;
	_ =	sdelay $0x1  }
0xed: {  	[tilespmem:s23+$0x20] =	vst v0  }
0xee: {  	v0 =	vld [tilespmem:s22+$0x6A90]  }
0xef: {  	v1 =	vld [tilespmem:s22+$0xEAB0];
	_ =	sdelay $0x4  }
0xf0: {  	v0 =	vadd.f32 v1, v0;
	_ =	sdelay $0x1  }
0xf1: {  	[tilespmem:s23+$0x30] =	vst v0  }
0xf2: {  	v0 =	vld [tilespmem:s22+$0x6B00]  }
0xf3: {  	v1 =	vld [tilespmem:s22+$0xEB20];
	_ =	sdelay $0x4  }
0xf4: {  	v0 =	vadd.f32 v1, v0;
	_ =	sdelay $0x1  }
0xf5: {  	[tilespmem:s23+$0x40] =	vst v0  }
0xf6: {  	v0 =	vld [tilespmem:s22+$0x6B10]  }
0xf7: {  	v1 =	vld [tilespmem:s22+$0xEB30];
	_ =	sdelay $0x4  }
0xf8: {  	v0 =	vadd.f32 v1, v0;
	_ =	sdelay $0x1  }
0xf9: {  	[tilespmem:s23+$0x50] =	vst v0  }
0xfa: {  	s25 =	simm.s32 $0x1000;
	s24 =	simm.s32 $0x12980;
	v0 =	vld [tilespmem:s22+$0x6B80]  }
.LBB2_7:
0xfb: {  	p1 =	sne.s32 s25, $0xF000  }
0xfc: {  	v1 =	vld [tilespmem:s22+$0xEBA0];
	s23 =	sadd.s32 $0x200, s23;
	s26 =	smov.u32 s25;
	s25 =	sadd.s32 $0x1000, s25  }
0xfd: {  	_ =	sdelay $0x3  }
0xfe: {  	v0 =	vadd.f32 v1, v0;
	_ =	sdelay $0x1  }
0xff: {  	[tilespmem:s24+$0x60] =	vst v0  }
0x100: {  	v0 =	vld [tilespmem:s22+$0x6B90]  }
0x101: {  	v1 =	vld [tilespmem:s22+$0xEBB0];
	_ =	sdelay $0x4  }
0x102: {  	v0 =	vadd.f32 v1, v0;
	_ =	sdelay $0x1  }
0x103: {  	s22 =	sshra.s32 s26, $0x2;
	[tilespmem:s24+$0x70] =	vst v0;
	s24 =	smov.u32 s23  }
0x104: {  	v0 =	vld [tilespmem:s22+$0x6800]  }
0x105: {  	v1 =	vld [tilespmem:s22+$0xE820];
	_ =	sdelay $0x4  }
0x106: {  	v0 =	vadd.f32 v1, v0;
	_ =	sdelay $0x1  }
0x107: {  	[tilespmem:s23+$0xFFFFFF00] =	vst v0  }
0x108: {  	v0 =	vld [tilespmem:s22+$0x6810]  }
0x109: {  	v1 =	vld [tilespmem:s22+$0xE830];
	_ =	sdelay $0x4  }
0x10a: {  	v0 =	vadd.f32 v1, v0;
	_ =	sdelay $0x1  }
0x10b: {  	[tilespmem:s23+$0xFFFFFF10] =	vst v0  }
0x10c: {  	v0 =	vld [tilespmem:s22+$0x6880]  }
0x10d: {  	v1 =	vld [tilespmem:s22+$0xE8A0];
	_ =	sdelay $0x4  }
0x10e: {  	v0 =	vadd.f32 v1, v0;
	_ =	sdelay $0x1  }
0x10f: {  	[tilespmem:s23+$0xFFFFFF20] =	vst v0  }
0x110: {  	v0 =	vld [tilespmem:s22+$0x6890]  }
0x111: {  	v1 =	vld [tilespmem:s22+$0xE8B0];
	_ =	sdelay $0x4  }
0x112: {  	v0 =	vadd.f32 v1, v0;
	_ =	sdelay $0x1  }
0x113: {  	[tilespmem:s23+$0xFFFFFF30] =	vst v0  }
0x114: {  	v0 =	vld [tilespmem:s22+$0x6900]  }
0x115: {  	v1 =	vld [tilespmem:s22+$0xE920];
	_ =	sdelay $0x4  }
0x116: {  	v0 =	vadd.f32 v1, v0;
	_ =	sdelay $0x1  }
0x117: {  	[tilespmem:s23+$0xFFFFFF40] =	vst v0  }
0x118: {  	v0 =	vld [tilespmem:s22+$0x6910]  }
0x119: {  	v1 =	vld [tilespmem:s22+$0xE930];
	_ =	sdelay $0x4  }
0x11a: {  	v0 =	vadd.f32 v1, v0;
	_ =	sdelay $0x1  }
0x11b: {  	[tilespmem:s23+$0xFFFFFF50] =	vst v0  }
0x11c: {  	v0 =	vld [tilespmem:s22+$0x6980]  }
0x11d: {  	v1 =	vld [tilespmem:s22+$0xE9A0];
	_ =	sdelay $0x4  }
0x11e: {  	v0 =	vadd.f32 v1, v0;
	_ =	sdelay $0x1  }
0x11f: {  	[tilespmem:s23+$0xFFFFFF60] =	vst v0  }
0x120: {  	v0 =	vld [tilespmem:s22+$0x6990]  }
0x121: {  	v1 =	vld [tilespmem:s22+$0xE9B0];
	_ =	sdelay $0x4  }
0x122: {  	v0 =	vadd.f32 v1, v0;
	_ =	sdelay $0x1  }
0x123: {  	[tilespmem:s23+$0xFFFFFF70] =	vst v0  }
0x124: {  	v0 =	vld [tilespmem:s22+$0x6A00]  }
0x125: {  	v1 =	vld [tilespmem:s22+$0xEA20];
	_ =	sdelay $0x4  }
0x126: {  	v0 =	vadd.f32 v1, v0;
	_ =	sdelay $0x1  }
0x127: {  	[tilespmem:s23+$0x0] =	vst v0  }
0x128: {  	v0 =	vld [tilespmem:s22+$0x6A10]  }
0x129: {  	v1 =	vld [tilespmem:s22+$0xEA30];
	_ =	sdelay $0x4  }
0x12a: {  	v0 =	vadd.f32 v1, v0;
	_ =	sdelay $0x1  }
0x12b: {  	[tilespmem:s23+$0x10] =	vst v0  }
0x12c: {  	v0 =	vld [tilespmem:s22+$0x6A80]  }
0x12d: {  	v1 =	vld [tilespmem:s22+$0xEAA0];
	_ =	sdelay $0x4  }
0x12e: {  	v0 =	vadd.f32 v1, v0;
	_ =	sdelay $0x1  }
0x12f: {  	[tilespmem:s23+$0x20] =	vst v0  }
0x130: {  	v0 =	vld [tilespmem:s22+$0x6A90]  }
0x131: {  	v1 =	vld [tilespmem:s22+$0xEAB0];
	_ =	sdelay $0x4  }
0x132: {  	v0 =	vadd.f32 v1, v0;
	_ =	sdelay $0x1  }
0x133: {  	[tilespmem:s23+$0x30] =	vst v0  }
0x134: {  	v0 =	vld [tilespmem:s22+$0x6B00]  }
0x135: {  	v1 =	vld [tilespmem:s22+$0xEB20];
	_ =	sdelay $0x4  }
0x136: {  	v0 =	vadd.f32 v1, v0;
	_ =	sdelay $0x1  }
0x137: {  	[tilespmem:s23+$0x40] =	vst v0  }
0x138: {  	v0 =	vld [tilespmem:s22+$0x6B10]  }
0x139: {  	v1 =	vld [tilespmem:s22+$0xEB30];
	_ =	sdelay $0x3  }
.Ltmp2:
0x13a: {  	(pc) =	sbr.rel @p1 .LBB2_7-.Ltmp2, $3  }
0x13b: {  	v0 =	vadd.f32 v1, v0;
	_ =	sdelay $0x1  }
0x13c: {  	[tilespmem:s23+$0x50] =	vst v0  }
0x13d: {  	v0 =	vld [tilespmem:s22+$0x6B80]  }
0x13e: {  	v1 =	vld [tilespmem:s22+$0xEBA0];
	_ =	sdelay $0x4  }
0x13f: {  	v0 =	vadd.f32 v1, v0;
	_ =	sdelay $0x1  }
0x140: {  	[tilespmem:s24+$0x60] =	vst v0  }
0x141: {  	v0 =	vld [tilespmem:s22+$0x6B90]  }
0x142: {  	v63 =	vld [tilespmem:s22+$0xEBB0];
	_ =	sdelay $0x4  }
0x143: {  	v0 =	vadd.f32 v63, v0;
	_ =	sdelay $0x1  }
0x144: {  	s21 =	sshll.u32 s21, $0x9;
	s22 =	simm.s32 @!p0 $0x5;
	[tilespmem:s24+$0x70] =	vst v0  }
0x145: {  	s21 =	sadd.s32 s21, s6;
	_ =	swait.ge @!p0 [sflag:s22], $0x1000  }
0x146: {  	s23 =	simm.s32 $0x10;
	s25 =	sadd.s32 $0x0, s21;
	[sflag:s22] =	ssyncset.done @!p0 $0x0  }
0x147: {  	s24 =	simm.s32 $0x12980;
	[sflag:s22] =	ssyncadd.s32 @!p0 $0xFFFFF000;
	s22 =	simm.s32 $0x12880  }
.LBB2_9:
0x148: {  	[hbm4b:s25+s2] =	stream.linear.scatter [tilespmem:s22], [sflag:$0x5], $0x80, $0x38;
	[tilespmem:$0x14800] =	vst v63  }
0x149: {  	s25 =	smov.u32 s23;
	s22 =	smov.u32 s24;
	p0 =	sne.s32 s23, $0x1F0  }
.Ltmp3:
0x14a: {  	s23 =	sadd.s32 $0x10, s23;
	(pc) =	sbr.rel @p0 .LBB2_9-.Ltmp3, $2  }
0x14b: {  	_ =	sdelay $0x2  }
0x14c: {  	s24 =	sadd.s32 $0x100, s24;
	s25 =	sadd.s32 s25, s21  }
0x14d: {  	s20 =	sadd.s32 $0x1, s20  }
0x14e: {  	p0 =	sne.s32 s20, $0x14  }
.Ltmp4:
0x14f: {  	_ = 	snop;
	(pc) =	sbr.rel @p0 .LBB2_2-.Ltmp4, $2  }
0x150: {  	_ =	sdelay $0x2  }
0x151: {  	[hbm4b:s25+s2] =	stream.linear.scatter [tilespmem:s22], [sflag:$0x5], $0x80, $0x38;
	[tilespmem:$0x14800] =	vst v63  }
0x152: {  	s19 =	sadd.s32 $0x1, s19  }
0x153: {  	_ =	swait.ge [sflag:s17], $0x1000;
	p0 =	sne.s32 s19, s7  }
.Ltmp5:
0x154: {  	[sflag:s17] =	ssyncset.done $0x0;
	(pc) =	sbr.rel @p0 .LBB2_1-.Ltmp5, $4  }
0x155: {  	[sflag:s17] =	ssyncadd.s32 $0xFFFFF000  }
0x156: {  	_ =	swait.ge [sflag:s18], $0x1000  }
0x157: {  	[sflag:s18] =	ssyncset.done $0x0  }
0x158: {  	[sflag:s18] =	ssyncadd.s32 $0xFFFFF000  }
0x159: {  	_ =	sfence.sel $0x180000  }
0x15a: {  	[bflag:$0x0] =	sbarrier.arrive $0xFFFF  }
0x15b: {  	p0 =	sne.s32 s0, $0x0;
	_ =	strace $0x90000047  }
0x15c: {  	s0 =	sadd.s32 @!p0 $0x100000, s1;
	[bflag:$0x2] =	sbarrier.arrive $0xFFFF  }
0x15d: {  	[sflag:s0] =	ssyncadd.tile.s32 @!p0 $0x1;
	_ =	shalt  }
.Lfunc_end2:
_tile_overlayer_lowered:
.L_overlay_start_2:
0x15e: {  	(tag) =	ssettag $0x2  }
0x15f: {  	s0 =	rddreg [dreg:$0x0];
	s2 =	stileid.u32  }
0x160: {  	s1 =	rddreg [dreg:$0x1];
	p0 =	sne.s32 s2, $0x0  }
0x161: {  	s3 =	rddreg [dreg:$0x2];
	[bflag:$0x3] =	sbarrier.arrive $0xFFFF;
	s2 =	simm.s32 @!p0 $0x1C06  }
0x162: {  	[timem:s3], [sflag:s2] =	dma.local @!p0 [hbm:s0], s1  }
0x163: {  	s0 =	simm.s32 @!p0 $0x6  }
0x164: {  	_ =	swait.ge @!p0 [sflag:s0], s1  }
0x165: {  	s1 =	ssub.s32 @!p0 $0x0, s1;
	[sflag:s0] =	ssyncset.done @!p0 $0x0  }
0x166: {  	[sflag:s0] =	ssyncadd.s32 @!p0 s1  }
0x167: {  	[bflag:$0x3] =	sbarrier.arrive $0xFFFF  }
0x168: {  	_ =	shalt  }

</sc_bundles>
